<compile_context>
chip_gen: v7x
topology: tpu7x:2x2x1
jax: 0.10.2.dev20260603
libtpu: 0.0.44.dev20260713+nightly
codegen_flags: <defaults>
</compile_context>

<pallas_src>
import functools

import jax
import jax.numpy as jnp
from jax import lax
from jax.experimental import pallas as pl
from jax.experimental.pallas import tpu as pltpu
from jax.experimental.pallas import tpu_sc as plsc

_NC = 2
_NS = 16
_NW = _NC * _NS
_CH = 128
_GRP = 2 * _CH
_ALIGN = _NW * _GRP

_H = 128
_N_REG = 100000
_N_IMM = 50000
_N_MEM = 50000
_N_OPS = _N_REG + _N_IMM + _N_MEM


def _wid():
    return lax.axis_index("s") * _NC + lax.axis_index("c")


_DEPTH = 3


def _sc_gather_body(n_pad, table, idx, out, idx_v, rows_v, sems):
    b_per_w = n_pad // _NW
    n_groups = b_per_w // _GRP
    base = _wid() * b_per_w
    pltpu.sync_copy(idx.at[pl.ds(base, b_per_w)], idx_v)

    def fire(g, par):
        for b in range(2):
            pltpu.async_copy(
                table.at[idx_v.at[pl.ds(g * _GRP + b * _CH, _CH)]],
                rows_v.at[par].at[pl.ds(b * _CH, _CH)],
                sems.at[par])

    fire(0, 0)

    @pl.when(n_groups > 1)
    def _():
        fire(1, 1)

    def step(j, carry):
        par = lax.rem(j, _DEPTH)

        @pl.when(j + _DEPTH - 1 < n_groups)
        def _():
            fire(j + _DEPTH - 1, lax.rem(j + _DEPTH - 1, _DEPTH))

        pltpu.make_async_copy(out.at[pl.ds(0, _GRP)], rows_v.at[par],
                              sems.at[par]).wait()
        pltpu.sync_copy(rows_v.at[par], out.at[pl.ds(base + j * _GRP, _GRP)])
        return carry

    lax.fori_loop(0, n_groups, step, 0, unroll=False)


def _sc_gather(table, idx):
    n_pad = idx.shape[0]
    mesh = plsc.VectorSubcoreMesh(core_axis_name="c", subcore_axis_name="s")
    return pl.kernel(
        functools.partial(_sc_gather_body, n_pad),
        out_type=jax.ShapeDtypeStruct((n_pad, _H), jnp.float32),
        mesh=mesh,
        scratch_types=[
            pltpu.VMEM((n_pad // _NW,), jnp.int32),
            pltpu.VMEM((_DEPTH, _GRP, _H), jnp.float32),
            pltpu.SemaphoreType.DMA((_DEPTH,)),
        ],
    )(table, idx)


def _sc_compose_body(n, tab, idx, out, tab_v, idx_v, out_v):
    per_w = n // _NW
    base = _wid() * per_w
    pltpu.sync_copy(tab, tab_v)
    pltpu.sync_copy(idx.at[pl.ds(base, per_w)], idx_v)

    def step(k, carry):
        iv = idx_v[pl.ds(k * 16, 16)]
        out_v[pl.ds(k * 16, 16)] = plsc.load_gather(tab_v, [iv])
        return carry

    lax.fori_loop(0, per_w // 16, step, 0, unroll=False)
    pltpu.sync_copy(out_v, out.at[pl.ds(base, per_w)])


def _sc_compose(tab, idx):
    n = idx.shape[0]
    per_w = n // _NW
    mesh = plsc.VectorSubcoreMesh(core_axis_name="c", subcore_axis_name="s")
    return pl.kernel(
        functools.partial(_sc_compose_body, n),
        out_type=jax.ShapeDtypeStruct((n,), jnp.int32),
        mesh=mesh,
        scratch_types=[
            pltpu.VMEM((tab.shape[0],), jnp.int32),
            pltpu.VMEM((per_w,), jnp.int32),
            pltpu.VMEM((per_w,), jnp.int32),
        ],
        compiler_params=pltpu.CompilerParams(needs_layout_passes=False),
    )(tab, idx)


def _mlp_imm_kernel(x_ref, w1_ref, b1_ref, w2_ref, b2_ref, big_ref, small_ref):
    t = jnp.tanh(x_ref[pl.ds(pl.program_id(0), 1), :])
    o = lax.dot_general(t, w1_ref[...], (((0,), (0,)), ((), ())),
                        preferred_element_type=jnp.float32)
    h = jnp.maximum(o + b1_ref[...], 0.0)
    y = jnp.dot(h, w2_ref[...], preferred_element_type=jnp.float32) + b2_ref[...]
    big_ref[...] = y
    small_ref[...] = y


def _mlp1_kernel(x_ref, w1_ref, b1_ref, w2_ref, b2_ref, alias_ref, out_ref):
    h = jnp.maximum(
        jnp.dot(x_ref[...], w1_ref[...], preferred_element_type=jnp.float32)
        + b1_ref[...], 0.0)
    out_ref[...] = (
        jnp.dot(h, w2_ref[...], preferred_element_type=jnp.float32)
        + b2_ref[...])


def _mlp4_alias_kernel(x0, x1, x2, x3, w10, w11, w12, w13, b1_ref, w2_ref,
                       b2_ref, alias_ref, out_ref):
    acc = jnp.dot(x0[...], w10[...], preferred_element_type=jnp.float32)
    acc += jnp.dot(x1[...], w11[...], preferred_element_type=jnp.float32)
    acc += jnp.dot(x2[...], w12[...], preferred_element_type=jnp.float32)
    acc += jnp.dot(x3[...], w13[...], preferred_element_type=jnp.float32)
    h = jnp.maximum(acc + b1_ref[...], 0.0)
    out_ref[...] = (
        jnp.dot(h, w2_ref[...], preferred_element_type=jnp.float32)
        + b2_ref[...])


def _mlp5_kernel(x0, x1, x2, x3, x4, w10, w11, w12, w13, w14, b1_ref, w2_ref,
                 b2_ref, out_ref):
    acc = jnp.dot(x0[...], w10[...], preferred_element_type=jnp.float32)
    acc += jnp.dot(x1[...], w11[...], preferred_element_type=jnp.float32)
    acc += jnp.dot(x2[...], w12[...], preferred_element_type=jnp.float32)
    acc += jnp.dot(x3[...], w13[...], preferred_element_type=jnp.float32)
    acc += jnp.dot(x4[...], w14[...], preferred_element_type=jnp.float32)
    h = jnp.maximum(acc + b1_ref[...], 0.0)
    y = (jnp.dot(h, w2_ref[...], preferred_element_type=jnp.float32)
         + b2_ref[...])
    out_ref[...] = y.reshape(out_ref.shape)


def _full(shape):
    return pl.BlockSpec(shape, lambda i: tuple(0 for _ in shape))


def _off_spec(shape, off):
    return pl.BlockSpec(shape, functools.partial(lambda o, i: (i + o, 0), off))


def _spread(n, mod):
    return jnp.arange(n, dtype=jnp.int32) * 37 % jnp.int32(mod)


def kernel(imm, regs, mem_reg0, mem_reg1, mem_imm0, mem_imm1, mnemic,
           mnemic_idx, operand_idx, emb, W_imm1, b_imm1, W_imm2, b_imm2,
           W_reg1, b_reg1, W_reg2, b_reg2, W_mem1, b_mem1, W_mem2, b_mem2,
           W_ins1, b_ins1, W_ins2, b_ins2):
    f32 = jnp.float32
    i32 = jnp.int32
    B, S = mnemic_idx.shape
    n_ins = B * S

    regs = regs.astype(i32)
    mnemic = mnemic.astype(i32)
    mn_idx_flat = mnemic_idx.astype(i32).reshape(-1)
    opi = operand_idx.astype(i32)

    b1_imm = b_imm1.reshape(1, _H)
    b2_imm = b_imm2.reshape(1, _H)
    b1_reg = b_reg1.reshape(1, _H)
    b2_reg = b_reg2.reshape(1, _H)
    b1_mem = b_mem1.reshape(1, _H)
    b2_mem = b_mem2.reshape(1, _H)
    b1_ins = b_ins1.reshape(1, _H)
    b2_ins = b_ins2.reshape(1, _H)

    mn_emb_idx = _sc_compose(mnemic, mn_idx_flat)
    reg_idx = jnp.concatenate([regs, _spread(106496 - _N_REG, emb.shape[0])])
    reg_rows = _sc_gather(emb, reg_idx)

    R = 2000

    imm_row = imm.reshape(_N_IMM // R, R)
    buf0, op_imm = pl.pallas_call(
        _mlp_imm_kernel,
        grid=(_N_IMM // R,),
        in_specs=[
            _full((_N_IMM // R, R)),
            _full((1, _H)), _full((1, _H)), _full((_H, _H)), _full((1, _H)),
        ],
        out_specs=[
            _off_spec((R, _H), _N_REG // R),
            _off_spec((R, _H), 0),
        ],
        out_shape=[
            jax.ShapeDtypeStruct((_N_OPS, _H), f32),
            jax.ShapeDtypeStruct((_N_IMM, _H), f32),
        ],
    )(imm_row, W_imm1, b1_imm, W_imm2, b2_imm)

    _MSL = 52000
    _MPAD = 106496

    def _mem_idx(a0, a1, mod):
        return jnp.concatenate([
            a0.astype(i32), _spread(_MSL - _N_MEM, mod),
            a1.astype(i32), _spread(_MPAD - _MSL - _N_MEM, mod)])

    icat = _sc_gather(op_imm, _mem_idx(mem_imm0, mem_imm1, _N_IMM))
    rcat = _sc_gather(reg_rows, _mem_idx(mem_reg0, mem_reg1, _N_REG))

    mn_rows = _sc_gather(emb, mn_emb_idx)

    buf1 = pl.pallas_call(
        _mlp1_kernel,
        grid=(_N_REG // R,),
        in_specs=[
            _off_spec((R, _H), 0),
            _full((_H, _H)), _full((1, _H)), _full((_H, _H)), _full((1, _H)),
            pl.BlockSpec(memory_space=pl.ANY),
        ],
        out_specs=_off_spec((R, _H), 0),
        out_shape=jax.ShapeDtypeStruct((_N_OPS, _H), f32),
        input_output_aliases={5: 0},
    )(reg_rows, W_reg1, b1_reg, W_reg2, b2_reg, buf0)

    operands = pl.pallas_call(
        _mlp4_alias_kernel,
        grid=(_N_MEM // R,),
        in_specs=[
            _off_spec((R, _H), 0),
            _off_spec((R, _H), _MSL // R),
            _off_spec((R, _H), 0),
            _off_spec((R, _H), _MSL // R),
            _full((_H, _H)), _full((_H, _H)), _full((_H, _H)),
            _full((_H, _H)), _full((1, _H)), _full((_H, _H)),
            _full((1, _H)),
            pl.BlockSpec(memory_space=pl.ANY),
        ],
        out_specs=_off_spec((R, _H), (_N_REG + _N_IMM) // R),
        out_shape=jax.ShapeDtypeStruct((_N_OPS, _H), f32),
        input_output_aliases={11: 0},
    )(rcat, rcat, icat, icat, W_mem1[:_H], W_mem1[_H:2 * _H],
      W_mem1[2 * _H:3 * _H], W_mem1[3 * _H:], b1_mem, W_mem2, b2_mem, buf1)

    idx_q = opi.transpose(2, 0, 1).reshape(-1)
    ops_rows = _sc_gather(operands, idx_q)

    BB = 128
    RB = BB * S
    out = pl.pallas_call(
        _mlp5_kernel,
        grid=(n_ins // RB,),
        in_specs=[
            _off_spec((RB, _H), 0),
            _off_spec((RB, _H), 0),
            _off_spec((RB, _H), n_ins // RB),
            _off_spec((RB, _H), 2 * (n_ins // RB)),
            _off_spec((RB, _H), 3 * (n_ins // RB)),
            _full((_H, _H)), _full((_H, _H)), _full((_H, _H)),
            _full((_H, _H)), _full((_H, _H)),
            _full((1, _H)), _full((_H, _H)), _full((1, _H)),
        ],
        out_specs=pl.BlockSpec((BB, S, _H), lambda i: (i, 0, 0)),
        out_shape=jax.ShapeDtypeStruct((B, S, _H), f32),
    )(mn_rows, ops_rows, ops_rows, ops_rows, ops_rows,
      W_ins1[:_H], W_ins1[_H:2 * _H], W_ins1[2 * _H:3 * _H],
      W_ins1[3 * _H:4 * _H], W_ins1[4 * _H:], b1_ins, W_ins2, b2_ins)

    return out

# --- scband reference (transcript-rebuilt; emitter-appended) ---
"""Pipeline reference for scband-instruction-embedding-1666447311064 (READ-ONLY COPY).

The authoritative reference and input builder live on the scoring server;
editing this copy changes nothing except your own understanding.
"""

import jax, jax.numpy as jnp
import numpy as np

V, H = 100000, 128
N_IMM, N_REG, N_MEM, M = 50000, 100000, 50000, 50000
B, S = 4096, 20


def _dense2(x, W1, b1, W2, b2):
    h = jax.nn.relu(x @ W1 + b1)
    return h @ W2 + b2


def setup_inputs(seed: int = 0) -> dict:
    key = jax.random.key(seed)
    ks = jax.random.split(key, 32)
    inp = {}
    inp['imm'] = jax.random.normal(ks[0], (N_IMM, 1), dtype=jnp.float32)
    inp['regs'] = jax.random.randint(ks[1], (N_REG,), 0, V, dtype=jnp.int64) if jax.config.jax_enable_x64 else jax.random.randint(ks[1], (N_REG,), 0, V)
    inp['mem_reg0'] = jax.random.randint(ks[2], (N_MEM,), 0, N_REG)
    inp['mem_reg1'] = jax.random.randint(ks[3], (N_MEM,), 0, N_REG)
    inp['mem_imm0'] = jax.random.randint(ks[4], (N_MEM,), 0, N_IMM)
    inp['mem_imm1'] = jax.random.randint(ks[5], (N_MEM,), 0, N_IMM)
    inp['mnemic'] = jax.random.randint(ks[6], (M,), 0, V)
    inp['mnemic_idx'] = jax.random.randint(ks[7], (B, S), 0, M)
    inp['operand_idx'] = jax.random.randint(ks[8], (B, S, 4), 0, N_REG + N_IMM + N_MEM)
    s = 0.02
    inp['emb'] = jax.random.normal(ks[9], (V, H), dtype=jnp.float32)
    inp['W_imm1'] = jax.random.normal(ks[10], (1, H), dtype=jnp.float32) * s
    inp['b_imm1'] = jnp.zeros((H,), dtype=jnp.float32)
    inp['W_imm2'] = jax.random.normal(ks[11], (H, H), dtype=jnp.float32) * s
    inp['b_imm2'] = jnp.zeros((H,), dtype=jnp.float32)
    inp['W_reg1'] = jax.random.normal(ks[12], (H, H), dtype=jnp.float32) * s
    inp['b_reg1'] = jnp.zeros((H,), dtype=jnp.float32)
    inp['W_reg2'] = jax.random.normal(ks[13], (H, H), dtype=jnp.float32) * s
    inp['b_reg2'] = jnp.zeros((H,), dtype=jnp.float32)
    inp['W_mem1'] = jax.random.normal(ks[14], (4 * H, H), dtype=jnp.float32) * s
    inp['b_mem1'] = jnp.zeros((H,), dtype=jnp.float32)
    inp['W_mem2'] = jax.random.normal(ks[15], (H, H), dtype=jnp.float32) * s
    inp['b_mem2'] = jnp.zeros((H,), dtype=jnp.float32)
    inp['W_ins1'] = jax.random.normal(ks[16], (5 * H, H), dtype=jnp.float32) * s
    inp['b_ins1'] = jnp.zeros((H,), dtype=jnp.float32)
    inp['W_ins2'] = jax.random.normal(ks[17], (H, H), dtype=jnp.float32) * s
    inp['b_ins2'] = jnp.zeros((H,), dtype=jnp.float32)
    return inp


def reference(imm, regs, mem_reg0, mem_reg1, mem_imm0, mem_imm1, mnemic, mnemic_idx, operand_idx, emb, W_imm1, b_imm1, W_imm2, b_imm2, W_reg1, b_reg1, W_reg2, b_reg2, W_mem1, b_mem1, W_mem2, b_mem2, W_ins1, b_ins1, W_ins2, b_ins2):
    # step 1: token embeddings
    imm_t = jnp.tanh(imm)
    regs_emb = jnp.take(emb, regs, axis=0)
    # step 2: operand embeddings
    op_reg = _dense2(regs_emb, W_reg1, b_reg1, W_reg2, b_reg2)
    op_imm = _dense2(imm_t, W_imm1, b_imm1, W_imm2, b_imm2)
    # x86 memory operand: [reg, reg, imm, imm]
    mem_cat = jnp.concatenate([
        jnp.take(regs_emb, mem_reg0, axis=0),
        jnp.take(regs_emb, mem_reg1, axis=0),
        jnp.take(op_imm, mem_imm0, axis=0),
        jnp.take(op_imm, mem_imm1, axis=0),
    ], axis=-1)
    op_mem = _dense2(mem_cat, W_mem1, b_mem1, W_mem2, b_mem2)
    operands = jnp.concatenate([op_reg, op_imm, op_mem], axis=0)
    # step 3: instruction embedding
    mn = jnp.take(emb, mnemic, axis=0)
    mn_g = jnp.take(mn, mnemic_idx, axis=0)
    ops_g = jnp.take(operands, operand_idx, axis=0).reshape(mnemic_idx.shape[0], mnemic_idx.shape[1], -1)
    ins = jnp.concatenate([mn_g, ops_g], axis=-1)
    return _dense2(ins, W_ins1, b_ins1, W_ins2, b_ins2)

if __name__ == "__main__":
    import jax
    _d = setup_inputs()
    print(jax.jit(kernel)(*tuple(_d.values())))

</pallas_src>

<mosaic_0001>
#map = affine_map<(d0, d1) -> (0)>
module attributes {stable_mosaic.version = 14 : i64} {
  func.func @_sc_compose_body(%arg0: i32, %arg1: i32, %arg2: memref<50000xi32, #tpu.memory_space<hbm>>, %arg3: memref<81920xi32, #tpu.memory_space<hbm>>, %arg4: memref<81920xi32, #tpu.memory_space<hbm>>, %arg5: memref<50000xi32, #tpu.memory_space<vmem>>, %arg6: memref<2560xi32, #tpu.memory_space<vmem>>, %arg7: memref<2560xi32, #tpu.memory_space<vmem>>) attributes {dimension_semantics = [#tpu.dimension_semantics<core_parallel>, #tpu.dimension_semantics<subcore_parallel>], iteration_bounds = array<i64: 2, 16>, scalar_prefetch = 0 : i64, scratch_operands = 3 : i64, tpu.core_type = #tpu.core_type<sc_vector_subcore>, window_params = [{transform_indices = #map}, {transform_indices = #map}, {transform_indices = #map}]} {
    %mul3A = arith.constant 2 : i32
    %mul3A_0 = arith.muli %arg1, %mul3A : i32
    %add3A = arith.addi %mul3A_0, %arg0 : i32
    %mul3A_1 = arith.constant 2560 : i32
    %mul3A_2 = arith.muli %add3A, %mul3A_1 : i32
    "tpu.region"() ({
      %run_scoped3A = tpu.sem_alloc : memref<!tpu.dma_semaphore, #tpu.memory_space<semaphore_mem>>
      tpu.enqueue_dma source(%arg2 : memref<50000xi32, #tpu.memory_space<hbm>>) target(%arg5 : memref<50000xi32, #tpu.memory_space<vmem>>) target_semaphore(%run_scoped3A : memref<!tpu.dma_semaphore, #tpu.memory_space<semaphore_mem>>)
      tpu.wait_dma2 semaphore(%run_scoped3A : memref<!tpu.dma_semaphore, #tpu.memory_space<semaphore_mem>>) src(%arg2 : memref<50000xi32, #tpu.memory_space<hbm>>) dst(%arg5 : memref<50000xi32, #tpu.memory_space<vmem>>)
      tpu.yield
    }) : () -> ()
    "tpu.region"() ({
      %run_scoped3A = tpu.sem_alloc : memref<!tpu.dma_semaphore, #tpu.memory_space<semaphore_mem>>
      %dma_start3A = tpu.memref_slice %arg3[%mul3A_2] : memref<81920xi32, #tpu.memory_space<hbm>> -> memref<2560xi32, #tpu.memory_space<hbm>>
      %dma_start3A_8 = tpu.memref_slice %arg3[%mul3A_2] : memref<81920xi32, #tpu.memory_space<hbm>> -> memref<2560xi32, #tpu.memory_space<hbm>>
      tpu.enqueue_dma source(%dma_start3A_8 : memref<2560xi32, #tpu.memory_space<hbm>>) target(%arg6 : memref<2560xi32, #tpu.memory_space<vmem>>) target_semaphore(%run_scoped3A : memref<!tpu.dma_semaphore, #tpu.memory_space<semaphore_mem>>)
      %dma_wait3A = tpu.memref_slice %arg3[%mul3A_2] : memref<81920xi32, #tpu.memory_space<hbm>> -> memref<2560xi32, #tpu.memory_space<hbm>>
      %dma_wait3A_9 = tpu.memref_slice %arg3[%mul3A_2] : memref<81920xi32, #tpu.memory_space<hbm>> -> memref<2560xi32, #tpu.memory_space<hbm>>
      tpu.wait_dma2 semaphore(%run_scoped3A : memref<!tpu.dma_semaphore, #tpu.memory_space<semaphore_mem>>) src(%dma_wait3A_9 : memref<2560xi32, #tpu.memory_space<hbm>>) dst(%arg6 : memref<2560xi32, #tpu.memory_space<vmem>>)
      tpu.yield
    }) : () -> ()
    %scan3A = arith.constant 0 : i32
    %scan3A_3 = arith.constant 0 : i32
    %scan3A_4 = arith.constant 160 : i32
    %scan3A_5 = arith.addi %scan3A_3, %scan3A_4 : i32
    %scan3A_6 = arith.constant 1 : i32
    scf.for %scan3A_8 = %scan3A_3 to %scan3A_5 step %scan3A_6  : i32 {
      %mul3A_9 = arith.constant 16 : i32
      %mul3A_10 = arith.muli %scan3A_8, %mul3A_9 : i32
      %get3A = arith.index_cast %mul3A_10 : i32 to index
      %get3A_11 = tpu.vector_load %arg6[%get3A] {strides = array<i32>} : memref<2560xi32, #tpu.memory_space<vmem>>, vector<16xi32>,
      %gather3A = tpu.vector_load_idx %arg5[%get3A_11] : memref<50000xi32, #tpu.memory_space<vmem>>[vector<16xi32>], vector<16xi32>,
      %mul3A_12 = arith.constant 16 : i32
      %mul3A_13 = arith.muli %scan3A_8, %mul3A_12 : i32
      %swap3A = arith.index_cast %mul3A_13 : i32 to index
      %swap3A_14 = tpu.vector_load %arg7[%swap3A] {strides = array<i32>} : memref<2560xi32, #tpu.memory_space<vmem>>, vector<16xi32>,
      tpu.vector_store %arg7[%swap3A], %gather3A {strides = array<i32>} : memref<2560xi32, #tpu.memory_space<vmem>>, vector<16xi32>,
    }
    %scan3A_7 = arith.constant 160 : i32
    "tpu.region"() ({
      %run_scoped3A = tpu.sem_alloc : memref<!tpu.dma_semaphore, #tpu.memory_space<semaphore_mem>>
      %dma_start3A = tpu.memref_slice %arg4[%mul3A_2] : memref<81920xi32, #tpu.memory_space<hbm>> -> memref<2560xi32, #tpu.memory_space<hbm>>
      %dma_start3A_8 = tpu.memref_slice %arg4[%mul3A_2] : memref<81920xi32, #tpu.memory_space<hbm>> -> memref<2560xi32, #tpu.memory_space<hbm>>
      tpu.enqueue_dma source(%arg7 : memref<2560xi32, #tpu.memory_space<vmem>>) target(%dma_start3A_8 : memref<2560xi32, #tpu.memory_space<hbm>>) target_semaphore(%run_scoped3A : memref<!tpu.dma_semaphore, #tpu.memory_space<semaphore_mem>>)
      %dma_wait3A = tpu.memref_slice %arg4[%mul3A_2] : memref<81920xi32, #tpu.memory_space<hbm>> -> memref<2560xi32, #tpu.memory_space<hbm>>
      %dma_wait3A_9 = tpu.memref_slice %arg4[%mul3A_2] : memref<81920xi32, #tpu.memory_space<hbm>> -> memref<2560xi32, #tpu.memory_space<hbm>>
      tpu.wait_dma2 semaphore(%run_scoped3A : memref<!tpu.dma_semaphore, #tpu.memory_space<semaphore_mem>>) src(%arg7 : memref<2560xi32, #tpu.memory_space<vmem>>) dst(%dma_wait3A_9 : memref<2560xi32, #tpu.memory_space<hbm>>)
      tpu.yield
    }) : () -> ()
    return
  }
}

#map = affine_map<(d0, d1) -> (0, 0)>
#map1 = affine_map<(d0, d1) -> (0)>
module attributes {stable_mosaic.version = 14 : i64} {
  func.func @_sc_gather_body(%arg0: i32, %arg1: i32, %arg2: memref<50000x128xf32, #tpu.memory_space<hbm>>, %arg3: memref<106496xi32, #tpu.memory_space<hbm>>, %arg4: memref<106496x128xf32, #tpu.memory_space<hbm>>, %arg5: memref<3328xi32, #tpu.memory_space<vmem>>, %arg6: memref<3x256x128xf32, #tpu.memory_space<vmem>>, %arg7: memref<3x!tpu.dma_semaphore, #tpu.memory_space<semaphore_mem>>) attributes {dimension_semantics = [#tpu.dimension_semantics<core_parallel>, #tpu.dimension_semantics<subcore_parallel>], iteration_bounds = array<i64: 2, 16>, scalar_prefetch = 0 : i64, scratch_operands = 3 : i64, tpu.core_type = #tpu.core_type<sc_vector_subcore>, window_params = [{transform_indices = #map}, {transform_indices = #map1}, {transform_indices = #map}]} {
    %mul3A = arith.constant 2 : i32
    %mul3A_0 = arith.muli %arg1, %mul3A : i32
    %add3A = arith.addi %mul3A_0, %arg0 : i32
    %mul3A_1 = arith.constant 3328 : i32
    %mul3A_2 = arith.muli %add3A, %mul3A_1 : i32
    "tpu.region"() ({
      %run_scoped3A = tpu.sem_alloc : memref<!tpu.dma_semaphore, #tpu.memory_space<semaphore_mem>>
      %dma_start3A_71 = tpu.memref_slice %arg3[%mul3A_2] : memref<106496xi32, #tpu.memory_space<hbm>> -> memref<3328xi32, #tpu.memory_space<hbm>>
      %dma_start3A_72 = tpu.memref_slice %arg3[%mul3A_2] : memref<106496xi32, #tpu.memory_space<hbm>> -> memref<3328xi32, #tpu.memory_space<hbm>>
      tpu.enqueue_dma source(%dma_start3A_72 : memref<3328xi32, #tpu.memory_space<hbm>>) target(%arg5 : memref<3328xi32, #tpu.memory_space<vmem>>) target_semaphore(%run_scoped3A : memref<!tpu.dma_semaphore, #tpu.memory_space<semaphore_mem>>)
      %dma_wait3A = tpu.memref_slice %arg3[%mul3A_2] : memref<106496xi32, #tpu.memory_space<hbm>> -> memref<3328xi32, #tpu.memory_space<hbm>>
      %dma_wait3A_73 = tpu.memref_slice %arg3[%mul3A_2] : memref<106496xi32, #tpu.memory_space<hbm>> -> memref<3328xi32, #tpu.memory_space<hbm>>
      tpu.wait_dma2 semaphore(%run_scoped3A : memref<!tpu.dma_semaphore, #tpu.memory_space<semaphore_mem>>) src(%dma_wait3A_73 : memref<3328xi32, #tpu.memory_space<hbm>>) dst(%arg5 : memref<3328xi32, #tpu.memory_space<vmem>>)
      tpu.yield
    }) : () -> ()
    %dma_start3A = arith.constant 0 : i32
    %dma_start3A_3 = arith.constant 0 : i32
    %dma_start3A_4 = arith.constant 0 : i32
    %dma_start3A_5 = arith.constant 0 : i32
    %dma_start3A_6 = tpu.memref_slice %arg6[%dma_start3A, %dma_start3A_4, %dma_start3A_5] : memref<3x256x128xf32, #tpu.memory_space<vmem>> -> memref<1x256x128xf32, #tpu.memory_space<vmem>>
    %dma_start3A_7 = tpu.memref_squeeze %dma_start3A_6 : memref<1x256x128xf32, #tpu.memory_space<vmem>> -> memref<256x128xf32, #tpu.memory_space<vmem>>
    %dma_start3A_8 = arith.constant 0 : i32
    %dma_start3A_9 = arith.constant 0 : i32
    %dma_start3A_10 = tpu.memref_slice %dma_start3A_7[%dma_start3A_8, %dma_start3A_9] : memref<256x128xf32, #tpu.memory_space<vmem>> -> memref<128x128xf32, #tpu.memory_space<vmem>>
    %dma_start3A_11 = arith.constant 0 : i32
    %dma_start3A_12 = tpu.memref_slice %arg5[%dma_start3A_11] : memref<3328xi32, #tpu.memory_space<vmem>> -> memref<128xi32, #tpu.memory_space<vmem>>
    %dma_start3A_13 = arith.constant 0 : i32
    %dma_start3A_14 = arith.constant 0 : i32
    %dma_start3A_15 = tpu.memref_slice %arg2[%dma_start3A_13, %dma_start3A_14] : memref<50000x128xf32, #tpu.memory_space<hbm>> -> memref<50000x128xf32, #tpu.memory_space<hbm>>
    %dma_start3A_16 = tpu.memref_slice %arg7[%dma_start3A_3] : memref<3x!tpu.dma_semaphore, #tpu.memory_space<semaphore_mem>> -> memref<1x!tpu.dma_semaphore, #tpu.memory_space<semaphore_mem>>
    %dma_start3A_17 = tpu.memref_squeeze %dma_start3A_16 : memref<1x!tpu.dma_semaphore, #tpu.memory_space<semaphore_mem>> -> memref<!tpu.dma_semaphore, #tpu.memory_space<semaphore_mem>>
    tpu.enqueue_indirect_dma source(%dma_start3A_15 : memref<50000x128xf32, #tpu.memory_space<hbm>>) target(%dma_start3A_10 : memref<128x128xf32, #tpu.memory_space<vmem>>) offsets(%dma_start3A_12 : memref<128xi32, #tpu.memory_space<vmem>>) semaphore(%dma_start3A_17 : memref<!tpu.dma_semaphore, #tpu.memory_space<semaphore_mem>>)
    %dma_start3A_18 = arith.constant 0 : i32
    %dma_start3A_19 = arith.constant 0 : i32
    %dma_start3A_20 = arith.constant 0 : i32
    %dma_start3A_21 = arith.constant 0 : i32
    %dma_start3A_22 = tpu.memref_slice %arg6[%dma_start3A_18, %dma_start3A_20, %dma_start3A_21] : memref<3x256x128xf32, #tpu.memory_space<vmem>> -> memref<1x256x128xf32, #tpu.memory_space<vmem>>
    %dma_start3A_23 = tpu.memref_squeeze %dma_start3A_22 : memref<1x256x128xf32, #tpu.memory_space<vmem>> -> memref<256x128xf32, #tpu.memory_space<vmem>>
    %dma_start3A_24 = arith.constant 128 : i32
    %dma_start3A_25 = arith.constant 0 : i32
    %dma_start3A_26 = tpu.memref_slice %dma_start3A_23[%dma_start3A_24, %dma_start3A_25] : memref<256x128xf32, #tpu.memory_space<vmem>> -> memref<128x128xf32, #tpu.memory_space<vmem>>
    %dma_start3A_27 = arith.constant 128 : i32
    %dma_start3A_28 = tpu.memref_slice %arg5[%dma_start3A_27] : memref<3328xi32, #tpu.memory_space<vmem>> -> memref<128xi32, #tpu.memory_space<vmem>>
    %dma_start3A_29 = arith.constant 0 : i32
    %dma_start3A_30 = arith.constant 0 : i32
    %dma_start3A_31 = tpu.memref_slice %arg2[%dma_start3A_29, %dma_start3A_30] : memref<50000x128xf32, #tpu.memory_space<hbm>> -> memref<50000x128xf32, #tpu.memory_space<hbm>>
    %dma_start3A_32 = tpu.memref_slice %arg7[%dma_start3A_19] : memref<3x!tpu.dma_semaphore, #tpu.memory_space<semaphore_mem>> -> memref<1x!tpu.dma_semaphore, #tpu.memory_space<semaphore_mem>>
    %dma_start3A_33 = tpu.memref_squeeze %dma_start3A_32 : memref<1x!tpu.dma_semaphore, #tpu.memory_space<semaphore_mem>> -> memref<!tpu.dma_semaphore, #tpu.memory_space<semaphore_mem>>
    tpu.enqueue_indirect_dma source(%dma_start3A_31 : memref<50000x128xf32, #tpu.memory_space<hbm>>) target(%dma_start3A_26 : memref<128x128xf32, #tpu.memory_space<vmem>>) offsets(%dma_start3A_28 : memref<128xi32, #tpu.memory_space<vmem>>) semaphore(%dma_start3A_33 : memref<!tpu.dma_semaphore, #tpu.memory_space<semaphore_mem>>)
    %dma_start3A_34 = arith.constant 1 : i32
    %dma_start3A_35 = arith.constant 1 : i32
    %dma_start3A_36 = arith.constant 0 : i32
    %dma_start3A_37 = arith.constant 0 : i32
    %dma_start3A_38 = tpu.memref_slice %arg6[%dma_start3A_34, %dma_start3A_36, %dma_start3A_37] : memref<3x256x128xf32, #tpu.memory_space<vmem>> -> memref<1x256x128xf32, #tpu.memory_space<vmem>>
    %dma_start3A_39 = tpu.memref_squeeze %dma_start3A_38 : memref<1x256x128xf32, #tpu.memory_space<vmem>> -> memref<256x128xf32, #tpu.memory_space<vmem>>
    %dma_start3A_40 = arith.constant 0 : i32
    %dma_start3A_41 = arith.constant 0 : i32
    %dma_start3A_42 = tpu.memref_slice %dma_start3A_39[%dma_start3A_40, %dma_start3A_41] : memref<256x128xf32, #tpu.memory_space<vmem>> -> memref<128x128xf32, #tpu.memory_space<vmem>>
    %dma_start3A_43 = arith.constant 256 : i32
    %dma_start3A_44 = tpu.memref_slice %arg5[%dma_start3A_43] : memref<3328xi32, #tpu.memory_space<vmem>> -> memref<128xi32, #tpu.memory_space<vmem>>
    %dma_start3A_45 = arith.constant 0 : i32
    %dma_start3A_46 = arith.constant 0 : i32
    %dma_start3A_47 = tpu.memref_slice %arg2[%dma_start3A_45, %dma_start3A_46] : memref<50000x128xf32, #tpu.memory_space<hbm>> -> memref<50000x128xf32, #tpu.memory_space<hbm>>
    %dma_start3A_48 = tpu.memref_slice %arg7[%dma_start3A_35] : memref<3x!tpu.dma_semaphore, #tpu.memory_space<semaphore_mem>> -> memref<1x!tpu.dma_semaphore, #tpu.memory_space<semaphore_mem>>
    %dma_start3A_49 = tpu.memref_squeeze %dma_start3A_48 : memref<1x!tpu.dma_semaphore, #tpu.memory_space<semaphore_mem>> -> memref<!tpu.dma_semaphore, #tpu.memory_space<semaphore_mem>>
    tpu.enqueue_indirect_dma source(%dma_start3A_47 : memref<50000x128xf32, #tpu.memory_space<hbm>>) target(%dma_start3A_42 : memref<128x128xf32, #tpu.memory_space<vmem>>) offsets(%dma_start3A_44 : memref<128xi32, #tpu.memory_space<vmem>>) semaphore(%dma_start3A_49 : memref<!tpu.dma_semaphore, #tpu.memory_space<semaphore_mem>>)
    %dma_start3A_50 = arith.constant 1 : i32
    %dma_start3A_51 = arith.constant 1 : i32
    %dma_start3A_52 = arith.constant 0 : i32
    %dma_start3A_53 = arith.constant 0 : i32
    %dma_start3A_54 = tpu.memref_slice %arg6[%dma_start3A_50, %dma_start3A_52, %dma_start3A_53] : memref<3x256x128xf32, #tpu.memory_space<vmem>> -> memref<1x256x128xf32, #tpu.memory_space<vmem>>
    %dma_start3A_55 = tpu.memref_squeeze %dma_start3A_54 : memref<1x256x128xf32, #tpu.memory_space<vmem>> -> memref<256x128xf32, #tpu.memory_space<vmem>>
    %dma_start3A_56 = arith.constant 128 : i32
    %dma_start3A_57 = arith.constant 0 : i32
    %dma_start3A_58 = tpu.memref_slice %dma_start3A_55[%dma_start3A_56, %dma_start3A_57] : memref<256x128xf32, #tpu.memory_space<vmem>> -> memref<128x128xf32, #tpu.memory_space<vmem>>
    %dma_start3A_59 = arith.constant 384 : i32
    %dma_start3A_60 = tpu.memref_slice %arg5[%dma_start3A_59] : memref<3328xi32, #tpu.memory_space<vmem>> -> memref<128xi32, #tpu.memory_space<vmem>>
    %dma_start3A_61 = arith.constant 0 : i32
    %dma_start3A_62 = arith.constant 0 : i32
    %dma_start3A_63 = tpu.memref_slice %arg2[%dma_start3A_61, %dma_start3A_62] : memref<50000x128xf32, #tpu.memory_space<hbm>> -> memref<50000x128xf32, #tpu.memory_space<hbm>>
    %dma_start3A_64 = tpu.memref_slice %arg7[%dma_start3A_51] : memref<3x!tpu.dma_semaphore, #tpu.memory_space<semaphore_mem>> -> memref<1x!tpu.dma_semaphore, #tpu.memory_space<semaphore_mem>>
    %dma_start3A_65 = tpu.memref_squeeze %dma_start3A_64 : memref<1x!tpu.dma_semaphore, #tpu.memory_space<semaphore_mem>> -> memref<!tpu.dma_semaphore, #tpu.memory_space<semaphore_mem>>
    tpu.enqueue_indirect_dma source(%dma_start3A_63 : memref<50000x128xf32, #tpu.memory_space<hbm>>) target(%dma_start3A_58 : memref<128x128xf32, #tpu.memory_space<vmem>>) offsets(%dma_start3A_60 : memref<128xi32, #tpu.memory_space<vmem>>) semaphore(%dma_start3A_65 : memref<!tpu.dma_semaphore, #tpu.memory_space<semaphore_mem>>)
    %scan3A = arith.constant 0 : i32
    %scan3A_66 = arith.constant 0 : i32
    %scan3A_67 = arith.constant 13 : i32
    %scan3A_68 = arith.addi %scan3A_66, %scan3A_67 : i32
    %scan3A_69 = arith.constant 1 : i32
    scf.for %scan3A_71 = %scan3A_66 to %scan3A_68 step %scan3A_69  : i32 {
      %rem3A = arith.constant 3 : i32
      %rem3A_72 = arith.remsi %scan3A_71, %rem3A : i32
      %add3A_73 = arith.constant 3 : i32
      %add3A_74 = arith.addi %scan3A_71, %add3A_73 : i32
      %sub3A = arith.constant 1 : i32
      %sub3A_75 = arith.subi %add3A_74, %sub3A : i32
      %lt3A = arith.constant 13 : i32
      %lt3A_76 = arith.cmpi slt, %sub3A_75, %lt3A : i32
      %convert_element_type3A = arith.extui %lt3A_76 : i1 to i32
      %cond3A = arith.constant 0 : i32
      %cond3A_77 = arith.cmpi ne, %convert_element_type3A, %cond3A : i32
      scf.if %cond3A_77 {
        %add3A_96 = arith.constant 3 : i32
        %add3A_97 = arith.addi %scan3A_71, %add3A_96 : i32
        %sub3A_98 = arith.constant 1 : i32
        %sub3A_99 = arith.subi %add3A_97, %sub3A_98 : i32
        %add3A_100 = arith.constant 3 : i32
        %add3A_101 = arith.addi %scan3A_71, %add3A_100 : i32
        %sub3A_102 = arith.constant 1 : i32
        %sub3A_103 = arith.subi %add3A_101, %sub3A_102 : i32
        %rem3A_104 = arith.constant 3 : i32
        %rem3A_105 = arith.remsi %sub3A_103, %rem3A_104 : i32
        %mul3A_106 = arith.constant 256 : i32
        %mul3A_107 = arith.muli %sub3A_99, %mul3A_106 : i32
        %add3A_108 = arith.constant 0 : i32
        %add3A_109 = arith.addi %mul3A_107, %add3A_108 : i32
        %dma_start3A_110 = arith.constant 0 : i32
        %dma_start3A_111 = arith.constant 0 : i32
        %dma_start3A_112 = tpu.memref_slice %arg6[%rem3A_105, %dma_start3A_110, %dma_start3A_111] : memref<3x256x128xf32, #tpu.memory_space<vmem>> -> memref<1x256x128xf32, #tpu.memory_space<vmem>>
        %dma_start3A_113 = tpu.memref_squeeze %dma_start3A_112 : memref<1x256x128xf32, #tpu.memory_space<vmem>> -> memref<256x128xf32, #tpu.memory_space<vmem>>
        %dma_start3A_114 = arith.constant 0 : i32
        %dma_start3A_115 = arith.constant 0 : i32
        %dma_start3A_116 = tpu.memref_slice %dma_start3A_113[%dma_start3A_114, %dma_start3A_115] : memref<256x128xf32, #tpu.memory_space<vmem>> -> memref<128x128xf32, #tpu.memory_space<vmem>>
        %dma_start3A_117 = tpu.memref_slice %arg5[%add3A_109] : memref<3328xi32, #tpu.memory_space<vmem>> -> memref<128xi32, #tpu.memory_space<vmem>>
        %dma_start3A_118 = arith.constant 0 : i32
        %dma_start3A_119 = arith.constant 0 : i32
        %dma_start3A_120 = tpu.memref_slice %arg2[%dma_start3A_118, %dma_start3A_119] : memref<50000x128xf32, #tpu.memory_space<hbm>> -> memref<50000x128xf32, #tpu.memory_space<hbm>>
        %dma_start3A_121 = tpu.memref_slice %arg7[%rem3A_105] : memref<3x!tpu.dma_semaphore, #tpu.memory_space<semaphore_mem>> -> memref<1x!tpu.dma_semaphore, #tpu.memory_space<semaphore_mem>>
        %dma_start3A_122 = tpu.memref_squeeze %dma_start3A_121 : memref<1x!tpu.dma_semaphore, #tpu.memory_space<semaphore_mem>> -> memref<!tpu.dma_semaphore, #tpu.memory_space<semaphore_mem>>
        tpu.enqueue_indirect_dma source(%dma_start3A_120 : memref<50000x128xf32, #tpu.memory_space<hbm>>) target(%dma_start3A_116 : memref<128x128xf32, #tpu.memory_space<vmem>>) offsets(%dma_start3A_117 : memref<128xi32, #tpu.memory_space<vmem>>) semaphore(%dma_start3A_122 : memref<!tpu.dma_semaphore, #tpu.memory_space<semaphore_mem>>)
        %mul3A_123 = arith.constant 256 : i32
        %mul3A_124 = arith.muli %sub3A_99, %mul3A_123 : i32
        %add3A_125 = arith.constant 128 : i32
        %add3A_126 = arith.addi %mul3A_124, %add3A_125 : i32
        %dma_start3A_127 = arith.constant 0 : i32
        %dma_start3A_128 = arith.constant 0 : i32
        %dma_start3A_129 = tpu.memref_slice %arg6[%rem3A_105, %dma_start3A_127, %dma_start3A_128] : memref<3x256x128xf32, #tpu.memory_space<vmem>> -> memref<1x256x128xf32, #tpu.memory_space<vmem>>
        %dma_start3A_130 = tpu.memref_squeeze %dma_start3A_129 : memref<1x256x128xf32, #tpu.memory_space<vmem>> -> memref<256x128xf32, #tpu.memory_space<vmem>>
        %dma_start3A_131 = arith.constant 128 : i32
        %dma_start3A_132 = arith.constant 0 : i32
        %dma_start3A_133 = tpu.memref_slice %dma_start3A_130[%dma_start3A_131, %dma_start3A_132] : memref<256x128xf32, #tpu.memory_space<vmem>> -> memref<128x128xf32, #tpu.memory_space<vmem>>
        %dma_start3A_134 = tpu.memref_slice %arg5[%add3A_126] : memref<3328xi32, #tpu.memory_space<vmem>> -> memref<128xi32, #tpu.memory_space<vmem>>
        %dma_start3A_135 = arith.constant 0 : i32
        %dma_start3A_136 = arith.constant 0 : i32
        %dma_start3A_137 = tpu.memref_slice %arg2[%dma_start3A_135, %dma_start3A_136] : memref<50000x128xf32, #tpu.memory_space<hbm>> -> memref<50000x128xf32, #tpu.memory_space<hbm>>
        %dma_start3A_138 = tpu.memref_slice %arg7[%rem3A_105] : memref<3x!tpu.dma_semaphore, #tpu.memory_space<semaphore_mem>> -> memref<1x!tpu.dma_semaphore, #tpu.memory_space<semaphore_mem>>
        %dma_start3A_139 = tpu.memref_squeeze %dma_start3A_138 : memref<1x!tpu.dma_semaphore, #tpu.memory_space<semaphore_mem>> -> memref<!tpu.dma_semaphore, #tpu.memory_space<semaphore_mem>>
        tpu.enqueue_indirect_dma source(%dma_start3A_137 : memref<50000x128xf32, #tpu.memory_space<hbm>>) target(%dma_start3A_133 : memref<128x128xf32, #tpu.memory_space<vmem>>) offsets(%dma_start3A_134 : memref<128xi32, #tpu.memory_space<vmem>>) semaphore(%dma_start3A_139 : memref<!tpu.dma_semaphore, #tpu.memory_space<semaphore_mem>>)
      } else {
      }
      %dma_wait3A = arith.constant 0 : i32
      %dma_wait3A_78 = arith.constant 0 : i32
      %dma_wait3A_79 = tpu.memref_slice %arg6[%rem3A_72, %dma_wait3A, %dma_wait3A_78] : memref<3x256x128xf32, #tpu.memory_space<vmem>> -> memref<1x256x128xf32, #tpu.memory_space<vmem>>
      %dma_wait3A_80 = tpu.memref_squeeze %dma_wait3A_79 : memref<1x256x128xf32, #tpu.memory_space<vmem>> -> memref<256x128xf32, #tpu.memory_space<vmem>>
      %dma_wait3A_81 = arith.constant 0 : i32
      %dma_wait3A_82 = arith.constant 0 : i32
      %dma_wait3A_83 = tpu.memref_slice %arg4[%dma_wait3A_81, %dma_wait3A_82] : memref<106496x128xf32, #tpu.memory_space<hbm>> -> memref<256x128xf32, #tpu.memory_space<hbm>>
      %dma_wait3A_84 = tpu.memref_slice %arg7[%rem3A_72] : memref<3x!tpu.dma_semaphore, #tpu.memory_space<semaphore_mem>> -> memref<1x!tpu.dma_semaphore, #tpu.memory_space<semaphore_mem>>
      %dma_wait3A_85 = tpu.memref_squeeze %dma_wait3A_84 : memref<1x!tpu.dma_semaphore, #tpu.memory_space<semaphore_mem>> -> memref<!tpu.dma_semaphore, #tpu.memory_space<semaphore_mem>>
      %dma_wait3A_86 = arith.constant 0 : i32
      %dma_wait3A_87 = arith.constant 0 : i32
      %dma_wait3A_88 = tpu.memref_slice %arg6[%rem3A_72, %dma_wait3A_86, %dma_wait3A_87] : memref<3x256x128xf32, #tpu.memory_space<vmem>> -> memref<1x256x128xf32, #tpu.memory_space<vmem>>
      %dma_wait3A_89 = tpu.memref_squeeze %dma_wait3A_88 : memref<1x256x128xf32, #tpu.memory_space<vmem>> -> memref<256x128xf32, #tpu.memory_space<vmem>>
      %dma_wait3A_90 = arith.constant 0 : i32
      %dma_wait3A_91 = arith.constant 0 : i32
      %dma_wait3A_92 = tpu.memref_slice %arg4[%dma_wait3A_90, %dma_wait3A_91] : memref<106496x128xf32, #tpu.memory_space<hbm>> -> memref<256x128xf32, #tpu.memory_space<hbm>>
      tpu.wait_dma2 semaphore(%dma_wait3A_85 : memref<!tpu.dma_semaphore, #tpu.memory_space<semaphore_mem>>) src(%dma_wait3A_92 : memref<256x128xf32, #tpu.memory_space<hbm>>) dst(%dma_wait3A_89 : memref<256x128xf32, #tpu.memory_space<vmem>>)
      %mul3A_93 = arith.constant 256 : i32
      %mul3A_94 = arith.muli %scan3A_71, %mul3A_93 : i32
      %add3A_95 = arith.addi %mul3A_2, %mul3A_94 : i32
      "tpu.region"() ({
        %run_scoped3A = tpu.sem_alloc : memref<!tpu.dma_semaphore, #tpu.memory_space<semaphore_mem>>
        %dma_start3A_96 = arith.constant 0 : i32
        %dma_start3A_97 = arith.constant 0 : i32
        %dma_start3A_98 = tpu.memref_slice %arg6[%rem3A_72, %dma_start3A_96, %dma_start3A_97] : memref<3x256x128xf32, #tpu.memory_space<vmem>> -> memref<1x256x128xf32, #tpu.memory_space<vmem>>
        %dma_start3A_99 = tpu.memref_squeeze %dma_start3A_98 : memref<1x256x128xf32, #tpu.memory_space<vmem>> -> memref<256x128xf32, #tpu.memory_space<vmem>>
        %dma_start3A_100 = arith.constant 0 : i32
        %dma_start3A_101 = tpu.memref_slice %arg4[%add3A_95, %dma_start3A_100] : memref<106496x128xf32, #tpu.memory_space<hbm>> -> memref<256x128xf32, #tpu.memory_space<hbm>>
        %dma_start3A_102 = arith.constant 0 : i32
        %dma_start3A_103 = tpu.memref_slice %arg4[%add3A_95, %dma_start3A_102] : memref<106496x128xf32, #tpu.memory_space<hbm>> -> memref<256x128xf32, #tpu.memory_space<hbm>>
        %dma_start3A_104 = arith.constant 0 : i32
        %dma_start3A_105 = arith.constant 0 : i32
        %dma_start3A_106 = tpu.memref_slice %arg6[%rem3A_72, %dma_start3A_104, %dma_start3A_105] : memref<3x256x128xf32, #tpu.memory_space<vmem>> -> memref<1x256x128xf32, #tpu.memory_space<vmem>>
        %dma_start3A_107 = tpu.memref_squeeze %dma_start3A_106 : memref<1x256x128xf32, #tpu.memory_space<vmem>> -> memref<256x128xf32, #tpu.memory_space<vmem>>
        tpu.enqueue_dma source(%dma_start3A_107 : memref<256x128xf32, #tpu.memory_space<vmem>>) target(%dma_start3A_103 : memref<256x128xf32, #tpu.memory_space<hbm>>) target_semaphore(%run_scoped3A : memref<!tpu.dma_semaphore, #tpu.memory_space<semaphore_mem>>)
        %dma_wait3A_108 = arith.constant 0 : i32
        %dma_wait3A_109 = arith.constant 0 : i32
        %dma_wait3A_110 = tpu.memref_slice %arg6[%rem3A_72, %dma_wait3A_108, %dma_wait3A_109] : memref<3x256x128xf32, #tpu.memory_space<vmem>> -> memref<1x256x128xf32, #tpu.memory_space<vmem>>
        %dma_wait3A_111 = tpu.memref_squeeze %dma_wait3A_110 : memref<1x256x128xf32, #tpu.memory_space<vmem>> -> memref<256x128xf32, #tpu.memory_space<vmem>>
        %dma_wait3A_112 = arith.constant 0 : i32
        %dma_wait3A_113 = tpu.memref_slice %arg4[%add3A_95, %dma_wait3A_112] : memref<106496x128xf32, #tpu.memory_space<hbm>> -> memref<256x128xf32, #tpu.memory_space<hbm>>
        %dma_wait3A_114 = arith.constant 0 : i32
        %dma_wait3A_115 = tpu.memref_slice %arg4[%add3A_95, %dma_wait3A_114] : memref<106496x128xf32, #tpu.memory_space<hbm>> -> memref<256x128xf32, #tpu.memory_space<hbm>>
        %dma_wait3A_116 = arith.constant 0 : i32
        %dma_wait3A_117 = arith.constant 0 : i32
        %dma_wait3A_118 = tpu.memref_slice %arg6[%rem3A_72, %dma_wait3A_116, %dma_wait3A_117] : memref<3x256x128xf32, #tpu.memory_space<vmem>> -> memref<1x256x128xf32, #tpu.memory_space<vmem>>
        %dma_wait3A_119 = tpu.memref_squeeze %dma_wait3A_118 : memref<1x256x128xf32, #tpu.memory_space<vmem>> -> memref<256x128xf32, #tpu.memory_space<vmem>>
        tpu.wait_dma2 semaphore(%run_scoped3A : memref<!tpu.dma_semaphore, #tpu.memory_space<semaphore_mem>>) src(%dma_wait3A_119 : memref<256x128xf32, #tpu.memory_space<vmem>>) dst(%dma_wait3A_115 : memref<256x128xf32, #tpu.memory_space<hbm>>)
        tpu.yield
      }) : () -> ()
    }
    %scan3A_70 = arith.constant 13 : i32
    return
  }
}

#map = affine_map<(d0, d1) -> (0, 0)>
#map1 = affine_map<(d0, d1) -> (0)>
module attributes {stable_mosaic.version = 14 : i64} {
  func.func @_sc_gather_body(%arg0: i32, %arg1: i32, %arg2: memref<100000x128xf32, #tpu.memory_space<hbm>>, %arg3: memref<106496xi32, #tpu.memory_space<hbm>>, %arg4: memref<106496x128xf32, #tpu.memory_space<hbm>>, %arg5: memref<3328xi32, #tpu.memory_space<vmem>>, %arg6: memref<3x256x128xf32, #tpu.memory_space<vmem>>, %arg7: memref<3x!tpu.dma_semaphore, #tpu.memory_space<semaphore_mem>>) attributes {dimension_semantics = [#tpu.dimension_semantics<core_parallel>, #tpu.dimension_semantics<subcore_parallel>], iteration_bounds = array<i64: 2, 16>, scalar_prefetch = 0 : i64, scratch_operands = 3 : i64, tpu.core_type = #tpu.core_type<sc_vector_subcore>, window_params = [{transform_indices = #map}, {transform_indices = #map1}, {transform_indices = #map}]} {
    %mul3A = arith.constant 2 : i32
    %mul3A_0 = arith.muli %arg1, %mul3A : i32
    %add3A = arith.addi %mul3A_0, %arg0 : i32
    %mul3A_1 = arith.constant 3328 : i32
    %mul3A_2 = arith.muli %add3A, %mul3A_1 : i32
    "tpu.region"() ({
      %run_scoped3A = tpu.sem_alloc : memref<!tpu.dma_semaphore, #tpu.memory_space<semaphore_mem>>
      %dma_start3A_71 = tpu.memref_slice %arg3[%mul3A_2] : memref<106496xi32, #tpu.memory_space<hbm>> -> memref<3328xi32, #tpu.memory_space<hbm>>
      %dma_start3A_72 = tpu.memref_slice %arg3[%mul3A_2] : memref<106496xi32, #tpu.memory_space<hbm>> -> memref<3328xi32, #tpu.memory_space<hbm>>
      tpu.enqueue_dma source(%dma_start3A_72 : memref<3328xi32, #tpu.memory_space<hbm>>) target(%arg5 : memref<3328xi32, #tpu.memory_space<vmem>>) target_semaphore(%run_scoped3A : memref<!tpu.dma_semaphore, #tpu.memory_space<semaphore_mem>>)
      %dma_wait3A = tpu.memref_slice %arg3[%mul3A_2] : memref<106496xi32, #tpu.memory_space<hbm>> -> memref<3328xi32, #tpu.memory_space<hbm>>
      %dma_wait3A_73 = tpu.memref_slice %arg3[%mul3A_2] : memref<106496xi32, #tpu.memory_space<hbm>> -> memref<3328xi32, #tpu.memory_space<hbm>>
      tpu.wait_dma2 semaphore(%run_scoped3A : memref<!tpu.dma_semaphore, #tpu.memory_space<semaphore_mem>>) src(%dma_wait3A_73 : memref<3328xi32, #tpu.memory_space<hbm>>) dst(%arg5 : memref<3328xi32, #tpu.memory_space<vmem>>)
      tpu.yield
    }) : () -> ()
    %dma_start3A = arith.constant 0 : i32
    %dma_start3A_3 = arith.constant 0 : i32
    %dma_start3A_4 = arith.constant 0 : i32
    %dma_start3A_5 = arith.constant 0 : i32
    %dma_start3A_6 = tpu.memref_slice %arg6[%dma_start3A, %dma_start3A_4, %dma_start3A_5] : memref<3x256x128xf32, #tpu.memory_space<vmem>> -> memref<1x256x128xf32, #tpu.memory_space<vmem>>
    %dma_start3A_7 = tpu.memref_squeeze %dma_start3A_6 : memref<1x256x128xf32, #tpu.memory_space<vmem>> -> memref<256x128xf32, #tpu.memory_space<vmem>>
    %dma_start3A_8 = arith.constant 0 : i32
    %dma_start3A_9 = arith.constant 0 : i32
    %dma_start3A_10 = tpu.memref_slice %dma_start3A_7[%dma_start3A_8, %dma_start3A_9] : memref<256x128xf32, #tpu.memory_space<vmem>> -> memref<128x128xf32, #tpu.memory_space<vmem>>
    %dma_start3A_11 = arith.constant 0 : i32
    %dma_start3A_12 = tpu.memref_slice %arg5[%dma_start3A_11] : memref<3328xi32, #tpu.memory_space<vmem>> -> memref<128xi32, #tpu.memory_space<vmem>>
    %dma_start3A_13 = arith.constant 0 : i32
    %dma_start3A_14 = arith.constant 0 : i32
    %dma_start3A_15 = tpu.memref_slice %arg2[%dma_start3A_13, %dma_start3A_14] : memref<100000x128xf32, #tpu.memory_space<hbm>> -> memref<100000x128xf32, #tpu.memory_space<hbm>>
    %dma_start3A_16 = tpu.memref_slice %arg7[%dma_start3A_3] : memref<3x!tpu.dma_semaphore, #tpu.memory_space<semaphore_mem>> -> memref<1x!tpu.dma_semaphore, #tpu.memory_space<semaphore_mem>>
    %dma_start3A_17 = tpu.memref_squeeze %dma_start3A_16 : memref<1x!tpu.dma_semaphore, #tpu.memory_space<semaphore_mem>> -> memref<!tpu.dma_semaphore, #tpu.memory_space<semaphore_mem>>
    tpu.enqueue_indirect_dma source(%dma_start3A_15 : memref<100000x128xf32, #tpu.memory_space<hbm>>) target(%dma_start3A_10 : memref<128x128xf32, #tpu.memory_space<vmem>>) offsets(%dma_start3A_12 : memref<128xi32, #tpu.memory_space<vmem>>) semaphore(%dma_start3A_17 : memref<!tpu.dma_semaphore, #tpu.memory_space<semaphore_mem>>)
    %dma_start3A_18 = arith.constant 0 : i32
    %dma_start3A_19 = arith.constant 0 : i32
    %dma_start3A_20 = arith.constant 0 : i32
    %dma_start3A_21 = arith.constant 0 : i32
    %dma_start3A_22 = tpu.memref_slice %arg6[%dma_start3A_18, %dma_start3A_20, %dma_start3A_21] : memref<3x256x128xf32, #tpu.memory_space<vmem>> -> memref<1x256x128xf32, #tpu.memory_space<vmem>>
    %dma_start3A_23 = tpu.memref_squeeze %dma_start3A_22 : memref<1x256x128xf32, #tpu.memory_space<vmem>> -> memref<256x128xf32, #tpu.memory_space<vmem>>
    %dma_start3A_24 = arith.constant 128 : i32
    %dma_start3A_25 = arith.constant 0 : i32
    %dma_start3A_26 = tpu.memref_slice %dma_start3A_23[%dma_start3A_24, %dma_start3A_25] : memref<256x128xf32, #tpu.memory_space<vmem>> -> memref<128x128xf32, #tpu.memory_space<vmem>>
    %dma_start3A_27 = arith.constant 128 : i32
    %dma_start3A_28 = tpu.memref_slice %arg5[%dma_start3A_27] : memref<3328xi32, #tpu.memory_space<vmem>> -> memref<128xi32, #tpu.memory_space<vmem>>
    %dma_start3A_29 = arith.constant 0 : i32
    %dma_start3A_30 = arith.constant 0 : i32
    %dma_start3A_31 = tpu.memref_slice %arg2[%dma_start3A_29, %dma_start3A_30] : memref<100000x128xf32, #tpu.memory_space<hbm>> -> memref<100000x128xf32, #tpu.memory_space<hbm>>
    %dma_start3A_32 = tpu.memref_slice %arg7[%dma_start3A_19] : memref<3x!tpu.dma_semaphore, #tpu.memory_space<semaphore_mem>> -> memref<1x!tpu.dma_semaphore, #tpu.memory_space<semaphore_mem>>
    %dma_start3A_33 = tpu.memref_squeeze %dma_start3A_32 : memref<1x!tpu.dma_semaphore, #tpu.memory_space<semaphore_mem>> -> memref<!tpu.dma_semaphore, #tpu.memory_space<semaphore_mem>>
    tpu.enqueue_indirect_dma source(%dma_start3A_31 : memref<100000x128xf32, #tpu.memory_space<hbm>>) target(%dma_start3A_26 : memref<128x128xf32, #tpu.memory_space<vmem>>) offsets(%dma_start3A_28 : memref<128xi32, #tpu.memory_space<vmem>>) semaphore(%dma_start3A_33 : memref<!tpu.dma_semaphore, #tpu.memory_space<semaphore_mem>>)
    %dma_start3A_34 = arith.constant 1 : i32
    %dma_start3A_35 = arith.constant 1 : i32
    %dma_start3A_36 = arith.constant 0 : i32
    %dma_start3A_37 = arith.constant 0 : i32
    %dma_start3A_38 = tpu.memref_slice %arg6[%dma_start3A_34, %dma_start3A_36, %dma_start3A_37] : memref<3x256x128xf32, #tpu.memory_space<vmem>> -> memref<1x256x128xf32, #tpu.memory_space<vmem>>
    %dma_start3A_39 = tpu.memref_squeeze %dma_start3A_38 : memref<1x256x128xf32, #tpu.memory_space<vmem>> -> memref<256x128xf32, #tpu.memory_space<vmem>>
    %dma_start3A_40 = arith.constant 0 : i32
    %dma_start3A_41 = arith.constant 0 : i32
    %dma_start3A_42 = tpu.memref_slice %dma_start3A_39[%dma_start3A_40, %dma_start3A_41] : memref<256x128xf32, #tpu.memory_space<vmem>> -> memref<128x128xf32, #tpu.memory_space<vmem>>
    %dma_start3A_43 = arith.constant 256 : i32
    %dma_start3A_44 = tpu.memref_slice %arg5[%dma_start3A_43] : memref<3328xi32, #tpu.memory_space<vmem>> -> memref<128xi32, #tpu.memory_space<vmem>>
    %dma_start3A_45 = arith.constant 0 : i32
    %dma_start3A_46 = arith.constant 0 : i32
    %dma_start3A_47 = tpu.memref_slice %arg2[%dma_start3A_45, %dma_start3A_46] : memref<100000x128xf32, #tpu.memory_space<hbm>> -> memref<100000x128xf32, #tpu.memory_space<hbm>>
    %dma_start3A_48 = tpu.memref_slice %arg7[%dma_start3A_35] : memref<3x!tpu.dma_semaphore, #tpu.memory_space<semaphore_mem>> -> memref<1x!tpu.dma_semaphore, #tpu.memory_space<semaphore_mem>>
    %dma_start3A_49 = tpu.memref_squeeze %dma_start3A_48 : memref<1x!tpu.dma_semaphore, #tpu.memory_space<semaphore_mem>> -> memref<!tpu.dma_semaphore, #tpu.memory_space<semaphore_mem>>
    tpu.enqueue_indirect_dma source(%dma_start3A_47 : memref<100000x128xf32, #tpu.memory_space<hbm>>) target(%dma_start3A_42 : memref<128x128xf32, #tpu.memory_space<vmem>>) offsets(%dma_start3A_44 : memref<128xi32, #tpu.memory_space<vmem>>) semaphore(%dma_start3A_49 : memref<!tpu.dma_semaphore, #tpu.memory_space<semaphore_mem>>)
    %dma_start3A_50 = arith.constant 1 : i32
    %dma_start3A_51 = arith.constant 1 : i32
    %dma_start3A_52 = arith.constant 0 : i32
    %dma_start3A_53 = arith.constant 0 : i32
    %dma_start3A_54 = tpu.memref_slice %arg6[%dma_start3A_50, %dma_start3A_52, %dma_start3A_53] : memref<3x256x128xf32, #tpu.memory_space<vmem>> -> memref<1x256x128xf32, #tpu.memory_space<vmem>>
    %dma_start3A_55 = tpu.memref_squeeze %dma_start3A_54 : memref<1x256x128xf32, #tpu.memory_space<vmem>> -> memref<256x128xf32, #tpu.memory_space<vmem>>
    %dma_start3A_56 = arith.constant 128 : i32
    %dma_start3A_57 = arith.constant 0 : i32
    %dma_start3A_58 = tpu.memref_slice %dma_start3A_55[%dma_start3A_56, %dma_start3A_57] : memref<256x128xf32, #tpu.memory_space<vmem>> -> memref<128x128xf32, #tpu.memory_space<vmem>>
    %dma_start3A_59 = arith.constant 384 : i32
    %dma_start3A_60 = tpu.memref_slice %arg5[%dma_start3A_59] : memref<3328xi32, #tpu.memory_space<vmem>> -> memref<128xi32, #tpu.memory_space<vmem>>
    %dma_start3A_61 = arith.constant 0 : i32
    %dma_start3A_62 = arith.constant 0 : i32
    %dma_start3A_63 = tpu.memref_slice %arg2[%dma_start3A_61, %dma_start3A_62] : memref<100000x128xf32, #tpu.memory_space<hbm>> -> memref<100000x128xf32, #tpu.memory_space<hbm>>
    %dma_start3A_64 = tpu.memref_slice %arg7[%dma_start3A_51] : memref<3x!tpu.dma_semaphore, #tpu.memory_space<semaphore_mem>> -> memref<1x!tpu.dma_semaphore, #tpu.memory_space<semaphore_mem>>
    %dma_start3A_65 = tpu.memref_squeeze %dma_start3A_64 : memref<1x!tpu.dma_semaphore, #tpu.memory_space<semaphore_mem>> -> memref<!tpu.dma_semaphore, #tpu.memory_space<semaphore_mem>>
    tpu.enqueue_indirect_dma source(%dma_start3A_63 : memref<100000x128xf32, #tpu.memory_space<hbm>>) target(%dma_start3A_58 : memref<128x128xf32, #tpu.memory_space<vmem>>) offsets(%dma_start3A_60 : memref<128xi32, #tpu.memory_space<vmem>>) semaphore(%dma_start3A_65 : memref<!tpu.dma_semaphore, #tpu.memory_space<semaphore_mem>>)
    %scan3A = arith.constant 0 : i32
    %scan3A_66 = arith.constant 0 : i32
    %scan3A_67 = arith.constant 13 : i32
    %scan3A_68 = arith.addi %scan3A_66, %scan3A_67 : i32
    %scan3A_69 = arith.constant 1 : i32
    scf.for %scan3A_71 = %scan3A_66 to %scan3A_68 step %scan3A_69  : i32 {
      %rem3A = arith.constant 3 : i32
      %rem3A_72 = arith.remsi %scan3A_71, %rem3A : i32
      %add3A_73 = arith.constant 3 : i32
      %add3A_74 = arith.addi %scan3A_71, %add3A_73 : i32
      %sub3A = arith.constant 1 : i32
      %sub3A_75 = arith.subi %add3A_74, %sub3A : i32
      %lt3A = arith.constant 13 : i32
      %lt3A_76 = arith.cmpi slt, %sub3A_75, %lt3A : i32
      %convert_element_type3A = arith.extui %lt3A_76 : i1 to i32
      %cond3A = arith.constant 0 : i32
      %cond3A_77 = arith.cmpi ne, %convert_element_type3A, %cond3A : i32
      scf.if %cond3A_77 {
        %add3A_96 = arith.constant 3 : i32
        %add3A_97 = arith.addi %scan3A_71, %add3A_96 : i32
        %sub3A_98 = arith.constant 1 : i32
        %sub3A_99 = arith.subi %add3A_97, %sub3A_98 : i32
        %add3A_100 = arith.constant 3 : i32
        %add3A_101 = arith.addi %scan3A_71, %add3A_100 : i32
        %sub3A_102 = arith.constant 1 : i32
        %sub3A_103 = arith.subi %add3A_101, %sub3A_102 : i32
        %rem3A_104 = arith.constant 3 : i32
        %rem3A_105 = arith.remsi %sub3A_103, %rem3A_104 : i32
        %mul3A_106 = arith.constant 256 : i32
        %mul3A_107 = arith.muli %sub3A_99, %mul3A_106 : i32
        %add3A_108 = arith.constant 0 : i32
        %add3A_109 = arith.addi %mul3A_107, %add3A_108 : i32
        %dma_start3A_110 = arith.constant 0 : i32
        %dma_start3A_111 = arith.constant 0 : i32
        %dma_start3A_112 = tpu.memref_slice %arg6[%rem3A_105, %dma_start3A_110, %dma_start3A_111] : memref<3x256x128xf32, #tpu.memory_space<vmem>> -> memref<1x256x128xf32, #tpu.memory_space<vmem>>
        %dma_start3A_113 = tpu.memref_squeeze %dma_start3A_112 : memref<1x256x128xf32, #tpu.memory_space<vmem>> -> memref<256x128xf32, #tpu.memory_space<vmem>>
        %dma_start3A_114 = arith.constant 0 : i32
        %dma_start3A_115 = arith.constant 0 : i32
        %dma_start3A_116 = tpu.memref_slice %dma_start3A_113[%dma_start3A_114, %dma_start3A_115] : memref<256x128xf32, #tpu.memory_space<vmem>> -> memref<128x128xf32, #tpu.memory_space<vmem>>
        %dma_start3A_117 = tpu.memref_slice %arg5[%add3A_109] : memref<3328xi32, #tpu.memory_space<vmem>> -> memref<128xi32, #tpu.memory_space<vmem>>
        %dma_start3A_118 = arith.constant 0 : i32
        %dma_start3A_119 = arith.constant 0 : i32
        %dma_start3A_120 = tpu.memref_slice %arg2[%dma_start3A_118, %dma_start3A_119] : memref<100000x128xf32, #tpu.memory_space<hbm>> -> memref<100000x128xf32, #tpu.memory_space<hbm>>
        %dma_start3A_121 = tpu.memref_slice %arg7[%rem3A_105] : memref<3x!tpu.dma_semaphore, #tpu.memory_space<semaphore_mem>> -> memref<1x!tpu.dma_semaphore, #tpu.memory_space<semaphore_mem>>
        %dma_start3A_122 = tpu.memref_squeeze %dma_start3A_121 : memref<1x!tpu.dma_semaphore, #tpu.memory_space<semaphore_mem>> -> memref<!tpu.dma_semaphore, #tpu.memory_space<semaphore_mem>>
        tpu.enqueue_indirect_dma source(%dma_start3A_120 : memref<100000x128xf32, #tpu.memory_space<hbm>>) target(%dma_start3A_116 : memref<128x128xf32, #tpu.memory_space<vmem>>) offsets(%dma_start3A_117 : memref<128xi32, #tpu.memory_space<vmem>>) semaphore(%dma_start3A_122 : memref<!tpu.dma_semaphore, #tpu.memory_space<semaphore_mem>>)
        %mul3A_123 = arith.constant 256 : i32
        %mul3A_124 = arith.muli %sub3A_99, %mul3A_123 : i32
        %add3A_125 = arith.constant 128 : i32
        %add3A_126 = arith.addi %mul3A_124, %add3A_125 : i32
        %dma_start3A_127 = arith.constant 0 : i32
        %dma_start3A_128 = arith.constant 0 : i32
        %dma_start3A_129 = tpu.memref_slice %arg6[%rem3A_105, %dma_start3A_127, %dma_start3A_128] : memref<3x256x128xf32, #tpu.memory_space<vmem>> -> memref<1x256x128xf32, #tpu.memory_space<vmem>>
        %dma_start3A_130 = tpu.memref_squeeze %dma_start3A_129 : memref<1x256x128xf32, #tpu.memory_space<vmem>> -> memref<256x128xf32, #tpu.memory_space<vmem>>
        %dma_start3A_131 = arith.constant 128 : i32
        %dma_start3A_132 = arith.constant 0 : i32
        %dma_start3A_133 = tpu.memref_slice %dma_start3A_130[%dma_start3A_131, %dma_start3A_132] : memref<256x128xf32, #tpu.memory_space<vmem>> -> memref<128x128xf32, #tpu.memory_space<vmem>>
        %dma_start3A_134 = tpu.memref_slice %arg5[%add3A_126] : memref<3328xi32, #tpu.memory_space<vmem>> -> memref<128xi32, #tpu.memory_space<vmem>>
        %dma_start3A_135 = arith.constant 0 : i32
        %dma_start3A_136 = arith.constant 0 : i32
        %dma_start3A_137 = tpu.memref_slice %arg2[%dma_start3A_135, %dma_start3A_136] : memref<100000x128xf32, #tpu.memory_space<hbm>> -> memref<100000x128xf32, #tpu.memory_space<hbm>>
        %dma_start3A_138 = tpu.memref_slice %arg7[%rem3A_105] : memref<3x!tpu.dma_semaphore, #tpu.memory_space<semaphore_mem>> -> memref<1x!tpu.dma_semaphore, #tpu.memory_space<semaphore_mem>>
        %dma_start3A_139 = tpu.memref_squeeze %dma_start3A_138 : memref<1x!tpu.dma_semaphore, #tpu.memory_space<semaphore_mem>> -> memref<!tpu.dma_semaphore, #tpu.memory_space<semaphore_mem>>
        tpu.enqueue_indirect_dma source(%dma_start3A_137 : memref<100000x128xf32, #tpu.memory_space<hbm>>) target(%dma_start3A_133 : memref<128x128xf32, #tpu.memory_space<vmem>>) offsets(%dma_start3A_134 : memref<128xi32, #tpu.memory_space<vmem>>) semaphore(%dma_start3A_139 : memref<!tpu.dma_semaphore, #tpu.memory_space<semaphore_mem>>)
      } else {
      }
      %dma_wait3A = arith.constant 0 : i32
      %dma_wait3A_78 = arith.constant 0 : i32
      %dma_wait3A_79 = tpu.memref_slice %arg6[%rem3A_72, %dma_wait3A, %dma_wait3A_78] : memref<3x256x128xf32, #tpu.memory_space<vmem>> -> memref<1x256x128xf32, #tpu.memory_space<vmem>>
      %dma_wait3A_80 = tpu.memref_squeeze %dma_wait3A_79 : memref<1x256x128xf32, #tpu.memory_space<vmem>> -> memref<256x128xf32, #tpu.memory_space<vmem>>
      %dma_wait3A_81 = arith.constant 0 : i32
      %dma_wait3A_82 = arith.constant 0 : i32
      %dma_wait3A_83 = tpu.memref_slice %arg4[%dma_wait3A_81, %dma_wait3A_82] : memref<106496x128xf32, #tpu.memory_space<hbm>> -> memref<256x128xf32, #tpu.memory_space<hbm>>
      %dma_wait3A_84 = tpu.memref_slice %arg7[%rem3A_72] : memref<3x!tpu.dma_semaphore, #tpu.memory_space<semaphore_mem>> -> memref<1x!tpu.dma_semaphore, #tpu.memory_space<semaphore_mem>>
      %dma_wait3A_85 = tpu.memref_squeeze %dma_wait3A_84 : memref<1x!tpu.dma_semaphore, #tpu.memory_space<semaphore_mem>> -> memref<!tpu.dma_semaphore, #tpu.memory_space<semaphore_mem>>
      %dma_wait3A_86 = arith.constant 0 : i32
      %dma_wait3A_87 = arith.constant 0 : i32
      %dma_wait3A_88 = tpu.memref_slice %arg6[%rem3A_72, %dma_wait3A_86, %dma_wait3A_87] : memref<3x256x128xf32, #tpu.memory_space<vmem>> -> memref<1x256x128xf32, #tpu.memory_space<vmem>>
      %dma_wait3A_89 = tpu.memref_squeeze %dma_wait3A_88 : memref<1x256x128xf32, #tpu.memory_space<vmem>> -> memref<256x128xf32, #tpu.memory_space<vmem>>
      %dma_wait3A_90 = arith.constant 0 : i32
      %dma_wait3A_91 = arith.constant 0 : i32
      %dma_wait3A_92 = tpu.memref_slice %arg4[%dma_wait3A_90, %dma_wait3A_91] : memref<106496x128xf32, #tpu.memory_space<hbm>> -> memref<256x128xf32, #tpu.memory_space<hbm>>
      tpu.wait_dma2 semaphore(%dma_wait3A_85 : memref<!tpu.dma_semaphore, #tpu.memory_space<semaphore_mem>>) src(%dma_wait3A_92 : memref<256x128xf32, #tpu.memory_space<hbm>>) dst(%dma_wait3A_89 : memref<256x128xf32, #tpu.memory_space<vmem>>)
      %mul3A_93 = arith.constant 256 : i32
      %mul3A_94 = arith.muli %scan3A_71, %mul3A_93 : i32
      %add3A_95 = arith.addi %mul3A_2, %mul3A_94 : i32
      "tpu.region"() ({
        %run_scoped3A = tpu.sem_alloc : memref<!tpu.dma_semaphore, #tpu.memory_space<semaphore_mem>>
        %dma_start3A_96 = arith.constant 0 : i32
        %dma_start3A_97 = arith.constant 0 : i32
        %dma_start3A_98 = tpu.memref_slice %arg6[%rem3A_72, %dma_start3A_96, %dma_start3A_97] : memref<3x256x128xf32, #tpu.memory_space<vmem>> -> memref<1x256x128xf32, #tpu.memory_space<vmem>>
        %dma_start3A_99 = tpu.memref_squeeze %dma_start3A_98 : memref<1x256x128xf32, #tpu.memory_space<vmem>> -> memref<256x128xf32, #tpu.memory_space<vmem>>
        %dma_start3A_100 = arith.constant 0 : i32
        %dma_start3A_101 = tpu.memref_slice %arg4[%add3A_95, %dma_start3A_100] : memref<106496x128xf32, #tpu.memory_space<hbm>> -> memref<256x128xf32, #tpu.memory_space<hbm>>
        %dma_start3A_102 = arith.constant 0 : i32
        %dma_start3A_103 = tpu.memref_slice %arg4[%add3A_95, %dma_start3A_102] : memref<106496x128xf32, #tpu.memory_space<hbm>> -> memref<256x128xf32, #tpu.memory_space<hbm>>
        %dma_start3A_104 = arith.constant 0 : i32
        %dma_start3A_105 = arith.constant 0 : i32
        %dma_start3A_106 = tpu.memref_slice %arg6[%rem3A_72, %dma_start3A_104, %dma_start3A_105] : memref<3x256x128xf32, #tpu.memory_space<vmem>> -> memref<1x256x128xf32, #tpu.memory_space<vmem>>
        %dma_start3A_107 = tpu.memref_squeeze %dma_start3A_106 : memref<1x256x128xf32, #tpu.memory_space<vmem>> -> memref<256x128xf32, #tpu.memory_space<vmem>>
        tpu.enqueue_dma source(%dma_start3A_107 : memref<256x128xf32, #tpu.memory_space<vmem>>) target(%dma_start3A_103 : memref<256x128xf32, #tpu.memory_space<hbm>>) target_semaphore(%run_scoped3A : memref<!tpu.dma_semaphore, #tpu.memory_space<semaphore_mem>>)
        %dma_wait3A_108 = arith.constant 0 : i32
        %dma_wait3A_109 = arith.constant 0 : i32
        %dma_wait3A_110 = tpu.memref_slice %arg6[%rem3A_72, %dma_wait3A_108, %dma_wait3A_109] : memref<3x256x128xf32, #tpu.memory_space<vmem>> -> memref<1x256x128xf32, #tpu.memory_space<vmem>>
        %dma_wait3A_111 = tpu.memref_squeeze %dma_wait3A_110 : memref<1x256x128xf32, #tpu.memory_space<vmem>> -> memref<256x128xf32, #tpu.memory_space<vmem>>
        %dma_wait3A_112 = arith.constant 0 : i32
        %dma_wait3A_113 = tpu.memref_slice %arg4[%add3A_95, %dma_wait3A_112] : memref<106496x128xf32, #tpu.memory_space<hbm>> -> memref<256x128xf32, #tpu.memory_space<hbm>>
        %dma_wait3A_114 = arith.constant 0 : i32
        %dma_wait3A_115 = tpu.memref_slice %arg4[%add3A_95, %dma_wait3A_114] : memref<106496x128xf32, #tpu.memory_space<hbm>> -> memref<256x128xf32, #tpu.memory_space<hbm>>
        %dma_wait3A_116 = arith.constant 0 : i32
        %dma_wait3A_117 = arith.constant 0 : i32
        %dma_wait3A_118 = tpu.memref_slice %arg6[%rem3A_72, %dma_wait3A_116, %dma_wait3A_117] : memref<3x256x128xf32, #tpu.memory_space<vmem>> -> memref<1x256x128xf32, #tpu.memory_space<vmem>>
        %dma_wait3A_119 = tpu.memref_squeeze %dma_wait3A_118 : memref<1x256x128xf32, #tpu.memory_space<vmem>> -> memref<256x128xf32, #tpu.memory_space<vmem>>
        tpu.wait_dma2 semaphore(%run_scoped3A : memref<!tpu.dma_semaphore, #tpu.memory_space<semaphore_mem>>) src(%dma_wait3A_119 : memref<256x128xf32, #tpu.memory_space<vmem>>) dst(%dma_wait3A_115 : memref<256x128xf32, #tpu.memory_space<hbm>>)
        tpu.yield
      }) : () -> ()
    }
    %scan3A_70 = arith.constant 13 : i32
    return
  }
}

#map = affine_map<(d0, d1) -> (0, 0)>
#map1 = affine_map<(d0, d1) -> (0)>
module attributes {stable_mosaic.version = 14 : i64} {
  func.func @_sc_gather_body(%arg0: i32, %arg1: i32, %arg2: memref<106496x128xf32, #tpu.memory_space<hbm>>, %arg3: memref<106496xi32, #tpu.memory_space<hbm>>, %arg4: memref<106496x128xf32, #tpu.memory_space<hbm>>, %arg5: memref<3328xi32, #tpu.memory_space<vmem>>, %arg6: memref<3x256x128xf32, #tpu.memory_space<vmem>>, %arg7: memref<3x!tpu.dma_semaphore, #tpu.memory_space<semaphore_mem>>) attributes {dimension_semantics = [#tpu.dimension_semantics<core_parallel>, #tpu.dimension_semantics<subcore_parallel>], iteration_bounds = array<i64: 2, 16>, scalar_prefetch = 0 : i64, scratch_operands = 3 : i64, tpu.core_type = #tpu.core_type<sc_vector_subcore>, window_params = [{transform_indices = #map}, {transform_indices = #map1}, {transform_indices = #map}]} {
    %mul3A = arith.constant 2 : i32
    %mul3A_0 = arith.muli %arg1, %mul3A : i32
    %add3A = arith.addi %mul3A_0, %arg0 : i32
    %mul3A_1 = arith.constant 3328 : i32
    %mul3A_2 = arith.muli %add3A, %mul3A_1 : i32
    "tpu.region"() ({
      %run_scoped3A = tpu.sem_alloc : memref<!tpu.dma_semaphore, #tpu.memory_space<semaphore_mem>>
      %dma_start3A_71 = tpu.memref_slice %arg3[%mul3A_2] : memref<106496xi32, #tpu.memory_space<hbm>> -> memref<3328xi32, #tpu.memory_space<hbm>>
      %dma_start3A_72 = tpu.memref_slice %arg3[%mul3A_2] : memref<106496xi32, #tpu.memory_space<hbm>> -> memref<3328xi32, #tpu.memory_space<hbm>>
      tpu.enqueue_dma source(%dma_start3A_72 : memref<3328xi32, #tpu.memory_space<hbm>>) target(%arg5 : memref<3328xi32, #tpu.memory_space<vmem>>) target_semaphore(%run_scoped3A : memref<!tpu.dma_semaphore, #tpu.memory_space<semaphore_mem>>)
      %dma_wait3A = tpu.memref_slice %arg3[%mul3A_2] : memref<106496xi32, #tpu.memory_space<hbm>> -> memref<3328xi32, #tpu.memory_space<hbm>>
      %dma_wait3A_73 = tpu.memref_slice %arg3[%mul3A_2] : memref<106496xi32, #tpu.memory_space<hbm>> -> memref<3328xi32, #tpu.memory_space<hbm>>
      tpu.wait_dma2 semaphore(%run_scoped3A : memref<!tpu.dma_semaphore, #tpu.memory_space<semaphore_mem>>) src(%dma_wait3A_73 : memref<3328xi32, #tpu.memory_space<hbm>>) dst(%arg5 : memref<3328xi32, #tpu.memory_space<vmem>>)
      tpu.yield
    }) : () -> ()
    %dma_start3A = arith.constant 0 : i32
    %dma_start3A_3 = arith.constant 0 : i32
    %dma_start3A_4 = arith.constant 0 : i32
    %dma_start3A_5 = arith.constant 0 : i32
    %dma_start3A_6 = tpu.memref_slice %arg6[%dma_start3A, %dma_start3A_4, %dma_start3A_5] : memref<3x256x128xf32, #tpu.memory_space<vmem>> -> memref<1x256x128xf32, #tpu.memory_space<vmem>>
    %dma_start3A_7 = tpu.memref_squeeze %dma_start3A_6 : memref<1x256x128xf32, #tpu.memory_space<vmem>> -> memref<256x128xf32, #tpu.memory_space<vmem>>
    %dma_start3A_8 = arith.constant 0 : i32
    %dma_start3A_9 = arith.constant 0 : i32
    %dma_start3A_10 = tpu.memref_slice %dma_start3A_7[%dma_start3A_8, %dma_start3A_9] : memref<256x128xf32, #tpu.memory_space<vmem>> -> memref<128x128xf32, #tpu.memory_space<vmem>>
    %dma_start3A_11 = arith.constant 0 : i32
    %dma_start3A_12 = tpu.memref_slice %arg5[%dma_start3A_11] : memref<3328xi32, #tpu.memory_space<vmem>> -> memref<128xi32, #tpu.memory_space<vmem>>
    %dma_start3A_13 = arith.constant 0 : i32
    %dma_start3A_14 = arith.constant 0 : i32
    %dma_start3A_15 = tpu.memref_slice %arg2[%dma_start3A_13, %dma_start3A_14] : memref<106496x128xf32, #tpu.memory_space<hbm>> -> memref<106496x128xf32, #tpu.memory_space<hbm>>
    %dma_start3A_16 = tpu.memref_slice %arg7[%dma_start3A_3] : memref<3x!tpu.dma_semaphore, #tpu.memory_space<semaphore_mem>> -> memref<1x!tpu.dma_semaphore, #tpu.memory_space<semaphore_mem>>
    %dma_start3A_17 = tpu.memref_squeeze %dma_start3A_16 : memref<1x!tpu.dma_semaphore, #tpu.memory_space<semaphore_mem>> -> memref<!tpu.dma_semaphore, #tpu.memory_space<semaphore_mem>>
    tpu.enqueue_indirect_dma source(%dma_start3A_15 : memref<106496x128xf32, #tpu.memory_space<hbm>>) target(%dma_start3A_10 : memref<128x128xf32, #tpu.memory_space<vmem>>) offsets(%dma_start3A_12 : memref<128xi32, #tpu.memory_space<vmem>>) semaphore(%dma_start3A_17 : memref<!tpu.dma_semaphore, #tpu.memory_space<semaphore_mem>>)
    %dma_start3A_18 = arith.constant 0 : i32
    %dma_start3A_19 = arith.constant 0 : i32
    %dma_start3A_20 = arith.constant 0 : i32
    %dma_start3A_21 = arith.constant 0 : i32
    %dma_start3A_22 = tpu.memref_slice %arg6[%dma_start3A_18, %dma_start3A_20, %dma_start3A_21] : memref<3x256x128xf32, #tpu.memory_space<vmem>> -> memref<1x256x128xf32, #tpu.memory_space<vmem>>
    %dma_start3A_23 = tpu.memref_squeeze %dma_start3A_22 : memref<1x256x128xf32, #tpu.memory_space<vmem>> -> memref<256x128xf32, #tpu.memory_space<vmem>>
    %dma_start3A_24 = arith.constant 128 : i32
    %dma_start3A_25 = arith.constant 0 : i32
    %dma_start3A_26 = tpu.memref_slice %dma_start3A_23[%dma_start3A_24, %dma_start3A_25] : memref<256x128xf32, #tpu.memory_space<vmem>> -> memref<128x128xf32, #tpu.memory_space<vmem>>
    %dma_start3A_27 = arith.constant 128 : i32
    %dma_start3A_28 = tpu.memref_slice %arg5[%dma_start3A_27] : memref<3328xi32, #tpu.memory_space<vmem>> -> memref<128xi32, #tpu.memory_space<vmem>>
    %dma_start3A_29 = arith.constant 0 : i32
    %dma_start3A_30 = arith.constant 0 : i32
    %dma_start3A_31 = tpu.memref_slice %arg2[%dma_start3A_29, %dma_start3A_30] : memref<106496x128xf32, #tpu.memory_space<hbm>> -> memref<106496x128xf32, #tpu.memory_space<hbm>>
    %dma_start3A_32 = tpu.memref_slice %arg7[%dma_start3A_19] : memref<3x!tpu.dma_semaphore, #tpu.memory_space<semaphore_mem>> -> memref<1x!tpu.dma_semaphore, #tpu.memory_space<semaphore_mem>>
    %dma_start3A_33 = tpu.memref_squeeze %dma_start3A_32 : memref<1x!tpu.dma_semaphore, #tpu.memory_space<semaphore_mem>> -> memref<!tpu.dma_semaphore, #tpu.memory_space<semaphore_mem>>
    tpu.enqueue_indirect_dma source(%dma_start3A_31 : memref<106496x128xf32, #tpu.memory_space<hbm>>) target(%dma_start3A_26 : memref<128x128xf32, #tpu.memory_space<vmem>>) offsets(%dma_start3A_28 : memref<128xi32, #tpu.memory_space<vmem>>) semaphore(%dma_start3A_33 : memref<!tpu.dma_semaphore, #tpu.memory_space<semaphore_mem>>)
    %dma_start3A_34 = arith.constant 1 : i32
    %dma_start3A_35 = arith.constant 1 : i32
    %dma_start3A_36 = arith.constant 0 : i32
    %dma_start3A_37 = arith.constant 0 : i32
    %dma_start3A_38 = tpu.memref_slice %arg6[%dma_start3A_34, %dma_start3A_36, %dma_start3A_37] : memref<3x256x128xf32, #tpu.memory_space<vmem>> -> memref<1x256x128xf32, #tpu.memory_space<vmem>>
    %dma_start3A_39 = tpu.memref_squeeze %dma_start3A_38 : memref<1x256x128xf32, #tpu.memory_space<vmem>> -> memref<256x128xf32, #tpu.memory_space<vmem>>
    %dma_start3A_40 = arith.constant 0 : i32
    %dma_start3A_41 = arith.constant 0 : i32
    %dma_start3A_42 = tpu.memref_slice %dma_start3A_39[%dma_start3A_40, %dma_start3A_41] : memref<256x128xf32, #tpu.memory_space<vmem>> -> memref<128x128xf32, #tpu.memory_space<vmem>>
    %dma_start3A_43 = arith.constant 256 : i32
    %dma_start3A_44 = tpu.memref_slice %arg5[%dma_start3A_43] : memref<3328xi32, #tpu.memory_space<vmem>> -> memref<128xi32, #tpu.memory_space<vmem>>
    %dma_start3A_45 = arith.constant 0 : i32
    %dma_start3A_46 = arith.constant 0 : i32
    %dma_start3A_47 = tpu.memref_slice %arg2[%dma_start3A_45, %dma_start3A_46] : memref<106496x128xf32, #tpu.memory_space<hbm>> -> memref<106496x128xf32, #tpu.memory_space<hbm>>
    %dma_start3A_48 = tpu.memref_slice %arg7[%dma_start3A_35] : memref<3x!tpu.dma_semaphore, #tpu.memory_space<semaphore_mem>> -> memref<1x!tpu.dma_semaphore, #tpu.memory_space<semaphore_mem>>
    %dma_start3A_49 = tpu.memref_squeeze %dma_start3A_48 : memref<1x!tpu.dma_semaphore, #tpu.memory_space<semaphore_mem>> -> memref<!tpu.dma_semaphore, #tpu.memory_space<semaphore_mem>>
    tpu.enqueue_indirect_dma source(%dma_start3A_47 : memref<106496x128xf32, #tpu.memory_space<hbm>>) target(%dma_start3A_42 : memref<128x128xf32, #tpu.memory_space<vmem>>) offsets(%dma_start3A_44 : memref<128xi32, #tpu.memory_space<vmem>>) semaphore(%dma_start3A_49 : memref<!tpu.dma_semaphore, #tpu.memory_space<semaphore_mem>>)
    %dma_start3A_50 = arith.constant 1 : i32
    %dma_start3A_51 = arith.constant 1 : i32
    %dma_start3A_52 = arith.constant 0 : i32
    %dma_start3A_53 = arith.constant 0 : i32
    %dma_start3A_54 = tpu.memref_slice %arg6[%dma_start3A_50, %dma_start3A_52, %dma_start3A_53] : memref<3x256x128xf32, #tpu.memory_space<vmem>> -> memref<1x256x128xf32, #tpu.memory_space<vmem>>
    %dma_start3A_55 = tpu.memref_squeeze %dma_start3A_54 : memref<1x256x128xf32, #tpu.memory_space<vmem>> -> memref<256x128xf32, #tpu.memory_space<vmem>>
    %dma_start3A_56 = arith.constant 128 : i32
    %dma_start3A_57 = arith.constant 0 : i32
    %dma_start3A_58 = tpu.memref_slice %dma_start3A_55[%dma_start3A_56, %dma_start3A_57] : memref<256x128xf32, #tpu.memory_space<vmem>> -> memref<128x128xf32, #tpu.memory_space<vmem>>
    %dma_start3A_59 = arith.constant 384 : i32
    %dma_start3A_60 = tpu.memref_slice %arg5[%dma_start3A_59] : memref<3328xi32, #tpu.memory_space<vmem>> -> memref<128xi32, #tpu.memory_space<vmem>>
    %dma_start3A_61 = arith.constant 0 : i32
    %dma_start3A_62 = arith.constant 0 : i32
    %dma_start3A_63 = tpu.memref_slice %arg2[%dma_start3A_61, %dma_start3A_62] : memref<106496x128xf32, #tpu.memory_space<hbm>> -> memref<106496x128xf32, #tpu.memory_space<hbm>>
    %dma_start3A_64 = tpu.memref_slice %arg7[%dma_start3A_51] : memref<3x!tpu.dma_semaphore, #tpu.memory_space<semaphore_mem>> -> memref<1x!tpu.dma_semaphore, #tpu.memory_space<semaphore_mem>>
    %dma_start3A_65 = tpu.memref_squeeze %dma_start3A_64 : memref<1x!tpu.dma_semaphore, #tpu.memory_space<semaphore_mem>> -> memref<!tpu.dma_semaphore, #tpu.memory_space<semaphore_mem>>
    tpu.enqueue_indirect_dma source(%dma_start3A_63 : memref<106496x128xf32, #tpu.memory_space<hbm>>) target(%dma_start3A_58 : memref<128x128xf32, #tpu.memory_space<vmem>>) offsets(%dma_start3A_60 : memref<128xi32, #tpu.memory_space<vmem>>) semaphore(%dma_start3A_65 : memref<!tpu.dma_semaphore, #tpu.memory_space<semaphore_mem>>)
    %scan3A = arith.constant 0 : i32
    %scan3A_66 = arith.constant 0 : i32
    %scan3A_67 = arith.constant 13 : i32
    %scan3A_68 = arith.addi %scan3A_66, %scan3A_67 : i32
    %scan3A_69 = arith.constant 1 : i32
    scf.for %scan3A_71 = %scan3A_66 to %scan3A_68 step %scan3A_69  : i32 {
      %rem3A = arith.constant 3 : i32
      %rem3A_72 = arith.remsi %scan3A_71, %rem3A : i32
      %add3A_73 = arith.constant 3 : i32
      %add3A_74 = arith.addi %scan3A_71, %add3A_73 : i32
      %sub3A = arith.constant 1 : i32
      %sub3A_75 = arith.subi %add3A_74, %sub3A : i32
      %lt3A = arith.constant 13 : i32
      %lt3A_76 = arith.cmpi slt, %sub3A_75, %lt3A : i32
      %convert_element_type3A = arith.extui %lt3A_76 : i1 to i32
      %cond3A = arith.constant 0 : i32
      %cond3A_77 = arith.cmpi ne, %convert_element_type3A, %cond3A : i32
      scf.if %cond3A_77 {
        %add3A_96 = arith.constant 3 : i32
        %add3A_97 = arith.addi %scan3A_71, %add3A_96 : i32
        %sub3A_98 = arith.constant 1 : i32
        %sub3A_99 = arith.subi %add3A_97, %sub3A_98 : i32
        %add3A_100 = arith.constant 3 : i32
        %add3A_101 = arith.addi %scan3A_71, %add3A_100 : i32
        %sub3A_102 = arith.constant 1 : i32
        %sub3A_103 = arith.subi %add3A_101, %sub3A_102 : i32
        %rem3A_104 = arith.constant 3 : i32
        %rem3A_105 = arith.remsi %sub3A_103, %rem3A_104 : i32
        %mul3A_106 = arith.constant 256 : i32
        %mul3A_107 = arith.muli %sub3A_99, %mul3A_106 : i32
        %add3A_108 = arith.constant 0 : i32
        %add3A_109 = arith.addi %mul3A_107, %add3A_108 : i32
        %dma_start3A_110 = arith.constant 0 : i32
        %dma_start3A_111 = arith.constant 0 : i32
        %dma_start3A_112 = tpu.memref_slice %arg6[%rem3A_105, %dma_start3A_110, %dma_start3A_111] : memref<3x256x128xf32, #tpu.memory_space<vmem>> -> memref<1x256x128xf32, #tpu.memory_space<vmem>>
        %dma_start3A_113 = tpu.memref_squeeze %dma_start3A_112 : memref<1x256x128xf32, #tpu.memory_space<vmem>> -> memref<256x128xf32, #tpu.memory_space<vmem>>
        %dma_start3A_114 = arith.constant 0 : i32
        %dma_start3A_115 = arith.constant 0 : i32
        %dma_start3A_116 = tpu.memref_slice %dma_start3A_113[%dma_start3A_114, %dma_start3A_115] : memref<256x128xf32, #tpu.memory_space<vmem>> -> memref<128x128xf32, #tpu.memory_space<vmem>>
        %dma_start3A_117 = tpu.memref_slice %arg5[%add3A_109] : memref<3328xi32, #tpu.memory_space<vmem>> -> memref<128xi32, #tpu.memory_space<vmem>>
        %dma_start3A_118 = arith.constant 0 : i32
        %dma_start3A_119 = arith.constant 0 : i32
        %dma_start3A_120 = tpu.memref_slice %arg2[%dma_start3A_118, %dma_start3A_119] : memref<106496x128xf32, #tpu.memory_space<hbm>> -> memref<106496x128xf32, #tpu.memory_space<hbm>>
        %dma_start3A_121 = tpu.memref_slice %arg7[%rem3A_105] : memref<3x!tpu.dma_semaphore, #tpu.memory_space<semaphore_mem>> -> memref<1x!tpu.dma_semaphore, #tpu.memory_space<semaphore_mem>>
        %dma_start3A_122 = tpu.memref_squeeze %dma_start3A_121 : memref<1x!tpu.dma_semaphore, #tpu.memory_space<semaphore_mem>> -> memref<!tpu.dma_semaphore, #tpu.memory_space<semaphore_mem>>
        tpu.enqueue_indirect_dma source(%dma_start3A_120 : memref<106496x128xf32, #tpu.memory_space<hbm>>) target(%dma_start3A_116 : memref<128x128xf32, #tpu.memory_space<vmem>>) offsets(%dma_start3A_117 : memref<128xi32, #tpu.memory_space<vmem>>) semaphore(%dma_start3A_122 : memref<!tpu.dma_semaphore, #tpu.memory_space<semaphore_mem>>)
        %mul3A_123 = arith.constant 256 : i32
        %mul3A_124 = arith.muli %sub3A_99, %mul3A_123 : i32
        %add3A_125 = arith.constant 128 : i32
        %add3A_126 = arith.addi %mul3A_124, %add3A_125 : i32
        %dma_start3A_127 = arith.constant 0 : i32
        %dma_start3A_128 = arith.constant 0 : i32
        %dma_start3A_129 = tpu.memref_slice %arg6[%rem3A_105, %dma_start3A_127, %dma_start3A_128] : memref<3x256x128xf32, #tpu.memory_space<vmem>> -> memref<1x256x128xf32, #tpu.memory_space<vmem>>
        %dma_start3A_130 = tpu.memref_squeeze %dma_start3A_129 : memref<1x256x128xf32, #tpu.memory_space<vmem>> -> memref<256x128xf32, #tpu.memory_space<vmem>>
        %dma_start3A_131 = arith.constant 128 : i32
        %dma_start3A_132 = arith.constant 0 : i32
        %dma_start3A_133 = tpu.memref_slice %dma_start3A_130[%dma_start3A_131, %dma_start3A_132] : memref<256x128xf32, #tpu.memory_space<vmem>> -> memref<128x128xf32, #tpu.memory_space<vmem>>
        %dma_start3A_134 = tpu.memref_slice %arg5[%add3A_126] : memref<3328xi32, #tpu.memory_space<vmem>> -> memref<128xi32, #tpu.memory_space<vmem>>
        %dma_start3A_135 = arith.constant 0 : i32
        %dma_start3A_136 = arith.constant 0 : i32
        %dma_start3A_137 = tpu.memref_slice %arg2[%dma_start3A_135, %dma_start3A_136] : memref<106496x128xf32, #tpu.memory_space<hbm>> -> memref<106496x128xf32, #tpu.memory_space<hbm>>
        %dma_start3A_138 = tpu.memref_slice %arg7[%rem3A_105] : memref<3x!tpu.dma_semaphore, #tpu.memory_space<semaphore_mem>> -> memref<1x!tpu.dma_semaphore, #tpu.memory_space<semaphore_mem>>
        %dma_start3A_139 = tpu.memref_squeeze %dma_start3A_138 : memref<1x!tpu.dma_semaphore, #tpu.memory_space<semaphore_mem>> -> memref<!tpu.dma_semaphore, #tpu.memory_space<semaphore_mem>>
        tpu.enqueue_indirect_dma source(%dma_start3A_137 : memref<106496x128xf32, #tpu.memory_space<hbm>>) target(%dma_start3A_133 : memref<128x128xf32, #tpu.memory_space<vmem>>) offsets(%dma_start3A_134 : memref<128xi32, #tpu.memory_space<vmem>>) semaphore(%dma_start3A_139 : memref<!tpu.dma_semaphore, #tpu.memory_space<semaphore_mem>>)
      } else {
      }
      %dma_wait3A = arith.constant 0 : i32
      %dma_wait3A_78 = arith.constant 0 : i32
      %dma_wait3A_79 = tpu.memref_slice %arg6[%rem3A_72, %dma_wait3A, %dma_wait3A_78] : memref<3x256x128xf32, #tpu.memory_space<vmem>> -> memref<1x256x128xf32, #tpu.memory_space<vmem>>
      %dma_wait3A_80 = tpu.memref_squeeze %dma_wait3A_79 : memref<1x256x128xf32, #tpu.memory_space<vmem>> -> memref<256x128xf32, #tpu.memory_space<vmem>>
      %dma_wait3A_81 = arith.constant 0 : i32
      %dma_wait3A_82 = arith.constant 0 : i32
      %dma_wait3A_83 = tpu.memref_slice %arg4[%dma_wait3A_81, %dma_wait3A_82] : memref<106496x128xf32, #tpu.memory_space<hbm>> -> memref<256x128xf32, #tpu.memory_space<hbm>>
      %dma_wait3A_84 = tpu.memref_slice %arg7[%rem3A_72] : memref<3x!tpu.dma_semaphore, #tpu.memory_space<semaphore_mem>> -> memref<1x!tpu.dma_semaphore, #tpu.memory_space<semaphore_mem>>
      %dma_wait3A_85 = tpu.memref_squeeze %dma_wait3A_84 : memref<1x!tpu.dma_semaphore, #tpu.memory_space<semaphore_mem>> -> memref<!tpu.dma_semaphore, #tpu.memory_space<semaphore_mem>>
      %dma_wait3A_86 = arith.constant 0 : i32
      %dma_wait3A_87 = arith.constant 0 : i32
      %dma_wait3A_88 = tpu.memref_slice %arg6[%rem3A_72, %dma_wait3A_86, %dma_wait3A_87] : memref<3x256x128xf32, #tpu.memory_space<vmem>> -> memref<1x256x128xf32, #tpu.memory_space<vmem>>
      %dma_wait3A_89 = tpu.memref_squeeze %dma_wait3A_88 : memref<1x256x128xf32, #tpu.memory_space<vmem>> -> memref<256x128xf32, #tpu.memory_space<vmem>>
      %dma_wait3A_90 = arith.constant 0 : i32
      %dma_wait3A_91 = arith.constant 0 : i32
      %dma_wait3A_92 = tpu.memref_slice %arg4[%dma_wait3A_90, %dma_wait3A_91] : memref<106496x128xf32, #tpu.memory_space<hbm>> -> memref<256x128xf32, #tpu.memory_space<hbm>>
      tpu.wait_dma2 semaphore(%dma_wait3A_85 : memref<!tpu.dma_semaphore, #tpu.memory_space<semaphore_mem>>) src(%dma_wait3A_92 : memref<256x128xf32, #tpu.memory_space<hbm>>) dst(%dma_wait3A_89 : memref<256x128xf32, #tpu.memory_space<vmem>>)
      %mul3A_93 = arith.constant 256 : i32
      %mul3A_94 = arith.muli %scan3A_71, %mul3A_93 : i32
      %add3A_95 = arith.addi %mul3A_2, %mul3A_94 : i32
      "tpu.region"() ({
        %run_scoped3A = tpu.sem_alloc : memref<!tpu.dma_semaphore, #tpu.memory_space<semaphore_mem>>
        %dma_start3A_96 = arith.constant 0 : i32
        %dma_start3A_97 = arith.constant 0 : i32
        %dma_start3A_98 = tpu.memref_slice %arg6[%rem3A_72, %dma_start3A_96, %dma_start3A_97] : memref<3x256x128xf32, #tpu.memory_space<vmem>> -> memref<1x256x128xf32, #tpu.memory_space<vmem>>
        %dma_start3A_99 = tpu.memref_squeeze %dma_start3A_98 : memref<1x256x128xf32, #tpu.memory_space<vmem>> -> memref<256x128xf32, #tpu.memory_space<vmem>>
        %dma_start3A_100 = arith.constant 0 : i32
        %dma_start3A_101 = tpu.memref_slice %arg4[%add3A_95, %dma_start3A_100] : memref<106496x128xf32, #tpu.memory_space<hbm>> -> memref<256x128xf32, #tpu.memory_space<hbm>>
        %dma_start3A_102 = arith.constant 0 : i32
        %dma_start3A_103 = tpu.memref_slice %arg4[%add3A_95, %dma_start3A_102] : memref<106496x128xf32, #tpu.memory_space<hbm>> -> memref<256x128xf32, #tpu.memory_space<hbm>>
        %dma_start3A_104 = arith.constant 0 : i32
        %dma_start3A_105 = arith.constant 0 : i32
        %dma_start3A_106 = tpu.memref_slice %arg6[%rem3A_72, %dma_start3A_104, %dma_start3A_105] : memref<3x256x128xf32, #tpu.memory_space<vmem>> -> memref<1x256x128xf32, #tpu.memory_space<vmem>>
        %dma_start3A_107 = tpu.memref_squeeze %dma_start3A_106 : memref<1x256x128xf32, #tpu.memory_space<vmem>> -> memref<256x128xf32, #tpu.memory_space<vmem>>
        tpu.enqueue_dma source(%dma_start3A_107 : memref<256x128xf32, #tpu.memory_space<vmem>>) target(%dma_start3A_103 : memref<256x128xf32, #tpu.memory_space<hbm>>) target_semaphore(%run_scoped3A : memref<!tpu.dma_semaphore, #tpu.memory_space<semaphore_mem>>)
        %dma_wait3A_108 = arith.constant 0 : i32
        %dma_wait3A_109 = arith.constant 0 : i32
        %dma_wait3A_110 = tpu.memref_slice %arg6[%rem3A_72, %dma_wait3A_108, %dma_wait3A_109] : memref<3x256x128xf32, #tpu.memory_space<vmem>> -> memref<1x256x128xf32, #tpu.memory_space<vmem>>
        %dma_wait3A_111 = tpu.memref_squeeze %dma_wait3A_110 : memref<1x256x128xf32, #tpu.memory_space<vmem>> -> memref<256x128xf32, #tpu.memory_space<vmem>>
        %dma_wait3A_112 = arith.constant 0 : i32
        %dma_wait3A_113 = tpu.memref_slice %arg4[%add3A_95, %dma_wait3A_112] : memref<106496x128xf32, #tpu.memory_space<hbm>> -> memref<256x128xf32, #tpu.memory_space<hbm>>
        %dma_wait3A_114 = arith.constant 0 : i32
        %dma_wait3A_115 = tpu.memref_slice %arg4[%add3A_95, %dma_wait3A_114] : memref<106496x128xf32, #tpu.memory_space<hbm>> -> memref<256x128xf32, #tpu.memory_space<hbm>>
        %dma_wait3A_116 = arith.constant 0 : i32
        %dma_wait3A_117 = arith.constant 0 : i32
        %dma_wait3A_118 = tpu.memref_slice %arg6[%rem3A_72, %dma_wait3A_116, %dma_wait3A_117] : memref<3x256x128xf32, #tpu.memory_space<vmem>> -> memref<1x256x128xf32, #tpu.memory_space<vmem>>
        %dma_wait3A_119 = tpu.memref_squeeze %dma_wait3A_118 : memref<1x256x128xf32, #tpu.memory_space<vmem>> -> memref<256x128xf32, #tpu.memory_space<vmem>>
        tpu.wait_dma2 semaphore(%run_scoped3A : memref<!tpu.dma_semaphore, #tpu.memory_space<semaphore_mem>>) src(%dma_wait3A_119 : memref<256x128xf32, #tpu.memory_space<vmem>>) dst(%dma_wait3A_115 : memref<256x128xf32, #tpu.memory_space<hbm>>)
        tpu.yield
      }) : () -> ()
    }
    %scan3A_70 = arith.constant 13 : i32
    return
  }
}

#map = affine_map<(d0, d1) -> (0, 0)>
#map1 = affine_map<(d0, d1) -> (0)>
module attributes {stable_mosaic.version = 14 : i64} {
  func.func @_sc_gather_body(%arg0: i32, %arg1: i32, %arg2: memref<100000x128xf32, #tpu.memory_space<hbm>>, %arg3: memref<81920xi32, #tpu.memory_space<hbm>>, %arg4: memref<81920x128xf32, #tpu.memory_space<hbm>>, %arg5: memref<2560xi32, #tpu.memory_space<vmem>>, %arg6: memref<3x256x128xf32, #tpu.memory_space<vmem>>, %arg7: memref<3x!tpu.dma_semaphore, #tpu.memory_space<semaphore_mem>>) attributes {dimension_semantics = [#tpu.dimension_semantics<core_parallel>, #tpu.dimension_semantics<subcore_parallel>], iteration_bounds = array<i64: 2, 16>, scalar_prefetch = 0 : i64, scratch_operands = 3 : i64, tpu.core_type = #tpu.core_type<sc_vector_subcore>, window_params = [{transform_indices = #map}, {transform_indices = #map1}, {transform_indices = #map}]} {
    %mul3A = arith.constant 2 : i32
    %mul3A_0 = arith.muli %arg1, %mul3A : i32
    %add3A = arith.addi %mul3A_0, %arg0 : i32
    %mul3A_1 = arith.constant 2560 : i32
    %mul3A_2 = arith.muli %add3A, %mul3A_1 : i32
    "tpu.region"() ({
      %run_scoped3A = tpu.sem_alloc : memref<!tpu.dma_semaphore, #tpu.memory_space<semaphore_mem>>
      %dma_start3A_71 = tpu.memref_slice %arg3[%mul3A_2] : memref<81920xi32, #tpu.memory_space<hbm>> -> memref<2560xi32, #tpu.memory_space<hbm>>
      %dma_start3A_72 = tpu.memref_slice %arg3[%mul3A_2] : memref<81920xi32, #tpu.memory_space<hbm>> -> memref<2560xi32, #tpu.memory_space<hbm>>
      tpu.enqueue_dma source(%dma_start3A_72 : memref<2560xi32, #tpu.memory_space<hbm>>) target(%arg5 : memref<2560xi32, #tpu.memory_space<vmem>>) target_semaphore(%run_scoped3A : memref<!tpu.dma_semaphore, #tpu.memory_space<semaphore_mem>>)
      %dma_wait3A = tpu.memref_slice %arg3[%mul3A_2] : memref<81920xi32, #tpu.memory_space<hbm>> -> memref<2560xi32, #tpu.memory_space<hbm>>
      %dma_wait3A_73 = tpu.memref_slice %arg3[%mul3A_2] : memref<81920xi32, #tpu.memory_space<hbm>> -> memref<2560xi32, #tpu.memory_space<hbm>>
      tpu.wait_dma2 semaphore(%run_scoped3A : memref<!tpu.dma_semaphore, #tpu.memory_space<semaphore_mem>>) src(%dma_wait3A_73 : memref<2560xi32, #tpu.memory_space<hbm>>) dst(%arg5 : memref<2560xi32, #tpu.memory_space<vmem>>)
      tpu.yield
    }) : () -> ()
    %dma_start3A = arith.constant 0 : i32
    %dma_start3A_3 = arith.constant 0 : i32
    %dma_start3A_4 = arith.constant 0 : i32
    %dma_start3A_5 = arith.constant 0 : i32
    %dma_start3A_6 = tpu.memref_slice %arg6[%dma_start3A, %dma_start3A_4, %dma_start3A_5] : memref<3x256x128xf32, #tpu.memory_space<vmem>> -> memref<1x256x128xf32, #tpu.memory_space<vmem>>
    %dma_start3A_7 = tpu.memref_squeeze %dma_start3A_6 : memref<1x256x128xf32, #tpu.memory_space<vmem>> -> memref<256x128xf32, #tpu.memory_space<vmem>>
    %dma_start3A_8 = arith.constant 0 : i32
    %dma_start3A_9 = arith.constant 0 : i32
    %dma_start3A_10 = tpu.memref_slice %dma_start3A_7[%dma_start3A_8, %dma_start3A_9] : memref<256x128xf32, #tpu.memory_space<vmem>> -> memref<128x128xf32, #tpu.memory_space<vmem>>
    %dma_start3A_11 = arith.constant 0 : i32
    %dma_start3A_12 = tpu.memref_slice %arg5[%dma_start3A_11] : memref<2560xi32, #tpu.memory_space<vmem>> -> memref<128xi32, #tpu.memory_space<vmem>>
    %dma_start3A_13 = arith.constant 0 : i32
    %dma_start3A_14 = arith.constant 0 : i32
    %dma_start3A_15 = tpu.memref_slice %arg2[%dma_start3A_13, %dma_start3A_14] : memref<100000x128xf32, #tpu.memory_space<hbm>> -> memref<100000x128xf32, #tpu.memory_space<hbm>>
    %dma_start3A_16 = tpu.memref_slice %arg7[%dma_start3A_3] : memref<3x!tpu.dma_semaphore, #tpu.memory_space<semaphore_mem>> -> memref<1x!tpu.dma_semaphore, #tpu.memory_space<semaphore_mem>>
    %dma_start3A_17 = tpu.memref_squeeze %dma_start3A_16 : memref<1x!tpu.dma_semaphore, #tpu.memory_space<semaphore_mem>> -> memref<!tpu.dma_semaphore, #tpu.memory_space<semaphore_mem>>
    tpu.enqueue_indirect_dma source(%dma_start3A_15 : memref<100000x128xf32, #tpu.memory_space<hbm>>) target(%dma_start3A_10 : memref<128x128xf32, #tpu.memory_space<vmem>>) offsets(%dma_start3A_12 : memref<128xi32, #tpu.memory_space<vmem>>) semaphore(%dma_start3A_17 : memref<!tpu.dma_semaphore, #tpu.memory_space<semaphore_mem>>)
    %dma_start3A_18 = arith.constant 0 : i32
    %dma_start3A_19 = arith.constant 0 : i32
    %dma_start3A_20 = arith.constant 0 : i32
    %dma_start3A_21 = arith.constant 0 : i32
    %dma_start3A_22 = tpu.memref_slice %arg6[%dma_start3A_18, %dma_start3A_20, %dma_start3A_21] : memref<3x256x128xf32, #tpu.memory_space<vmem>> -> memref<1x256x128xf32, #tpu.memory_space<vmem>>
    %dma_start3A_23 = tpu.memref_squeeze %dma_start3A_22 : memref<1x256x128xf32, #tpu.memory_space<vmem>> -> memref<256x128xf32, #tpu.memory_space<vmem>>
    %dma_start3A_24 = arith.constant 128 : i32
    %dma_start3A_25 = arith.constant 0 : i32
    %dma_start3A_26 = tpu.memref_slice %dma_start3A_23[%dma_start3A_24, %dma_start3A_25] : memref<256x128xf32, #tpu.memory_space<vmem>> -> memref<128x128xf32, #tpu.memory_space<vmem>>
    %dma_start3A_27 = arith.constant 128 : i32
    %dma_start3A_28 = tpu.memref_slice %arg5[%dma_start3A_27] : memref<2560xi32, #tpu.memory_space<vmem>> -> memref<128xi32, #tpu.memory_space<vmem>>
    %dma_start3A_29 = arith.constant 0 : i32
    %dma_start3A_30 = arith.constant 0 : i32
    %dma_start3A_31 = tpu.memref_slice %arg2[%dma_start3A_29, %dma_start3A_30] : memref<100000x128xf32, #tpu.memory_space<hbm>> -> memref<100000x128xf32, #tpu.memory_space<hbm>>
    %dma_start3A_32 = tpu.memref_slice %arg7[%dma_start3A_19] : memref<3x!tpu.dma_semaphore, #tpu.memory_space<semaphore_mem>> -> memref<1x!tpu.dma_semaphore, #tpu.memory_space<semaphore_mem>>
    %dma_start3A_33 = tpu.memref_squeeze %dma_start3A_32 : memref<1x!tpu.dma_semaphore, #tpu.memory_space<semaphore_mem>> -> memref<!tpu.dma_semaphore, #tpu.memory_space<semaphore_mem>>
    tpu.enqueue_indirect_dma source(%dma_start3A_31 : memref<100000x128xf32, #tpu.memory_space<hbm>>) target(%dma_start3A_26 : memref<128x128xf32, #tpu.memory_space<vmem>>) offsets(%dma_start3A_28 : memref<128xi32, #tpu.memory_space<vmem>>) semaphore(%dma_start3A_33 : memref<!tpu.dma_semaphore, #tpu.memory_space<semaphore_mem>>)
    %dma_start3A_34 = arith.constant 1 : i32
    %dma_start3A_35 = arith.constant 1 : i32
    %dma_start3A_36 = arith.constant 0 : i32
    %dma_start3A_37 = arith.constant 0 : i32
    %dma_start3A_38 = tpu.memref_slice %arg6[%dma_start3A_34, %dma_start3A_36, %dma_start3A_37] : memref<3x256x128xf32, #tpu.memory_space<vmem>> -> memref<1x256x128xf32, #tpu.memory_space<vmem>>
    %dma_start3A_39 = tpu.memref_squeeze %dma_start3A_38 : memref<1x256x128xf32, #tpu.memory_space<vmem>> -> memref<256x128xf32, #tpu.memory_space<vmem>>
    %dma_start3A_40 = arith.constant 0 : i32
    %dma_start3A_41 = arith.constant 0 : i32
    %dma_start3A_42 = tpu.memref_slice %dma_start3A_39[%dma_start3A_40, %dma_start3A_41] : memref<256x128xf32, #tpu.memory_space<vmem>> -> memref<128x128xf32, #tpu.memory_space<vmem>>
    %dma_start3A_43 = arith.constant 256 : i32
    %dma_start3A_44 = tpu.memref_slice %arg5[%dma_start3A_43] : memref<2560xi32, #tpu.memory_space<vmem>> -> memref<128xi32, #tpu.memory_space<vmem>>
    %dma_start3A_45 = arith.constant 0 : i32
    %dma_start3A_46 = arith.constant 0 : i32
    %dma_start3A_47 = tpu.memref_slice %arg2[%dma_start3A_45, %dma_start3A_46] : memref<100000x128xf32, #tpu.memory_space<hbm>> -> memref<100000x128xf32, #tpu.memory_space<hbm>>
    %dma_start3A_48 = tpu.memref_slice %arg7[%dma_start3A_35] : memref<3x!tpu.dma_semaphore, #tpu.memory_space<semaphore_mem>> -> memref<1x!tpu.dma_semaphore, #tpu.memory_space<semaphore_mem>>
    %dma_start3A_49 = tpu.memref_squeeze %dma_start3A_48 : memref<1x!tpu.dma_semaphore, #tpu.memory_space<semaphore_mem>> -> memref<!tpu.dma_semaphore, #tpu.memory_space<semaphore_mem>>
    tpu.enqueue_indirect_dma source(%dma_start3A_47 : memref<100000x128xf32, #tpu.memory_space<hbm>>) target(%dma_start3A_42 : memref<128x128xf32, #tpu.memory_space<vmem>>) offsets(%dma_start3A_44 : memref<128xi32, #tpu.memory_space<vmem>>) semaphore(%dma_start3A_49 : memref<!tpu.dma_semaphore, #tpu.memory_space<semaphore_mem>>)
    %dma_start3A_50 = arith.constant 1 : i32
    %dma_start3A_51 = arith.constant 1 : i32
    %dma_start3A_52 = arith.constant 0 : i32
    %dma_start3A_53 = arith.constant 0 : i32
    %dma_start3A_54 = tpu.memref_slice %arg6[%dma_start3A_50, %dma_start3A_52, %dma_start3A_53] : memref<3x256x128xf32, #tpu.memory_space<vmem>> -> memref<1x256x128xf32, #tpu.memory_space<vmem>>
    %dma_start3A_55 = tpu.memref_squeeze %dma_start3A_54 : memref<1x256x128xf32, #tpu.memory_space<vmem>> -> memref<256x128xf32, #tpu.memory_space<vmem>>
    %dma_start3A_56 = arith.constant 128 : i32
    %dma_start3A_57 = arith.constant 0 : i32
    %dma_start3A_58 = tpu.memref_slice %dma_start3A_55[%dma_start3A_56, %dma_start3A_57] : memref<256x128xf32, #tpu.memory_space<vmem>> -> memref<128x128xf32, #tpu.memory_space<vmem>>
    %dma_start3A_59 = arith.constant 384 : i32
    %dma_start3A_60 = tpu.memref_slice %arg5[%dma_start3A_59] : memref<2560xi32, #tpu.memory_space<vmem>> -> memref<128xi32, #tpu.memory_space<vmem>>
    %dma_start3A_61 = arith.constant 0 : i32
    %dma_start3A_62 = arith.constant 0 : i32
    %dma_start3A_63 = tpu.memref_slice %arg2[%dma_start3A_61, %dma_start3A_62] : memref<100000x128xf32, #tpu.memory_space<hbm>> -> memref<100000x128xf32, #tpu.memory_space<hbm>>
    %dma_start3A_64 = tpu.memref_slice %arg7[%dma_start3A_51] : memref<3x!tpu.dma_semaphore, #tpu.memory_space<semaphore_mem>> -> memref<1x!tpu.dma_semaphore, #tpu.memory_space<semaphore_mem>>
    %dma_start3A_65 = tpu.memref_squeeze %dma_start3A_64 : memref<1x!tpu.dma_semaphore, #tpu.memory_space<semaphore_mem>> -> memref<!tpu.dma_semaphore, #tpu.memory_space<semaphore_mem>>
    tpu.enqueue_indirect_dma source(%dma_start3A_63 : memref<100000x128xf32, #tpu.memory_space<hbm>>) target(%dma_start3A_58 : memref<128x128xf32, #tpu.memory_space<vmem>>) offsets(%dma_start3A_60 : memref<128xi32, #tpu.memory_space<vmem>>) semaphore(%dma_start3A_65 : memref<!tpu.dma_semaphore, #tpu.memory_space<semaphore_mem>>)
    %scan3A = arith.constant 0 : i32
    %scan3A_66 = arith.constant 0 : i32
    %scan3A_67 = arith.constant 10 : i32
    %scan3A_68 = arith.addi %scan3A_66, %scan3A_67 : i32
    %scan3A_69 = arith.constant 1 : i32
    scf.for %scan3A_71 = %scan3A_66 to %scan3A_68 step %scan3A_69  : i32 {
      %rem3A = arith.constant 3 : i32
      %rem3A_72 = arith.remsi %scan3A_71, %rem3A : i32
      %add3A_73 = arith.constant 3 : i32
      %add3A_74 = arith.addi %scan3A_71, %add3A_73 : i32
      %sub3A = arith.constant 1 : i32
      %sub3A_75 = arith.subi %add3A_74, %sub3A : i32
      %lt3A = arith.constant 10 : i32
      %lt3A_76 = arith.cmpi slt, %sub3A_75, %lt3A : i32
      %convert_element_type3A = arith.extui %lt3A_76 : i1 to i32
      %cond3A = arith.constant 0 : i32
      %cond3A_77 = arith.cmpi ne, %convert_element_type3A, %cond3A : i32
      scf.if %cond3A_77 {
        %add3A_96 = arith.constant 3 : i32
        %add3A_97 = arith.addi %scan3A_71, %add3A_96 : i32
        %sub3A_98 = arith.constant 1 : i32
        %sub3A_99 = arith.subi %add3A_97, %sub3A_98 : i32
        %add3A_100 = arith.constant 3 : i32
        %add3A_101 = arith.addi %scan3A_71, %add3A_100 : i32
        %sub3A_102 = arith.constant 1 : i32
        %sub3A_103 = arith.subi %add3A_101, %sub3A_102 : i32
        %rem3A_104 = arith.constant 3 : i32
        %rem3A_105 = arith.remsi %sub3A_103, %rem3A_104 : i32
        %mul3A_106 = arith.constant 256 : i32
        %mul3A_107 = arith.muli %sub3A_99, %mul3A_106 : i32
        %add3A_108 = arith.constant 0 : i32
        %add3A_109 = arith.addi %mul3A_107, %add3A_108 : i32
        %dma_start3A_110 = arith.constant 0 : i32
        %dma_start3A_111 = arith.constant 0 : i32
        %dma_start3A_112 = tpu.memref_slice %arg6[%rem3A_105, %dma_start3A_110, %dma_start3A_111] : memref<3x256x128xf32, #tpu.memory_space<vmem>> -> memref<1x256x128xf32, #tpu.memory_space<vmem>>
        %dma_start3A_113 = tpu.memref_squeeze %dma_start3A_112 : memref<1x256x128xf32, #tpu.memory_space<vmem>> -> memref<256x128xf32, #tpu.memory_space<vmem>>
        %dma_start3A_114 = arith.constant 0 : i32
        %dma_start3A_115 = arith.constant 0 : i32
        %dma_start3A_116 = tpu.memref_slice %dma_start3A_113[%dma_start3A_114, %dma_start3A_115] : memref<256x128xf32, #tpu.memory_space<vmem>> -> memref<128x128xf32, #tpu.memory_space<vmem>>
        %dma_start3A_117 = tpu.memref_slice %arg5[%add3A_109] : memref<2560xi32, #tpu.memory_space<vmem>> -> memref<128xi32, #tpu.memory_space<vmem>>
        %dma_start3A_118 = arith.constant 0 : i32
        %dma_start3A_119 = arith.constant 0 : i32
        %dma_start3A_120 = tpu.memref_slice %arg2[%dma_start3A_118, %dma_start3A_119] : memref<100000x128xf32, #tpu.memory_space<hbm>> -> memref<100000x128xf32, #tpu.memory_space<hbm>>
        %dma_start3A_121 = tpu.memref_slice %arg7[%rem3A_105] : memref<3x!tpu.dma_semaphore, #tpu.memory_space<semaphore_mem>> -> memref<1x!tpu.dma_semaphore, #tpu.memory_space<semaphore_mem>>
        %dma_start3A_122 = tpu.memref_squeeze %dma_start3A_121 : memref<1x!tpu.dma_semaphore, #tpu.memory_space<semaphore_mem>> -> memref<!tpu.dma_semaphore, #tpu.memory_space<semaphore_mem>>
        tpu.enqueue_indirect_dma source(%dma_start3A_120 : memref<100000x128xf32, #tpu.memory_space<hbm>>) target(%dma_start3A_116 : memref<128x128xf32, #tpu.memory_space<vmem>>) offsets(%dma_start3A_117 : memref<128xi32, #tpu.memory_space<vmem>>) semaphore(%dma_start3A_122 : memref<!tpu.dma_semaphore, #tpu.memory_space<semaphore_mem>>)
        %mul3A_123 = arith.constant 256 : i32
        %mul3A_124 = arith.muli %sub3A_99, %mul3A_123 : i32
        %add3A_125 = arith.constant 128 : i32
        %add3A_126 = arith.addi %mul3A_124, %add3A_125 : i32
        %dma_start3A_127 = arith.constant 0 : i32
        %dma_start3A_128 = arith.constant 0 : i32
        %dma_start3A_129 = tpu.memref_slice %arg6[%rem3A_105, %dma_start3A_127, %dma_start3A_128] : memref<3x256x128xf32, #tpu.memory_space<vmem>> -> memref<1x256x128xf32, #tpu.memory_space<vmem>>
        %dma_start3A_130 = tpu.memref_squeeze %dma_start3A_129 : memref<1x256x128xf32, #tpu.memory_space<vmem>> -> memref<256x128xf32, #tpu.memory_space<vmem>>
        %dma_start3A_131 = arith.constant 128 : i32
        %dma_start3A_132 = arith.constant 0 : i32
        %dma_start3A_133 = tpu.memref_slice %dma_start3A_130[%dma_start3A_131, %dma_start3A_132] : memref<256x128xf32, #tpu.memory_space<vmem>> -> memref<128x128xf32, #tpu.memory_space<vmem>>
        %dma_start3A_134 = tpu.memref_slice %arg5[%add3A_126] : memref<2560xi32, #tpu.memory_space<vmem>> -> memref<128xi32, #tpu.memory_space<vmem>>
        %dma_start3A_135 = arith.constant 0 : i32
        %dma_start3A_136 = arith.constant 0 : i32
        %dma_start3A_137 = tpu.memref_slice %arg2[%dma_start3A_135, %dma_start3A_136] : memref<100000x128xf32, #tpu.memory_space<hbm>> -> memref<100000x128xf32, #tpu.memory_space<hbm>>
        %dma_start3A_138 = tpu.memref_slice %arg7[%rem3A_105] : memref<3x!tpu.dma_semaphore, #tpu.memory_space<semaphore_mem>> -> memref<1x!tpu.dma_semaphore, #tpu.memory_space<semaphore_mem>>
        %dma_start3A_139 = tpu.memref_squeeze %dma_start3A_138 : memref<1x!tpu.dma_semaphore, #tpu.memory_space<semaphore_mem>> -> memref<!tpu.dma_semaphore, #tpu.memory_space<semaphore_mem>>
        tpu.enqueue_indirect_dma source(%dma_start3A_137 : memref<100000x128xf32, #tpu.memory_space<hbm>>) target(%dma_start3A_133 : memref<128x128xf32, #tpu.memory_space<vmem>>) offsets(%dma_start3A_134 : memref<128xi32, #tpu.memory_space<vmem>>) semaphore(%dma_start3A_139 : memref<!tpu.dma_semaphore, #tpu.memory_space<semaphore_mem>>)
      } else {
      }
      %dma_wait3A = arith.constant 0 : i32
      %dma_wait3A_78 = arith.constant 0 : i32
      %dma_wait3A_79 = tpu.memref_slice %arg6[%rem3A_72, %dma_wait3A, %dma_wait3A_78] : memref<3x256x128xf32, #tpu.memory_space<vmem>> -> memref<1x256x128xf32, #tpu.memory_space<vmem>>
      %dma_wait3A_80 = tpu.memref_squeeze %dma_wait3A_79 : memref<1x256x128xf32, #tpu.memory_space<vmem>> -> memref<256x128xf32, #tpu.memory_space<vmem>>
      %dma_wait3A_81 = arith.constant 0 : i32
      %dma_wait3A_82 = arith.constant 0 : i32
      %dma_wait3A_83 = tpu.memref_slice %arg4[%dma_wait3A_81, %dma_wait3A_82] : memref<81920x128xf32, #tpu.memory_space<hbm>> -> memref<256x128xf32, #tpu.memory_space<hbm>>
      %dma_wait3A_84 = tpu.memref_slice %arg7[%rem3A_72] : memref<3x!tpu.dma_semaphore, #tpu.memory_space<semaphore_mem>> -> memref<1x!tpu.dma_semaphore, #tpu.memory_space<semaphore_mem>>
      %dma_wait3A_85 = tpu.memref_squeeze %dma_wait3A_84 : memref<1x!tpu.dma_semaphore, #tpu.memory_space<semaphore_mem>> -> memref<!tpu.dma_semaphore, #tpu.memory_space<semaphore_mem>>
      %dma_wait3A_86 = arith.constant 0 : i32
      %dma_wait3A_87 = arith.constant 0 : i32
      %dma_wait3A_88 = tpu.memref_slice %arg6[%rem3A_72, %dma_wait3A_86, %dma_wait3A_87] : memref<3x256x128xf32, #tpu.memory_space<vmem>> -> memref<1x256x128xf32, #tpu.memory_space<vmem>>
      %dma_wait3A_89 = tpu.memref_squeeze %dma_wait3A_88 : memref<1x256x128xf32, #tpu.memory_space<vmem>> -> memref<256x128xf32, #tpu.memory_space<vmem>>
      %dma_wait3A_90 = arith.constant 0 : i32
      %dma_wait3A_91 = arith.constant 0 : i32
      %dma_wait3A_92 = tpu.memref_slice %arg4[%dma_wait3A_90, %dma_wait3A_91] : memref<81920x128xf32, #tpu.memory_space<hbm>> -> memref<256x128xf32, #tpu.memory_space<hbm>>
      tpu.wait_dma2 semaphore(%dma_wait3A_85 : memref<!tpu.dma_semaphore, #tpu.memory_space<semaphore_mem>>) src(%dma_wait3A_92 : memref<256x128xf32, #tpu.memory_space<hbm>>) dst(%dma_wait3A_89 : memref<256x128xf32, #tpu.memory_space<vmem>>)
      %mul3A_93 = arith.constant 256 : i32
      %mul3A_94 = arith.muli %scan3A_71, %mul3A_93 : i32
      %add3A_95 = arith.addi %mul3A_2, %mul3A_94 : i32
      "tpu.region"() ({
        %run_scoped3A = tpu.sem_alloc : memref<!tpu.dma_semaphore, #tpu.memory_space<semaphore_mem>>
        %dma_start3A_96 = arith.constant 0 : i32
        %dma_start3A_97 = arith.constant 0 : i32
        %dma_start3A_98 = tpu.memref_slice %arg6[%rem3A_72, %dma_start3A_96, %dma_start3A_97] : memref<3x256x128xf32, #tpu.memory_space<vmem>> -> memref<1x256x128xf32, #tpu.memory_space<vmem>>
        %dma_start3A_99 = tpu.memref_squeeze %dma_start3A_98 : memref<1x256x128xf32, #tpu.memory_space<vmem>> -> memref<256x128xf32, #tpu.memory_space<vmem>>
        %dma_start3A_100 = arith.constant 0 : i32
        %dma_start3A_101 = tpu.memref_slice %arg4[%add3A_95, %dma_start3A_100] : memref<81920x128xf32, #tpu.memory_space<hbm>> -> memref<256x128xf32, #tpu.memory_space<hbm>>
        %dma_start3A_102 = arith.constant 0 : i32
        %dma_start3A_103 = tpu.memref_slice %arg4[%add3A_95, %dma_start3A_102] : memref<81920x128xf32, #tpu.memory_space<hbm>> -> memref<256x128xf32, #tpu.memory_space<hbm>>
        %dma_start3A_104 = arith.constant 0 : i32
        %dma_start3A_105 = arith.constant 0 : i32
        %dma_start3A_106 = tpu.memref_slice %arg6[%rem3A_72, %dma_start3A_104, %dma_start3A_105] : memref<3x256x128xf32, #tpu.memory_space<vmem>> -> memref<1x256x128xf32, #tpu.memory_space<vmem>>
        %dma_start3A_107 = tpu.memref_squeeze %dma_start3A_106 : memref<1x256x128xf32, #tpu.memory_space<vmem>> -> memref<256x128xf32, #tpu.memory_space<vmem>>
        tpu.enqueue_dma source(%dma_start3A_107 : memref<256x128xf32, #tpu.memory_space<vmem>>) target(%dma_start3A_103 : memref<256x128xf32, #tpu.memory_space<hbm>>) target_semaphore(%run_scoped3A : memref<!tpu.dma_semaphore, #tpu.memory_space<semaphore_mem>>)
        %dma_wait3A_108 = arith.constant 0 : i32
        %dma_wait3A_109 = arith.constant 0 : i32
        %dma_wait3A_110 = tpu.memref_slice %arg6[%rem3A_72, %dma_wait3A_108, %dma_wait3A_109] : memref<3x256x128xf32, #tpu.memory_space<vmem>> -> memref<1x256x128xf32, #tpu.memory_space<vmem>>
        %dma_wait3A_111 = tpu.memref_squeeze %dma_wait3A_110 : memref<1x256x128xf32, #tpu.memory_space<vmem>> -> memref<256x128xf32, #tpu.memory_space<vmem>>
        %dma_wait3A_112 = arith.constant 0 : i32
        %dma_wait3A_113 = tpu.memref_slice %arg4[%add3A_95, %dma_wait3A_112] : memref<81920x128xf32, #tpu.memory_space<hbm>> -> memref<256x128xf32, #tpu.memory_space<hbm>>
        %dma_wait3A_114 = arith.constant 0 : i32
        %dma_wait3A_115 = tpu.memref_slice %arg4[%add3A_95, %dma_wait3A_114] : memref<81920x128xf32, #tpu.memory_space<hbm>> -> memref<256x128xf32, #tpu.memory_space<hbm>>
        %dma_wait3A_116 = arith.constant 0 : i32
        %dma_wait3A_117 = arith.constant 0 : i32
        %dma_wait3A_118 = tpu.memref_slice %arg6[%rem3A_72, %dma_wait3A_116, %dma_wait3A_117] : memref<3x256x128xf32, #tpu.memory_space<vmem>> -> memref<1x256x128xf32, #tpu.memory_space<vmem>>
        %dma_wait3A_119 = tpu.memref_squeeze %dma_wait3A_118 : memref<1x256x128xf32, #tpu.memory_space<vmem>> -> memref<256x128xf32, #tpu.memory_space<vmem>>
        tpu.wait_dma2 semaphore(%run_scoped3A : memref<!tpu.dma_semaphore, #tpu.memory_space<semaphore_mem>>) src(%dma_wait3A_119 : memref<256x128xf32, #tpu.memory_space<vmem>>) dst(%dma_wait3A_115 : memref<256x128xf32, #tpu.memory_space<hbm>>)
        tpu.yield
      }) : () -> ()
    }
    %scan3A_70 = arith.constant 10 : i32
    return
  }
}

#map = affine_map<(d0, d1) -> (0, 0)>
#map1 = affine_map<(d0, d1) -> (0)>
module attributes {stable_mosaic.version = 14 : i64} {
  func.func @_sc_gather_body(%arg0: i32, %arg1: i32, %arg2: memref<200000x128xf32, #tpu.memory_space<hbm>>, %arg3: memref<327680xi32, #tpu.memory_space<hbm>>, %arg4: memref<327680x128xf32, #tpu.memory_space<hbm>>, %arg5: memref<10240xi32, #tpu.memory_space<vmem>>, %arg6: memref<3x256x128xf32, #tpu.memory_space<vmem>>, %arg7: memref<3x!tpu.dma_semaphore, #tpu.memory_space<semaphore_mem>>) attributes {dimension_semantics = [#tpu.dimension_semantics<core_parallel>, #tpu.dimension_semantics<subcore_parallel>], iteration_bounds = array<i64: 2, 16>, scalar_prefetch = 0 : i64, scratch_operands = 3 : i64, tpu.core_type = #tpu.core_type<sc_vector_subcore>, window_params = [{transform_indices = #map}, {transform_indices = #map1}, {transform_indices = #map}]} {
    %mul3A = arith.constant 2 : i32
    %mul3A_0 = arith.muli %arg1, %mul3A : i32
    %add3A = arith.addi %mul3A_0, %arg0 : i32
    %mul3A_1 = arith.constant 10240 : i32
    %mul3A_2 = arith.muli %add3A, %mul3A_1 : i32
    "tpu.region"() ({
      %run_scoped3A = tpu.sem_alloc : memref<!tpu.dma_semaphore, #tpu.memory_space<semaphore_mem>>
      %dma_start3A_71 = tpu.memref_slice %arg3[%mul3A_2] : memref<327680xi32, #tpu.memory_space<hbm>> -> memref<10240xi32, #tpu.memory_space<hbm>>
      %dma_start3A_72 = tpu.memref_slice %arg3[%mul3A_2] : memref<327680xi32, #tpu.memory_space<hbm>> -> memref<10240xi32, #tpu.memory_space<hbm>>
      tpu.enqueue_dma source(%dma_start3A_72 : memref<10240xi32, #tpu.memory_space<hbm>>) target(%arg5 : memref<10240xi32, #tpu.memory_space<vmem>>) target_semaphore(%run_scoped3A : memref<!tpu.dma_semaphore, #tpu.memory_space<semaphore_mem>>)
      %dma_wait3A = tpu.memref_slice %arg3[%mul3A_2] : memref<327680xi32, #tpu.memory_space<hbm>> -> memref<10240xi32, #tpu.memory_space<hbm>>
      %dma_wait3A_73 = tpu.memref_slice %arg3[%mul3A_2] : memref<327680xi32, #tpu.memory_space<hbm>> -> memref<10240xi32, #tpu.memory_space<hbm>>
      tpu.wait_dma2 semaphore(%run_scoped3A : memref<!tpu.dma_semaphore, #tpu.memory_space<semaphore_mem>>) src(%dma_wait3A_73 : memref<10240xi32, #tpu.memory_space<hbm>>) dst(%arg5 : memref<10240xi32, #tpu.memory_space<vmem>>)
      tpu.yield
    }) : () -> ()
    %dma_start3A = arith.constant 0 : i32
    %dma_start3A_3 = arith.constant 0 : i32
    %dma_start3A_4 = arith.constant 0 : i32
    %dma_start3A_5 = arith.constant 0 : i32
    %dma_start3A_6 = tpu.memref_slice %arg6[%dma_start3A, %dma_start3A_4, %dma_start3A_5] : memref<3x256x128xf32, #tpu.memory_space<vmem>> -> memref<1x256x128xf32, #tpu.memory_space<vmem>>
    %dma_start3A_7 = tpu.memref_squeeze %dma_start3A_6 : memref<1x256x128xf32, #tpu.memory_space<vmem>> -> memref<256x128xf32, #tpu.memory_space<vmem>>
    %dma_start3A_8 = arith.constant 0 : i32
    %dma_start3A_9 = arith.constant 0 : i32
    %dma_start3A_10 = tpu.memref_slice %dma_start3A_7[%dma_start3A_8, %dma_start3A_9] : memref<256x128xf32, #tpu.memory_space<vmem>> -> memref<128x128xf32, #tpu.memory_space<vmem>>
    %dma_start3A_11 = arith.constant 0 : i32
    %dma_start3A_12 = tpu.memref_slice %arg5[%dma_start3A_11] : memref<10240xi32, #tpu.memory_space<vmem>> -> memref<128xi32, #tpu.memory_space<vmem>>
    %dma_start3A_13 = arith.constant 0 : i32
    %dma_start3A_14 = arith.constant 0 : i32
    %dma_start3A_15 = tpu.memref_slice %arg2[%dma_start3A_13, %dma_start3A_14] : memref<200000x128xf32, #tpu.memory_space<hbm>> -> memref<200000x128xf32, #tpu.memory_space<hbm>>
    %dma_start3A_16 = tpu.memref_slice %arg7[%dma_start3A_3] : memref<3x!tpu.dma_semaphore, #tpu.memory_space<semaphore_mem>> -> memref<1x!tpu.dma_semaphore, #tpu.memory_space<semaphore_mem>>
    %dma_start3A_17 = tpu.memref_squeeze %dma_start3A_16 : memref<1x!tpu.dma_semaphore, #tpu.memory_space<semaphore_mem>> -> memref<!tpu.dma_semaphore, #tpu.memory_space<semaphore_mem>>
    tpu.enqueue_indirect_dma source(%dma_start3A_15 : memref<200000x128xf32, #tpu.memory_space<hbm>>) target(%dma_start3A_10 : memref<128x128xf32, #tpu.memory_space<vmem>>) offsets(%dma_start3A_12 : memref<128xi32, #tpu.memory_space<vmem>>) semaphore(%dma_start3A_17 : memref<!tpu.dma_semaphore, #tpu.memory_space<semaphore_mem>>)
    %dma_start3A_18 = arith.constant 0 : i32
    %dma_start3A_19 = arith.constant 0 : i32
    %dma_start3A_20 = arith.constant 0 : i32
    %dma_start3A_21 = arith.constant 0 : i32
    %dma_start3A_22 = tpu.memref_slice %arg6[%dma_start3A_18, %dma_start3A_20, %dma_start3A_21] : memref<3x256x128xf32, #tpu.memory_space<vmem>> -> memref<1x256x128xf32, #tpu.memory_space<vmem>>
    %dma_start3A_23 = tpu.memref_squeeze %dma_start3A_22 : memref<1x256x128xf32, #tpu.memory_space<vmem>> -> memref<256x128xf32, #tpu.memory_space<vmem>>
    %dma_start3A_24 = arith.constant 128 : i32
    %dma_start3A_25 = arith.constant 0 : i32
    %dma_start3A_26 = tpu.memref_slice %dma_start3A_23[%dma_start3A_24, %dma_start3A_25] : memref<256x128xf32, #tpu.memory_space<vmem>> -> memref<128x128xf32, #tpu.memory_space<vmem>>
    %dma_start3A_27 = arith.constant 128 : i32
    %dma_start3A_28 = tpu.memref_slice %arg5[%dma_start3A_27] : memref<10240xi32, #tpu.memory_space<vmem>> -> memref<128xi32, #tpu.memory_space<vmem>>
    %dma_start3A_29 = arith.constant 0 : i32
    %dma_start3A_30 = arith.constant 0 : i32
    %dma_start3A_31 = tpu.memref_slice %arg2[%dma_start3A_29, %dma_start3A_30] : memref<200000x128xf32, #tpu.memory_space<hbm>> -> memref<200000x128xf32, #tpu.memory_space<hbm>>
    %dma_start3A_32 = tpu.memref_slice %arg7[%dma_start3A_19] : memref<3x!tpu.dma_semaphore, #tpu.memory_space<semaphore_mem>> -> memref<1x!tpu.dma_semaphore, #tpu.memory_space<semaphore_mem>>
    %dma_start3A_33 = tpu.memref_squeeze %dma_start3A_32 : memref<1x!tpu.dma_semaphore, #tpu.memory_space<semaphore_mem>> -> memref<!tpu.dma_semaphore, #tpu.memory_space<semaphore_mem>>
    tpu.enqueue_indirect_dma source(%dma_start3A_31 : memref<200000x128xf32, #tpu.memory_space<hbm>>) target(%dma_start3A_26 : memref<128x128xf32, #tpu.memory_space<vmem>>) offsets(%dma_start3A_28 : memref<128xi32, #tpu.memory_space<vmem>>) semaphore(%dma_start3A_33 : memref<!tpu.dma_semaphore, #tpu.memory_space<semaphore_mem>>)
    %dma_start3A_34 = arith.constant 1 : i32
    %dma_start3A_35 = arith.constant 1 : i32
    %dma_start3A_36 = arith.constant 0 : i32
    %dma_start3A_37 = arith.constant 0 : i32
    %dma_start3A_38 = tpu.memref_slice %arg6[%dma_start3A_34, %dma_start3A_36, %dma_start3A_37] : memref<3x256x128xf32, #tpu.memory_space<vmem>> -> memref<1x256x128xf32, #tpu.memory_space<vmem>>
    %dma_start3A_39 = tpu.memref_squeeze %dma_start3A_38 : memref<1x256x128xf32, #tpu.memory_space<vmem>> -> memref<256x128xf32, #tpu.memory_space<vmem>>
    %dma_start3A_40 = arith.constant 0 : i32
    %dma_start3A_41 = arith.constant 0 : i32
    %dma_start3A_42 = tpu.memref_slice %dma_start3A_39[%dma_start3A_40, %dma_start3A_41] : memref<256x128xf32, #tpu.memory_space<vmem>> -> memref<128x128xf32, #tpu.memory_space<vmem>>
    %dma_start3A_43 = arith.constant 256 : i32
    %dma_start3A_44 = tpu.memref_slice %arg5[%dma_start3A_43] : memref<10240xi32, #tpu.memory_space<vmem>> -> memref<128xi32, #tpu.memory_space<vmem>>
    %dma_start3A_45 = arith.constant 0 : i32
    %dma_start3A_46 = arith.constant 0 : i32
    %dma_start3A_47 = tpu.memref_slice %arg2[%dma_start3A_45, %dma_start3A_46] : memref<200000x128xf32, #tpu.memory_space<hbm>> -> memref<200000x128xf32, #tpu.memory_space<hbm>>
    %dma_start3A_48 = tpu.memref_slice %arg7[%dma_start3A_35] : memref<3x!tpu.dma_semaphore, #tpu.memory_space<semaphore_mem>> -> memref<1x!tpu.dma_semaphore, #tpu.memory_space<semaphore_mem>>
    %dma_start3A_49 = tpu.memref_squeeze %dma_start3A_48 : memref<1x!tpu.dma_semaphore, #tpu.memory_space<semaphore_mem>> -> memref<!tpu.dma_semaphore, #tpu.memory_space<semaphore_mem>>
    tpu.enqueue_indirect_dma source(%dma_start3A_47 : memref<200000x128xf32, #tpu.memory_space<hbm>>) target(%dma_start3A_42 : memref<128x128xf32, #tpu.memory_space<vmem>>) offsets(%dma_start3A_44 : memref<128xi32, #tpu.memory_space<vmem>>) semaphore(%dma_start3A_49 : memref<!tpu.dma_semaphore, #tpu.memory_space<semaphore_mem>>)
    %dma_start3A_50 = arith.constant 1 : i32
    %dma_start3A_51 = arith.constant 1 : i32
    %dma_start3A_52 = arith.constant 0 : i32
    %dma_start3A_53 = arith.constant 0 : i32
    %dma_start3A_54 = tpu.memref_slice %arg6[%dma_start3A_50, %dma_start3A_52, %dma_start3A_53] : memref<3x256x128xf32, #tpu.memory_space<vmem>> -> memref<1x256x128xf32, #tpu.memory_space<vmem>>
    %dma_start3A_55 = tpu.memref_squeeze %dma_start3A_54 : memref<1x256x128xf32, #tpu.memory_space<vmem>> -> memref<256x128xf32, #tpu.memory_space<vmem>>
    %dma_start3A_56 = arith.constant 128 : i32
    %dma_start3A_57 = arith.constant 0 : i32
    %dma_start3A_58 = tpu.memref_slice %dma_start3A_55[%dma_start3A_56, %dma_start3A_57] : memref<256x128xf32, #tpu.memory_space<vmem>> -> memref<128x128xf32, #tpu.memory_space<vmem>>
    %dma_start3A_59 = arith.constant 384 : i32
    %dma_start3A_60 = tpu.memref_slice %arg5[%dma_start3A_59] : memref<10240xi32, #tpu.memory_space<vmem>> -> memref<128xi32, #tpu.memory_space<vmem>>
    %dma_start3A_61 = arith.constant 0 : i32
    %dma_start3A_62 = arith.constant 0 : i32
    %dma_start3A_63 = tpu.memref_slice %arg2[%dma_start3A_61, %dma_start3A_62] : memref<200000x128xf32, #tpu.memory_space<hbm>> -> memref<200000x128xf32, #tpu.memory_space<hbm>>
    %dma_start3A_64 = tpu.memref_slice %arg7[%dma_start3A_51] : memref<3x!tpu.dma_semaphore, #tpu.memory_space<semaphore_mem>> -> memref<1x!tpu.dma_semaphore, #tpu.memory_space<semaphore_mem>>
    %dma_start3A_65 = tpu.memref_squeeze %dma_start3A_64 : memref<1x!tpu.dma_semaphore, #tpu.memory_space<semaphore_mem>> -> memref<!tpu.dma_semaphore, #tpu.memory_space<semaphore_mem>>
    tpu.enqueue_indirect_dma source(%dma_start3A_63 : memref<200000x128xf32, #tpu.memory_space<hbm>>) target(%dma_start3A_58 : memref<128x128xf32, #tpu.memory_space<vmem>>) offsets(%dma_start3A_60 : memref<128xi32, #tpu.memory_space<vmem>>) semaphore(%dma_start3A_65 : memref<!tpu.dma_semaphore, #tpu.memory_space<semaphore_mem>>)
    %scan3A = arith.constant 0 : i32
    %scan3A_66 = arith.constant 0 : i32
    %scan3A_67 = arith.constant 40 : i32
    %scan3A_68 = arith.addi %scan3A_66, %scan3A_67 : i32
    %scan3A_69 = arith.constant 1 : i32
    scf.for %scan3A_71 = %scan3A_66 to %scan3A_68 step %scan3A_69  : i32 {
      %rem3A = arith.constant 3 : i32
      %rem3A_72 = arith.remsi %scan3A_71, %rem3A : i32
      %add3A_73 = arith.constant 3 : i32
      %add3A_74 = arith.addi %scan3A_71, %add3A_73 : i32
      %sub3A = arith.constant 1 : i32
      %sub3A_75 = arith.subi %add3A_74, %sub3A : i32
      %lt3A = arith.constant 40 : i32
      %lt3A_76 = arith.cmpi slt, %sub3A_75, %lt3A : i32
      %convert_element_type3A = arith.extui %lt3A_76 : i1 to i32
      %cond3A = arith.constant 0 : i32
      %cond3A_77 = arith.cmpi ne, %convert_element_type3A, %cond3A : i32
      scf.if %cond3A_77 {
        %add3A_96 = arith.constant 3 : i32
        %add3A_97 = arith.addi %scan3A_71, %add3A_96 : i32
        %sub3A_98 = arith.constant 1 : i32
        %sub3A_99 = arith.subi %add3A_97, %sub3A_98 : i32
        %add3A_100 = arith.constant 3 : i32
        %add3A_101 = arith.addi %scan3A_71, %add3A_100 : i32
        %sub3A_102 = arith.constant 1 : i32
        %sub3A_103 = arith.subi %add3A_101, %sub3A_102 : i32
        %rem3A_104 = arith.constant 3 : i32
        %rem3A_105 = arith.remsi %sub3A_103, %rem3A_104 : i32
        %mul3A_106 = arith.constant 256 : i32
        %mul3A_107 = arith.muli %sub3A_99, %mul3A_106 : i32
        %add3A_108 = arith.constant 0 : i32
        %add3A_109 = arith.addi %mul3A_107, %add3A_108 : i32
        %dma_start3A_110 = arith.constant 0 : i32
        %dma_start3A_111 = arith.constant 0 : i32
        %dma_start3A_112 = tpu.memref_slice %arg6[%rem3A_105, %dma_start3A_110, %dma_start3A_111] : memref<3x256x128xf32, #tpu.memory_space<vmem>> -> memref<1x256x128xf32, #tpu.memory_space<vmem>>
        %dma_start3A_113 = tpu.memref_squeeze %dma_start3A_112 : memref<1x256x128xf32, #tpu.memory_space<vmem>> -> memref<256x128xf32, #tpu.memory_space<vmem>>
        %dma_start3A_114 = arith.constant 0 : i32
        %dma_start3A_115 = arith.constant 0 : i32
        %dma_start3A_116 = tpu.memref_slice %dma_start3A_113[%dma_start3A_114, %dma_start3A_115] : memref<256x128xf32, #tpu.memory_space<vmem>> -> memref<128x128xf32, #tpu.memory_space<vmem>>
        %dma_start3A_117 = tpu.memref_slice %arg5[%add3A_109] : memref<10240xi32, #tpu.memory_space<vmem>> -> memref<128xi32, #tpu.memory_space<vmem>>
        %dma_start3A_118 = arith.constant 0 : i32
        %dma_start3A_119 = arith.constant 0 : i32
        %dma_start3A_120 = tpu.memref_slice %arg2[%dma_start3A_118, %dma_start3A_119] : memref<200000x128xf32, #tpu.memory_space<hbm>> -> memref<200000x128xf32, #tpu.memory_space<hbm>>
        %dma_start3A_121 = tpu.memref_slice %arg7[%rem3A_105] : memref<3x!tpu.dma_semaphore, #tpu.memory_space<semaphore_mem>> -> memref<1x!tpu.dma_semaphore, #tpu.memory_space<semaphore_mem>>
        %dma_start3A_122 = tpu.memref_squeeze %dma_start3A_121 : memref<1x!tpu.dma_semaphore, #tpu.memory_space<semaphore_mem>> -> memref<!tpu.dma_semaphore, #tpu.memory_space<semaphore_mem>>
        tpu.enqueue_indirect_dma source(%dma_start3A_120 : memref<200000x128xf32, #tpu.memory_space<hbm>>) target(%dma_start3A_116 : memref<128x128xf32, #tpu.memory_space<vmem>>) offsets(%dma_start3A_117 : memref<128xi32, #tpu.memory_space<vmem>>) semaphore(%dma_start3A_122 : memref<!tpu.dma_semaphore, #tpu.memory_space<semaphore_mem>>)
        %mul3A_123 = arith.constant 256 : i32
        %mul3A_124 = arith.muli %sub3A_99, %mul3A_123 : i32
        %add3A_125 = arith.constant 128 : i32
        %add3A_126 = arith.addi %mul3A_124, %add3A_125 : i32
        %dma_start3A_127 = arith.constant 0 : i32
        %dma_start3A_128 = arith.constant 0 : i32
        %dma_start3A_129 = tpu.memref_slice %arg6[%rem3A_105, %dma_start3A_127, %dma_start3A_128] : memref<3x256x128xf32, #tpu.memory_space<vmem>> -> memref<1x256x128xf32, #tpu.memory_space<vmem>>
        %dma_start3A_130 = tpu.memref_squeeze %dma_start3A_129 : memref<1x256x128xf32, #tpu.memory_space<vmem>> -> memref<256x128xf32, #tpu.memory_space<vmem>>
        %dma_start3A_131 = arith.constant 128 : i32
        %dma_start3A_132 = arith.constant 0 : i32
        %dma_start3A_133 = tpu.memref_slice %dma_start3A_130[%dma_start3A_131, %dma_start3A_132] : memref<256x128xf32, #tpu.memory_space<vmem>> -> memref<128x128xf32, #tpu.memory_space<vmem>>
        %dma_start3A_134 = tpu.memref_slice %arg5[%add3A_126] : memref<10240xi32, #tpu.memory_space<vmem>> -> memref<128xi32, #tpu.memory_space<vmem>>
        %dma_start3A_135 = arith.constant 0 : i32
        %dma_start3A_136 = arith.constant 0 : i32
        %dma_start3A_137 = tpu.memref_slice %arg2[%dma_start3A_135, %dma_start3A_136] : memref<200000x128xf32, #tpu.memory_space<hbm>> -> memref<200000x128xf32, #tpu.memory_space<hbm>>
        %dma_start3A_138 = tpu.memref_slice %arg7[%rem3A_105] : memref<3x!tpu.dma_semaphore, #tpu.memory_space<semaphore_mem>> -> memref<1x!tpu.dma_semaphore, #tpu.memory_space<semaphore_mem>>
        %dma_start3A_139 = tpu.memref_squeeze %dma_start3A_138 : memref<1x!tpu.dma_semaphore, #tpu.memory_space<semaphore_mem>> -> memref<!tpu.dma_semaphore, #tpu.memory_space<semaphore_mem>>
        tpu.enqueue_indirect_dma source(%dma_start3A_137 : memref<200000x128xf32, #tpu.memory_space<hbm>>) target(%dma_start3A_133 : memref<128x128xf32, #tpu.memory_space<vmem>>) offsets(%dma_start3A_134 : memref<128xi32, #tpu.memory_space<vmem>>) semaphore(%dma_start3A_139 : memref<!tpu.dma_semaphore, #tpu.memory_space<semaphore_mem>>)
      } else {
      }
      %dma_wait3A = arith.constant 0 : i32
      %dma_wait3A_78 = arith.constant 0 : i32
      %dma_wait3A_79 = tpu.memref_slice %arg6[%rem3A_72, %dma_wait3A, %dma_wait3A_78] : memref<3x256x128xf32, #tpu.memory_space<vmem>> -> memref<1x256x128xf32, #tpu.memory_space<vmem>>
      %dma_wait3A_80 = tpu.memref_squeeze %dma_wait3A_79 : memref<1x256x128xf32, #tpu.memory_space<vmem>> -> memref<256x128xf32, #tpu.memory_space<vmem>>
      %dma_wait3A_81 = arith.constant 0 : i32
      %dma_wait3A_82 = arith.constant 0 : i32
      %dma_wait3A_83 = tpu.memref_slice %arg4[%dma_wait3A_81, %dma_wait3A_82] : memref<327680x128xf32, #tpu.memory_space<hbm>> -> memref<256x128xf32, #tpu.memory_space<hbm>>
      %dma_wait3A_84 = tpu.memref_slice %arg7[%rem3A_72] : memref<3x!tpu.dma_semaphore, #tpu.memory_space<semaphore_mem>> -> memref<1x!tpu.dma_semaphore, #tpu.memory_space<semaphore_mem>>
      %dma_wait3A_85 = tpu.memref_squeeze %dma_wait3A_84 : memref<1x!tpu.dma_semaphore, #tpu.memory_space<semaphore_mem>> -> memref<!tpu.dma_semaphore, #tpu.memory_space<semaphore_mem>>
      %dma_wait3A_86 = arith.constant 0 : i32
      %dma_wait3A_87 = arith.constant 0 : i32
      %dma_wait3A_88 = tpu.memref_slice %arg6[%rem3A_72, %dma_wait3A_86, %dma_wait3A_87] : memref<3x256x128xf32, #tpu.memory_space<vmem>> -> memref<1x256x128xf32, #tpu.memory_space<vmem>>
      %dma_wait3A_89 = tpu.memref_squeeze %dma_wait3A_88 : memref<1x256x128xf32, #tpu.memory_space<vmem>> -> memref<256x128xf32, #tpu.memory_space<vmem>>
      %dma_wait3A_90 = arith.constant 0 : i32
      %dma_wait3A_91 = arith.constant 0 : i32
      %dma_wait3A_92 = tpu.memref_slice %arg4[%dma_wait3A_90, %dma_wait3A_91] : memref<327680x128xf32, #tpu.memory_space<hbm>> -> memref<256x128xf32, #tpu.memory_space<hbm>>
      tpu.wait_dma2 semaphore(%dma_wait3A_85 : memref<!tpu.dma_semaphore, #tpu.memory_space<semaphore_mem>>) src(%dma_wait3A_92 : memref<256x128xf32, #tpu.memory_space<hbm>>) dst(%dma_wait3A_89 : memref<256x128xf32, #tpu.memory_space<vmem>>)
      %mul3A_93 = arith.constant 256 : i32
      %mul3A_94 = arith.muli %scan3A_71, %mul3A_93 : i32
      %add3A_95 = arith.addi %mul3A_2, %mul3A_94 : i32
      "tpu.region"() ({
        %run_scoped3A = tpu.sem_alloc : memref<!tpu.dma_semaphore, #tpu.memory_space<semaphore_mem>>
        %dma_start3A_96 = arith.constant 0 : i32
        %dma_start3A_97 = arith.constant 0 : i32
        %dma_start3A_98 = tpu.memref_slice %arg6[%rem3A_72, %dma_start3A_96, %dma_start3A_97] : memref<3x256x128xf32, #tpu.memory_space<vmem>> -> memref<1x256x128xf32, #tpu.memory_space<vmem>>
        %dma_start3A_99 = tpu.memref_squeeze %dma_start3A_98 : memref<1x256x128xf32, #tpu.memory_space<vmem>> -> memref<256x128xf32, #tpu.memory_space<vmem>>
        %dma_start3A_100 = arith.constant 0 : i32
        %dma_start3A_101 = tpu.memref_slice %arg4[%add3A_95, %dma_start3A_100] : memref<327680x128xf32, #tpu.memory_space<hbm>> -> memref<256x128xf32, #tpu.memory_space<hbm>>
        %dma_start3A_102 = arith.constant 0 : i32
        %dma_start3A_103 = tpu.memref_slice %arg4[%add3A_95, %dma_start3A_102] : memref<327680x128xf32, #tpu.memory_space<hbm>> -> memref<256x128xf32, #tpu.memory_space<hbm>>
        %dma_start3A_104 = arith.constant 0 : i32
        %dma_start3A_105 = arith.constant 0 : i32
        %dma_start3A_106 = tpu.memref_slice %arg6[%rem3A_72, %dma_start3A_104, %dma_start3A_105] : memref<3x256x128xf32, #tpu.memory_space<vmem>> -> memref<1x256x128xf32, #tpu.memory_space<vmem>>
        %dma_start3A_107 = tpu.memref_squeeze %dma_start3A_106 : memref<1x256x128xf32, #tpu.memory_space<vmem>> -> memref<256x128xf32, #tpu.memory_space<vmem>>
        tpu.enqueue_dma source(%dma_start3A_107 : memref<256x128xf32, #tpu.memory_space<vmem>>) target(%dma_start3A_103 : memref<256x128xf32, #tpu.memory_space<hbm>>) target_semaphore(%run_scoped3A : memref<!tpu.dma_semaphore, #tpu.memory_space<semaphore_mem>>)
        %dma_wait3A_108 = arith.constant 0 : i32
        %dma_wait3A_109 = arith.constant 0 : i32
        %dma_wait3A_110 = tpu.memref_slice %arg6[%rem3A_72, %dma_wait3A_108, %dma_wait3A_109] : memref<3x256x128xf32, #tpu.memory_space<vmem>> -> memref<1x256x128xf32, #tpu.memory_space<vmem>>
        %dma_wait3A_111 = tpu.memref_squeeze %dma_wait3A_110 : memref<1x256x128xf32, #tpu.memory_space<vmem>> -> memref<256x128xf32, #tpu.memory_space<vmem>>
        %dma_wait3A_112 = arith.constant 0 : i32
        %dma_wait3A_113 = tpu.memref_slice %arg4[%add3A_95, %dma_wait3A_112] : memref<327680x128xf32, #tpu.memory_space<hbm>> -> memref<256x128xf32, #tpu.memory_space<hbm>>
        %dma_wait3A_114 = arith.constant 0 : i32
        %dma_wait3A_115 = tpu.memref_slice %arg4[%add3A_95, %dma_wait3A_114] : memref<327680x128xf32, #tpu.memory_space<hbm>> -> memref<256x128xf32, #tpu.memory_space<hbm>>
        %dma_wait3A_116 = arith.constant 0 : i32
        %dma_wait3A_117 = arith.constant 0 : i32
        %dma_wait3A_118 = tpu.memref_slice %arg6[%rem3A_72, %dma_wait3A_116, %dma_wait3A_117] : memref<3x256x128xf32, #tpu.memory_space<vmem>> -> memref<1x256x128xf32, #tpu.memory_space<vmem>>
        %dma_wait3A_119 = tpu.memref_squeeze %dma_wait3A_118 : memref<1x256x128xf32, #tpu.memory_space<vmem>> -> memref<256x128xf32, #tpu.memory_space<vmem>>
        tpu.wait_dma2 semaphore(%run_scoped3A : memref<!tpu.dma_semaphore, #tpu.memory_space<semaphore_mem>>) src(%dma_wait3A_119 : memref<256x128xf32, #tpu.memory_space<vmem>>) dst(%dma_wait3A_115 : memref<256x128xf32, #tpu.memory_space<hbm>>)
        tpu.yield
      }) : () -> ()
    }
    %scan3A_70 = arith.constant 40 : i32
    return
  }
}

module attributes {stable_mosaic.version = 14 : i64} {
  func.func @_mlp_imm_kernel(%arg0: i32, %arg1: memref<25x2000xf32, #tpu.memory_space<vmem>>, %arg2: memref<1x128xf32, #tpu.memory_space<vmem>>, %arg3: memref<1x128xf32, #tpu.memory_space<vmem>>, %arg4: memref<128x128xf32, #tpu.memory_space<vmem>>, %arg5: memref<1x128xf32, #tpu.memory_space<vmem>>, %arg6: memref<2000x128xf32, #tpu.memory_space<vmem>>, %arg7: memref<2000x128xf32, #tpu.memory_space<vmem>>) attributes {dimension_semantics = [#tpu.dimension_semantics<arbitrary>], iteration_bounds = array<i64: 25>, scalar_prefetch = 0 : i64, scratch_operands = 0 : i64, tpu.core_type = #tpu.core_type<tc>, window_params = [{pipeline_mode = #tpu.pipeline_mode<synchronous>, transform_indices = @transform_0, window_bounds = array<i64: 25, 2000>}, {pipeline_mode = #tpu.pipeline_mode<synchronous>, transform_indices = @transform_1, window_bounds = array<i64: 1, 128>}, {pipeline_mode = #tpu.pipeline_mode<synchronous>, transform_indices = @transform_2, window_bounds = array<i64: 1, 128>}, {pipeline_mode = #tpu.pipeline_mode<synchronous>, transform_indices = @transform_3, window_bounds = array<i64: 128, 128>}, {pipeline_mode = #tpu.pipeline_mode<synchronous>, transform_indices = @transform_4, window_bounds = array<i64: 1, 128>}, {transform_indices = @transform_5, window_bounds = array<i64: 2000, 128>}, {transform_indices = @transform_6, window_bounds = array<i64: 2000, 128>}]} {
    %get3A = arith.index_cast %arg0 : i32 to index
    %get3A_0 = arith.constant 0 : index
    %get3A_1 = vector.load %arg1[%get3A, %get3A_0] : memref<25x2000xf32, #tpu.memory_space<vmem>>, vector<1x2000xf32>
    %tanh3A = math.tanh %get3A_1 : vector<1x2000xf32>
    %get3A_2 = arith.constant 0 : index
    %get3A_3 = arith.constant 0 : index
    %get3A_4 = vector.load %arg2[%get3A_2, %get3A_3] : memref<1x128xf32, #tpu.memory_space<vmem>>, vector<1x128xf32>
    %dot_general3A = arith.constant dense<0.000000e+00> : vector<2000x128xf32>
    %dot_general3A_5 = tpu.matmul %tanh3A, %get3A_4, %dot_general3A {dimension_numbers = #tpu.dot_dimension_numbers<[0], [0], [1], [1], [0, 1, 1, 1], [], []>, transpose_lhs_hint = false} : vector<1x2000xf32>, vector<1x128xf32>, vector<2000x128xf32> -> vector<2000x128xf32>
    %get3A_6 = arith.constant 0 : index
    %get3A_7 = arith.constant 0 : index
    %get3A_8 = vector.load %arg3[%get3A_6, %get3A_7] : memref<1x128xf32, #tpu.memory_space<vmem>>, vector<1x128xf32>
    %add3A = vector.broadcast %get3A_8 : vector<1x128xf32> to vector<2000x128xf32>
    %add3A_9 = arith.addf %dot_general3A_5, %add3A : vector<2000x128xf32>
    %max3A = arith.constant 0.000000e+00 : f32
    %max3A_10 = vector.broadcast %max3A : f32 to vector<2000x128xf32>
    %max3A_11 = arith.maximumf %add3A_9, %max3A_10 : vector<2000x128xf32>
    %get3A_12 = arith.constant 0 : index
    %get3A_13 = arith.constant 0 : index
    %get3A_14 = vector.load %arg4[%get3A_12, %get3A_13] : memref<128x128xf32, #tpu.memory_space<vmem>>, vector<128x128xf32>
    %dot_general3A_15 = arith.constant dense<0.000000e+00> : vector<2000x128xf32>
    %dot_general3A_16 = tpu.matmul %max3A_11, %get3A_14, %dot_general3A_15 {dimension_numbers = #tpu.dot_dimension_numbers<[1], [0], [0], [1], [0, 0, 1, 1], [], []>, transpose_lhs_hint = false} : vector<2000x128xf32>, vector<128x128xf32>, vector<2000x128xf32> -> vector<2000x128xf32>
    %get3A_17 = arith.constant 0 : index
    %get3A_18 = arith.constant 0 : index
    %get3A_19 = vector.load %arg5[%get3A_17, %get3A_18] : memref<1x128xf32, #tpu.memory_space<vmem>>, vector<1x128xf32>
    %add3A_20 = vector.broadcast %get3A_19 : vector<1x128xf32> to vector<2000x128xf32>
    %add3A_21 = arith.addf %dot_general3A_16, %add3A_20 : vector<2000x128xf32>
    %swap3A = arith.constant 0 : index
    %swap3A_22 = arith.constant 0 : index
    %swap3A_23 = vector.load %arg6[%swap3A, %swap3A_22] : memref<2000x128xf32, #tpu.memory_space<vmem>>, vector<2000x128xf32>
    tpu.vector_store %arg6[%swap3A, %swap3A_22], %add3A_21 {strides = array<i32>} : memref<2000x128xf32, #tpu.memory_space<vmem>>, vector<2000x128xf32>,
    %swap3A_24 = arith.constant 0 : index
    %swap3A_25 = arith.constant 0 : index
    %swap3A_26 = vector.load %arg7[%swap3A_24, %swap3A_25] : memref<2000x128xf32, #tpu.memory_space<vmem>>, vector<2000x128xf32>
    tpu.vector_store %arg7[%swap3A_24, %swap3A_25], %add3A_21 {strides = array<i32>} : memref<2000x128xf32, #tpu.memory_space<vmem>>, vector<2000x128xf32>,
    return
  }
  func.func @transform_0(%arg0: i32) -> (i32, i32) {
    %c0_i32 = arith.constant 0 : i32
    %c0_i32_0 = arith.constant 0 : i32
    %c0_i32_1 = arith.constant 0 : i32
    return %c0_i32, %c0_i32_0 : i32, i32
  }
  func.func @transform_1(%arg0: i32) -> (i32, i32) {
    %c0_i32 = arith.constant 0 : i32
    %c0_i32_0 = arith.constant 0 : i32
    %c0_i32_1 = arith.constant 0 : i32
    return %c0_i32, %c0_i32_0 : i32, i32
  }
  func.func @transform_2(%arg0: i32) -> (i32, i32) {
    %c0_i32 = arith.constant 0 : i32
    %c0_i32_0 = arith.constant 0 : i32
    %c0_i32_1 = arith.constant 0 : i32
    return %c0_i32, %c0_i32_0 : i32, i32
  }
  func.func @transform_3(%arg0: i32) -> (i32, i32) {
    %c0_i32 = arith.constant 0 : i32
    %c0_i32_0 = arith.constant 0 : i32
    %c0_i32_1 = arith.constant 0 : i32
    return %c0_i32, %c0_i32_0 : i32, i32
  }
  func.func @transform_4(%arg0: i32) -> (i32, i32) {
    %c0_i32 = arith.constant 0 : i32
    %c0_i32_0 = arith.constant 0 : i32
    %c0_i32_1 = arith.constant 0 : i32
    return %c0_i32, %c0_i32_0 : i32, i32
  }
  func.func @transform_5(%arg0: i32) -> (i32, i32) {
    %add3A = arith.constant 50 : i32
    %add3A_0 = arith.addi %arg0, %add3A : i32
    %c0_i32 = arith.constant 0 : i32
    %c0_i32_1 = arith.constant 0 : i32
    return %add3A_0, %c0_i32 : i32, i32
  }
  func.func @transform_6(%arg0: i32) -> (i32, i32) {
    %add3A = arith.constant 0 : i32
    %add3A_0 = arith.addi %arg0, %add3A : i32
    %c0_i32 = arith.constant 0 : i32
    %c0_i32_1 = arith.constant 0 : i32
    return %add3A_0, %c0_i32 : i32, i32
  }
}

module attributes {stable_mosaic.version = 14 : i64} {
  func.func @_mlp1_kernel(%arg0: i32, %arg1: memref<2000x128xf32, #tpu.memory_space<vmem>>, %arg2: memref<128x128xf32, #tpu.memory_space<vmem>>, %arg3: memref<1x128xf32, #tpu.memory_space<vmem>>, %arg4: memref<128x128xf32, #tpu.memory_space<vmem>>, %arg5: memref<1x128xf32, #tpu.memory_space<vmem>>, %arg6: memref<200000x128xf32, #tpu.memory_space<any>>, %arg7: memref<2000x128xf32, #tpu.memory_space<vmem>>) attributes {dimension_semantics = [#tpu.dimension_semantics<arbitrary>], iteration_bounds = array<i64: 50>, scalar_prefetch = 0 : i64, scratch_operands = 0 : i64, tpu.core_type = #tpu.core_type<tc>, window_params = [{transform_indices = @transform_0, window_bounds = array<i64: 2000, 128>}, {pipeline_mode = #tpu.pipeline_mode<synchronous>, transform_indices = @transform_1, window_bounds = array<i64: 128, 128>}, {pipeline_mode = #tpu.pipeline_mode<synchronous>, transform_indices = @transform_2, window_bounds = array<i64: 1, 128>}, {pipeline_mode = #tpu.pipeline_mode<synchronous>, transform_indices = @transform_3, window_bounds = array<i64: 128, 128>}, {pipeline_mode = #tpu.pipeline_mode<synchronous>, transform_indices = @transform_4, window_bounds = array<i64: 1, 128>}, {}, {transform_indices = @transform_6, window_bounds = array<i64: 2000, 128>}]} {
    %get3A = arith.constant 0 : index
    %get3A_0 = arith.constant 0 : index
    %get3A_1 = vector.load %arg1[%get3A, %get3A_0] : memref<2000x128xf32, #tpu.memory_space<vmem>>, vector<2000x128xf32>
    %get3A_2 = arith.constant 0 : index
    %get3A_3 = arith.constant 0 : index
    %get3A_4 = vector.load %arg2[%get3A_2, %get3A_3] : memref<128x128xf32, #tpu.memory_space<vmem>>, vector<128x128xf32>
    %dot_general3A = arith.constant dense<0.000000e+00> : vector<2000x128xf32>
    %dot_general3A_5 = tpu.matmul %get3A_1, %get3A_4, %dot_general3A {dimension_numbers = #tpu.dot_dimension_numbers<[1], [0], [0], [1], [0, 0, 1, 1], [], []>, transpose_lhs_hint = false} : vector<2000x128xf32>, vector<128x128xf32>, vector<2000x128xf32> -> vector<2000x128xf32>
    %get3A_6 = arith.constant 0 : index
    %get3A_7 = arith.constant 0 : index
    %get3A_8 = vector.load %arg3[%get3A_6, %get3A_7] : memref<1x128xf32, #tpu.memory_space<vmem>>, vector<1x128xf32>
    %add3A = vector.broadcast %get3A_8 : vector<1x128xf32> to vector<2000x128xf32>
    %add3A_9 = arith.addf %dot_general3A_5, %add3A : vector<2000x128xf32>
    %max3A = arith.constant 0.000000e+00 : f32
    %max3A_10 = vector.broadcast %max3A : f32 to vector<2000x128xf32>
    %max3A_11 = arith.maximumf %add3A_9, %max3A_10 : vector<2000x128xf32>
    %get3A_12 = arith.constant 0 : index
    %get3A_13 = arith.constant 0 : index
    %get3A_14 = vector.load %arg4[%get3A_12, %get3A_13] : memref<128x128xf32, #tpu.memory_space<vmem>>, vector<128x128xf32>
    %dot_general3A_15 = arith.constant dense<0.000000e+00> : vector<2000x128xf32>
    %dot_general3A_16 = tpu.matmul %max3A_11, %get3A_14, %dot_general3A_15 {dimension_numbers = #tpu.dot_dimension_numbers<[1], [0], [0], [1], [0, 0, 1, 1], [], []>, transpose_lhs_hint = false} : vector<2000x128xf32>, vector<128x128xf32>, vector<2000x128xf32> -> vector<2000x128xf32>
    %get3A_17 = arith.constant 0 : index
    %get3A_18 = arith.constant 0 : index
    %get3A_19 = vector.load %arg5[%get3A_17, %get3A_18] : memref<1x128xf32, #tpu.memory_space<vmem>>, vector<1x128xf32>
    %add3A_20 = vector.broadcast %get3A_19 : vector<1x128xf32> to vector<2000x128xf32>
    %add3A_21 = arith.addf %dot_general3A_16, %add3A_20 : vector<2000x128xf32>
    %swap3A = arith.constant 0 : index
    %swap3A_22 = arith.constant 0 : index
    %swap3A_23 = vector.load %arg7[%swap3A, %swap3A_22] : memref<2000x128xf32, #tpu.memory_space<vmem>>, vector<2000x128xf32>
    tpu.vector_store %arg7[%swap3A, %swap3A_22], %add3A_21 {strides = array<i32>} : memref<2000x128xf32, #tpu.memory_space<vmem>>, vector<2000x128xf32>,
    return
  }
  func.func @transform_0(%arg0: i32) -> (i32, i32) {
    %add3A = arith.constant 0 : i32
    %add3A_0 = arith.addi %arg0, %add3A : i32
    %c0_i32 = arith.constant 0 : i32
    %c0_i32_1 = arith.constant 0 : i32
    return %add3A_0, %c0_i32 : i32, i32
  }
  func.func @transform_1(%arg0: i32) -> (i32, i32) {
    %c0_i32 = arith.constant 0 : i32
    %c0_i32_0 = arith.constant 0 : i32
    %c0_i32_1 = arith.constant 0 : i32
    return %c0_i32, %c0_i32_0 : i32, i32
  }
  func.func @transform_2(%arg0: i32) -> (i32, i32) {
    %c0_i32 = arith.constant 0 : i32
    %c0_i32_0 = arith.constant 0 : i32
    %c0_i32_1 = arith.constant 0 : i32
    return %c0_i32, %c0_i32_0 : i32, i32
  }
  func.func @transform_3(%arg0: i32) -> (i32, i32) {
    %c0_i32 = arith.constant 0 : i32
    %c0_i32_0 = arith.constant 0 : i32
    %c0_i32_1 = arith.constant 0 : i32
    return %c0_i32, %c0_i32_0 : i32, i32
  }
  func.func @transform_4(%arg0: i32) -> (i32, i32) {
    %c0_i32 = arith.constant 0 : i32
    %c0_i32_0 = arith.constant 0 : i32
    %c0_i32_1 = arith.constant 0 : i32
    return %c0_i32, %c0_i32_0 : i32, i32
  }
  func.func @transform_6(%arg0: i32) -> (i32, i32) {
    %add3A = arith.constant 0 : i32
    %add3A_0 = arith.addi %arg0, %add3A : i32
    %c0_i32 = arith.constant 0 : i32
    %c0_i32_1 = arith.constant 0 : i32
    return %add3A_0, %c0_i32 : i32, i32
  }
}

module attributes {stable_mosaic.version = 14 : i64} {
  func.func @_mlp4_alias_kernel(%arg0: i32, %arg1: memref<2000x128xf32, #tpu.memory_space<vmem>>, %arg2: memref<2000x128xf32, #tpu.memory_space<vmem>>, %arg3: memref<2000x128xf32, #tpu.memory_space<vmem>>, %arg4: memref<2000x128xf32, #tpu.memory_space<vmem>>, %arg5: memref<128x128xf32, #tpu.memory_space<vmem>>, %arg6: memref<128x128xf32, #tpu.memory_space<vmem>>, %arg7: memref<128x128xf32, #tpu.memory_space<vmem>>, %arg8: memref<128x128xf32, #tpu.memory_space<vmem>>, %arg9: memref<1x128xf32, #tpu.memory_space<vmem>>, %arg10: memref<128x128xf32, #tpu.memory_space<vmem>>, %arg11: memref<1x128xf32, #tpu.memory_space<vmem>>, %arg12: memref<200000x128xf32, #tpu.memory_space<any>>, %arg13: memref<2000x128xf32, #tpu.memory_space<vmem>>) attributes {dimension_semantics = [#tpu.dimension_semantics<arbitrary>], iteration_bounds = array<i64: 25>, scalar_prefetch = 0 : i64, scratch_operands = 0 : i64, tpu.core_type = #tpu.core_type<tc>, window_params = [{transform_indices = @transform_0, window_bounds = array<i64: 2000, 128>}, {transform_indices = @transform_1, window_bounds = array<i64: 2000, 128>}, {transform_indices = @transform_2, window_bounds = array<i64: 2000, 128>}, {transform_indices = @transform_3, window_bounds = array<i64: 2000, 128>}, {pipeline_mode = #tpu.pipeline_mode<synchronous>, transform_indices = @transform_4, window_bounds = array<i64: 128, 128>}, {pipeline_mode = #tpu.pipeline_mode<synchronous>, transform_indices = @transform_5, window_bounds = array<i64: 128, 128>}, {pipeline_mode = #tpu.pipeline_mode<synchronous>, transform_indices = @transform_6, window_bounds = array<i64: 128, 128>}, {pipeline_mode = #tpu.pipeline_mode<synchronous>, transform_indices = @transform_7, window_bounds = array<i64: 128, 128>}, {pipeline_mode = #tpu.pipeline_mode<synchronous>, transform_indices = @transform_8, window_bounds = array<i64: 1, 128>}, {pipeline_mode = #tpu.pipeline_mode<synchronous>, transform_indices = @transform_9, window_bounds = array<i64: 128, 128>}, {pipeline_mode = #tpu.pipeline_mode<synchronous>, transform_indices = @transform_10, window_bounds = array<i64: 1, 128>}, {}, {transform_indices = @transform_12, window_bounds = array<i64: 2000, 128>}]} {
    %get3A = arith.constant 0 : index
    %get3A_0 = arith.constant 0 : index
    %get3A_1 = vector.load %arg1[%get3A, %get3A_0] : memref<2000x128xf32, #tpu.memory_space<vmem>>, vector<2000x128xf32>
    %get3A_2 = arith.constant 0 : index
    %get3A_3 = arith.constant 0 : index
    %get3A_4 = vector.load %arg5[%get3A_2, %get3A_3] : memref<128x128xf32, #tpu.memory_space<vmem>>, vector<128x128xf32>
    %dot_general3A = arith.constant dense<0.000000e+00> : vector<2000x128xf32>
    %dot_general3A_5 = tpu.matmul %get3A_1, %get3A_4, %dot_general3A {dimension_numbers = #tpu.dot_dimension_numbers<[1], [0], [0], [1], [0, 0, 1, 1], [], []>, transpose_lhs_hint = false} : vector<2000x128xf32>, vector<128x128xf32>, vector<2000x128xf32> -> vector<2000x128xf32>
    %get3A_6 = arith.constant 0 : index
    %get3A_7 = arith.constant 0 : index
    %get3A_8 = vector.load %arg2[%get3A_6, %get3A_7] : memref<2000x128xf32, #tpu.memory_space<vmem>>, vector<2000x128xf32>
    %get3A_9 = arith.constant 0 : index
    %get3A_10 = arith.constant 0 : index
    %get3A_11 = vector.load %arg6[%get3A_9, %get3A_10] : memref<128x128xf32, #tpu.memory_space<vmem>>, vector<128x128xf32>
    %dot_general3A_12 = arith.constant dense<0.000000e+00> : vector<2000x128xf32>
    %dot_general3A_13 = tpu.matmul %get3A_8, %get3A_11, %dot_general3A_12 {dimension_numbers = #tpu.dot_dimension_numbers<[1], [0], [0], [1], [0, 0, 1, 1], [], []>, transpose_lhs_hint = false} : vector<2000x128xf32>, vector<128x128xf32>, vector<2000x128xf32> -> vector<2000x128xf32>
    %add3A = arith.addf %dot_general3A_5, %dot_general3A_13 : vector<2000x128xf32>
    %get3A_14 = arith.constant 0 : index
    %get3A_15 = arith.constant 0 : index
    %get3A_16 = vector.load %arg3[%get3A_14, %get3A_15] : memref<2000x128xf32, #tpu.memory_space<vmem>>, vector<2000x128xf32>
    %get3A_17 = arith.constant 0 : index
    %get3A_18 = arith.constant 0 : index
    %get3A_19 = vector.load %arg7[%get3A_17, %get3A_18] : memref<128x128xf32, #tpu.memory_space<vmem>>, vector<128x128xf32>
    %dot_general3A_20 = arith.constant dense<0.000000e+00> : vector<2000x128xf32>
    %dot_general3A_21 = tpu.matmul %get3A_16, %get3A_19, %dot_general3A_20 {dimension_numbers = #tpu.dot_dimension_numbers<[1], [0], [0], [1], [0, 0, 1, 1], [], []>, transpose_lhs_hint = false} : vector<2000x128xf32>, vector<128x128xf32>, vector<2000x128xf32> -> vector<2000x128xf32>
    %add3A_22 = arith.addf %add3A, %dot_general3A_21 : vector<2000x128xf32>
    %get3A_23 = arith.constant 0 : index
    %get3A_24 = arith.constant 0 : index
    %get3A_25 = vector.load %arg4[%get3A_23, %get3A_24] : memref<2000x128xf32, #tpu.memory_space<vmem>>, vector<2000x128xf32>
    %get3A_26 = arith.constant 0 : index
    %get3A_27 = arith.constant 0 : index
    %get3A_28 = vector.load %arg8[%get3A_26, %get3A_27] : memref<128x128xf32, #tpu.memory_space<vmem>>, vector<128x128xf32>
    %dot_general3A_29 = arith.constant dense<0.000000e+00> : vector<2000x128xf32>
    %dot_general3A_30 = tpu.matmul %get3A_25, %get3A_28, %dot_general3A_29 {dimension_numbers = #tpu.dot_dimension_numbers<[1], [0], [0], [1], [0, 0, 1, 1], [], []>, transpose_lhs_hint = false} : vector<2000x128xf32>, vector<128x128xf32>, vector<2000x128xf32> -> vector<2000x128xf32>
    %add3A_31 = arith.addf %add3A_22, %dot_general3A_30 : vector<2000x128xf32>
    %get3A_32 = arith.constant 0 : index
    %get3A_33 = arith.constant 0 : index
    %get3A_34 = vector.load %arg9[%get3A_32, %get3A_33] : memref<1x128xf32, #tpu.memory_space<vmem>>, vector<1x128xf32>
    %add3A_35 = vector.broadcast %get3A_34 : vector<1x128xf32> to vector<2000x128xf32>
    %add3A_36 = arith.addf %add3A_31, %add3A_35 : vector<2000x128xf32>
    %max3A = arith.constant 0.000000e+00 : f32
    %max3A_37 = vector.broadcast %max3A : f32 to vector<2000x128xf32>
    %max3A_38 = arith.maximumf %add3A_36, %max3A_37 : vector<2000x128xf32>
    %get3A_39 = arith.constant 0 : index
    %get3A_40 = arith.constant 0 : index
    %get3A_41 = vector.load %arg10[%get3A_39, %get3A_40] : memref<128x128xf32, #tpu.memory_space<vmem>>, vector<128x128xf32>
    %dot_general3A_42 = arith.constant dense<0.000000e+00> : vector<2000x128xf32>
    %dot_general3A_43 = tpu.matmul %max3A_38, %get3A_41, %dot_general3A_42 {dimension_numbers = #tpu.dot_dimension_numbers<[1], [0], [0], [1], [0, 0, 1, 1], [], []>, transpose_lhs_hint = false} : vector<2000x128xf32>, vector<128x128xf32>, vector<2000x128xf32> -> vector<2000x128xf32>
    %get3A_44 = arith.constant 0 : index
    %get3A_45 = arith.constant 0 : index
    %get3A_46 = vector.load %arg11[%get3A_44, %get3A_45] : memref<1x128xf32, #tpu.memory_space<vmem>>, vector<1x128xf32>
    %add3A_47 = vector.broadcast %get3A_46 : vector<1x128xf32> to vector<2000x128xf32>
    %add3A_48 = arith.addf %dot_general3A_43, %add3A_47 : vector<2000x128xf32>
    %swap3A = arith.constant 0 : index
    %swap3A_49 = arith.constant 0 : index
    %swap3A_50 = vector.load %arg13[%swap3A, %swap3A_49] : memref<2000x128xf32, #tpu.memory_space<vmem>>, vector<2000x128xf32>
    tpu.vector_store %arg13[%swap3A, %swap3A_49], %add3A_48 {strides = array<i32>} : memref<2000x128xf32, #tpu.memory_space<vmem>>, vector<2000x128xf32>,
    return
  }
  func.func @transform_0(%arg0: i32) -> (i32, i32) {
    %add3A = arith.constant 0 : i32
    %add3A_0 = arith.addi %arg0, %add3A : i32
    %c0_i32 = arith.constant 0 : i32
    %c0_i32_1 = arith.constant 0 : i32
    return %add3A_0, %c0_i32 : i32, i32
  }
  func.func @transform_1(%arg0: i32) -> (i32, i32) {
    %add3A = arith.constant 26 : i32
    %add3A_0 = arith.addi %arg0, %add3A : i32
    %c0_i32 = arith.constant 0 : i32
    %c0_i32_1 = arith.constant 0 : i32
    return %add3A_0, %c0_i32 : i32, i32
  }
  func.func @transform_2(%arg0: i32) -> (i32, i32) {
    %add3A = arith.constant 0 : i32
    %add3A_0 = arith.addi %arg0, %add3A : i32
    %c0_i32 = arith.constant 0 : i32
    %c0_i32_1 = arith.constant 0 : i32
    return %add3A_0, %c0_i32 : i32, i32
  }
  func.func @transform_3(%arg0: i32) -> (i32, i32) {
    %add3A = arith.constant 26 : i32
    %add3A_0 = arith.addi %arg0, %add3A : i32
    %c0_i32 = arith.constant 0 : i32
    %c0_i32_1 = arith.constant 0 : i32
    return %add3A_0, %c0_i32 : i32, i32
  }
  func.func @transform_4(%arg0: i32) -> (i32, i32) {
    %c0_i32 = arith.constant 0 : i32
    %c0_i32_0 = arith.constant 0 : i32
    %c0_i32_1 = arith.constant 0 : i32
    return %c0_i32, %c0_i32_0 : i32, i32
  }
  func.func @transform_5(%arg0: i32) -> (i32, i32) {
    %c0_i32 = arith.constant 0 : i32
    %c0_i32_0 = arith.constant 0 : i32
    %c0_i32_1 = arith.constant 0 : i32
    return %c0_i32, %c0_i32_0 : i32, i32
  }
  func.func @transform_6(%arg0: i32) -> (i32, i32) {
    %c0_i32 = arith.constant 0 : i32
    %c0_i32_0 = arith.constant 0 : i32
    %c0_i32_1 = arith.constant 0 : i32
    return %c0_i32, %c0_i32_0 : i32, i32
  }
  func.func @transform_7(%arg0: i32) -> (i32, i32) {
    %c0_i32 = arith.constant 0 : i32
    %c0_i32_0 = arith.constant 0 : i32
    %c0_i32_1 = arith.constant 0 : i32
    return %c0_i32, %c0_i32_0 : i32, i32
  }
  func.func @transform_8(%arg0: i32) -> (i32, i32) {
    %c0_i32 = arith.constant 0 : i32
    %c0_i32_0 = arith.constant 0 : i32
    %c0_i32_1 = arith.constant 0 : i32
    return %c0_i32, %c0_i32_0 : i32, i32
  }
  func.func @transform_9(%arg0: i32) -> (i32, i32) {
    %c0_i32 = arith.constant 0 : i32
    %c0_i32_0 = arith.constant 0 : i32
    %c0_i32_1 = arith.constant 0 : i32
    return %c0_i32, %c0_i32_0 : i32, i32
  }
  func.func @transform_10(%arg0: i32) -> (i32, i32) {
    %c0_i32 = arith.constant 0 : i32
    %c0_i32_0 = arith.constant 0 : i32
    %c0_i32_1 = arith.constant 0 : i32
    return %c0_i32, %c0_i32_0 : i32, i32
  }
  func.func @transform_12(%arg0: i32) -> (i32, i32) {
    %add3A = arith.constant 75 : i32
    %add3A_0 = arith.addi %arg0, %add3A : i32
    %c0_i32 = arith.constant 0 : i32
    %c0_i32_1 = arith.constant 0 : i32
    return %add3A_0, %c0_i32 : i32, i32
  }
}

module attributes {stable_mosaic.version = 14 : i64} {
  func.func @_mlp5_kernel(%arg0: i32, %arg1: memref<2560x128xf32, #tpu.memory_space<vmem>>, %arg2: memref<2560x128xf32, #tpu.memory_space<vmem>>, %arg3: memref<2560x128xf32, #tpu.memory_space<vmem>>, %arg4: memref<2560x128xf32, #tpu.memory_space<vmem>>, %arg5: memref<2560x128xf32, #tpu.memory_space<vmem>>, %arg6: memref<128x128xf32, #tpu.memory_space<vmem>>, %arg7: memref<128x128xf32, #tpu.memory_space<vmem>>, %arg8: memref<128x128xf32, #tpu.memory_space<vmem>>, %arg9: memref<128x128xf32, #tpu.memory_space<vmem>>, %arg10: memref<128x128xf32, #tpu.memory_space<vmem>>, %arg11: memref<1x128xf32, #tpu.memory_space<vmem>>, %arg12: memref<128x128xf32, #tpu.memory_space<vmem>>, %arg13: memref<1x128xf32, #tpu.memory_space<vmem>>, %arg14: memref<128x20x128xf32, #tpu.memory_space<vmem>>) attributes {dimension_semantics = [#tpu.dimension_semantics<arbitrary>], iteration_bounds = array<i64: 32>, scalar_prefetch = 0 : i64, scratch_operands = 0 : i64, tpu.core_type = #tpu.core_type<tc>, window_params = [{transform_indices = @transform_0, window_bounds = array<i64: 2560, 128>}, {transform_indices = @transform_1, window_bounds = array<i64: 2560, 128>}, {transform_indices = @transform_2, window_bounds = array<i64: 2560, 128>}, {transform_indices = @transform_3, window_bounds = array<i64: 2560, 128>}, {transform_indices = @transform_4, window_bounds = array<i64: 2560, 128>}, {pipeline_mode = #tpu.pipeline_mode<synchronous>, transform_indices = @transform_5, window_bounds = array<i64: 128, 128>}, {pipeline_mode = #tpu.pipeline_mode<synchronous>, transform_indices = @transform_6, window_bounds = array<i64: 128, 128>}, {pipeline_mode = #tpu.pipeline_mode<synchronous>, transform_indices = @transform_7, window_bounds = array<i64: 128, 128>}, {pipeline_mode = #tpu.pipeline_mode<synchronous>, transform_indices = @transform_8, window_bounds = array<i64: 128, 128>}, {pipeline_mode = #tpu.pipeline_mode<synchronous>, transform_indices = @transform_9, window_bounds = array<i64: 128, 128>}, {pipeline_mode = #tpu.pipeline_mode<synchronous>, transform_indices = @transform_10, window_bounds = array<i64: 1, 128>}, {pipeline_mode = #tpu.pipeline_mode<synchronous>, transform_indices = @transform_11, window_bounds = array<i64: 128, 128>}, {pipeline_mode = #tpu.pipeline_mode<synchronous>, transform_indices = @transform_12, window_bounds = array<i64: 1, 128>}, {transform_indices = @transform_13, window_bounds = array<i64: 128, 20, 128>}]} {
    %get3A = arith.constant 0 : index
    %get3A_0 = arith.constant 0 : index
    %get3A_1 = vector.load %arg1[%get3A, %get3A_0] : memref<2560x128xf32, #tpu.memory_space<vmem>>, vector<2560x128xf32>
    %get3A_2 = arith.constant 0 : index
    %get3A_3 = arith.constant 0 : index
    %get3A_4 = vector.load %arg6[%get3A_2, %get3A_3] : memref<128x128xf32, #tpu.memory_space<vmem>>, vector<128x128xf32>
    %dot_general3A = arith.constant dense<0.000000e+00> : vector<2560x128xf32>
    %dot_general3A_5 = tpu.matmul %get3A_1, %get3A_4, %dot_general3A {dimension_numbers = #tpu.dot_dimension_numbers<[1], [0], [0], [1], [0, 0, 1, 1], [], []>, transpose_lhs_hint = false} : vector<2560x128xf32>, vector<128x128xf32>, vector<2560x128xf32> -> vector<2560x128xf32>
    %get3A_6 = arith.constant 0 : index
    %get3A_7 = arith.constant 0 : index
    %get3A_8 = vector.load %arg2[%get3A_6, %get3A_7] : memref<2560x128xf32, #tpu.memory_space<vmem>>, vector<2560x128xf32>
    %get3A_9 = arith.constant 0 : index
    %get3A_10 = arith.constant 0 : index
    %get3A_11 = vector.load %arg7[%get3A_9, %get3A_10] : memref<128x128xf32, #tpu.memory_space<vmem>>, vector<128x128xf32>
    %dot_general3A_12 = arith.constant dense<0.000000e+00> : vector<2560x128xf32>
    %dot_general3A_13 = tpu.matmul %get3A_8, %get3A_11, %dot_general3A_12 {dimension_numbers = #tpu.dot_dimension_numbers<[1], [0], [0], [1], [0, 0, 1, 1], [], []>, transpose_lhs_hint = false} : vector<2560x128xf32>, vector<128x128xf32>, vector<2560x128xf32> -> vector<2560x128xf32>
    %add3A = arith.addf %dot_general3A_5, %dot_general3A_13 : vector<2560x128xf32>
    %get3A_14 = arith.constant 0 : index
    %get3A_15 = arith.constant 0 : index
    %get3A_16 = vector.load %arg3[%get3A_14, %get3A_15] : memref<2560x128xf32, #tpu.memory_space<vmem>>, vector<2560x128xf32>
    %get3A_17 = arith.constant 0 : index
    %get3A_18 = arith.constant 0 : index
    %get3A_19 = vector.load %arg8[%get3A_17, %get3A_18] : memref<128x128xf32, #tpu.memory_space<vmem>>, vector<128x128xf32>
    %dot_general3A_20 = arith.constant dense<0.000000e+00> : vector<2560x128xf32>
    %dot_general3A_21 = tpu.matmul %get3A_16, %get3A_19, %dot_general3A_20 {dimension_numbers = #tpu.dot_dimension_numbers<[1], [0], [0], [1], [0, 0, 1, 1], [], []>, transpose_lhs_hint = false} : vector<2560x128xf32>, vector<128x128xf32>, vector<2560x128xf32> -> vector<2560x128xf32>
    %add3A_22 = arith.addf %add3A, %dot_general3A_21 : vector<2560x128xf32>
    %get3A_23 = arith.constant 0 : index
    %get3A_24 = arith.constant 0 : index
    %get3A_25 = vector.load %arg4[%get3A_23, %get3A_24] : memref<2560x128xf32, #tpu.memory_space<vmem>>, vector<2560x128xf32>
    %get3A_26 = arith.constant 0 : index
    %get3A_27 = arith.constant 0 : index
    %get3A_28 = vector.load %arg9[%get3A_26, %get3A_27] : memref<128x128xf32, #tpu.memory_space<vmem>>, vector<128x128xf32>
    %dot_general3A_29 = arith.constant dense<0.000000e+00> : vector<2560x128xf32>
    %dot_general3A_30 = tpu.matmul %get3A_25, %get3A_28, %dot_general3A_29 {dimension_numbers = #tpu.dot_dimension_numbers<[1], [0], [0], [1], [0, 0, 1, 1], [], []>, transpose_lhs_hint = false} : vector<2560x128xf32>, vector<128x128xf32>, vector<2560x128xf32> -> vector<2560x128xf32>
    %add3A_31 = arith.addf %add3A_22, %dot_general3A_30 : vector<2560x128xf32>
    %get3A_32 = arith.constant 0 : index
    %get3A_33 = arith.constant 0 : index
    %get3A_34 = vector.load %arg5[%get3A_32, %get3A_33] : memref<2560x128xf32, #tpu.memory_space<vmem>>, vector<2560x128xf32>
    %get3A_35 = arith.constant 0 : index
    %get3A_36 = arith.constant 0 : index
    %get3A_37 = vector.load %arg10[%get3A_35, %get3A_36] : memref<128x128xf32, #tpu.memory_space<vmem>>, vector<128x128xf32>
    %dot_general3A_38 = arith.constant dense<0.000000e+00> : vector<2560x128xf32>
    %dot_general3A_39 = tpu.matmul %get3A_34, %get3A_37, %dot_general3A_38 {dimension_numbers = #tpu.dot_dimension_numbers<[1], [0], [0], [1], [0, 0, 1, 1], [], []>, transpose_lhs_hint = false} : vector<2560x128xf32>, vector<128x128xf32>, vector<2560x128xf32> -> vector<2560x128xf32>
    %add3A_40 = arith.addf %add3A_31, %dot_general3A_39 : vector<2560x128xf32>
    %get3A_41 = arith.constant 0 : index
    %get3A_42 = arith.constant 0 : index
    %get3A_43 = vector.load %arg11[%get3A_41, %get3A_42] : memref<1x128xf32, #tpu.memory_space<vmem>>, vector<1x128xf32>
    %add3A_44 = vector.broadcast %get3A_43 : vector<1x128xf32> to vector<2560x128xf32>
    %add3A_45 = arith.addf %add3A_40, %add3A_44 : vector<2560x128xf32>
    %max3A = arith.constant 0.000000e+00 : f32
    %max3A_46 = vector.broadcast %max3A : f32 to vector<2560x128xf32>
    %max3A_47 = arith.maximumf %add3A_45, %max3A_46 : vector<2560x128xf32>
    %get3A_48 = arith.constant 0 : index
    %get3A_49 = arith.constant 0 : index
    %get3A_50 = vector.load %arg12[%get3A_48, %get3A_49] : memref<128x128xf32, #tpu.memory_space<vmem>>, vector<128x128xf32>
    %dot_general3A_51 = arith.constant dense<0.000000e+00> : vector<2560x128xf32>
    %dot_general3A_52 = tpu.matmul %max3A_47, %get3A_50, %dot_general3A_51 {dimension_numbers = #tpu.dot_dimension_numbers<[1], [0], [0], [1], [0, 0, 1, 1], [], []>, transpose_lhs_hint = false} : vector<2560x128xf32>, vector<128x128xf32>, vector<2560x128xf32> -> vector<2560x128xf32>
    %get3A_53 = arith.constant 0 : index
    %get3A_54 = arith.constant 0 : index
    %get3A_55 = vector.load %arg13[%get3A_53, %get3A_54] : memref<1x128xf32, #tpu.memory_space<vmem>>, vector<1x128xf32>
    %add3A_56 = vector.broadcast %get3A_55 : vector<1x128xf32> to vector<2560x128xf32>
    %add3A_57 = arith.addf %dot_general3A_52, %add3A_56 : vector<2560x128xf32>
    %reshape3A = vector.shape_cast %add3A_57 : vector<2560x128xf32> to vector<128x20x128xf32>
    %swap3A = arith.constant 0 : index
    %swap3A_58 = arith.constant 0 : index
    %swap3A_59 = arith.constant 0 : index
    %swap3A_60 = vector.load %arg14[%swap3A, %swap3A_58, %swap3A_59] : memref<128x20x128xf32, #tpu.memory_space<vmem>>, vector<128x20x128xf32>
    tpu.vector_store %arg14[%swap3A, %swap3A_58, %swap3A_59], %reshape3A {strides = array<i32>} : memref<128x20x128xf32, #tpu.memory_space<vmem>>, vector<128x20x128xf32>,
    return
  }
  func.func @transform_0(%arg0: i32) -> (i32, i32) {
    %add3A = arith.constant 0 : i32
    %add3A_0 = arith.addi %arg0, %add3A : i32
    %c0_i32 = arith.constant 0 : i32
    %c0_i32_1 = arith.constant 0 : i32
    return %add3A_0, %c0_i32 : i32, i32
  }
  func.func @transform_1(%arg0: i32) -> (i32, i32) {
    %add3A = arith.constant 0 : i32
    %add3A_0 = arith.addi %arg0, %add3A : i32
    %c0_i32 = arith.constant 0 : i32
    %c0_i32_1 = arith.constant 0 : i32
    return %add3A_0, %c0_i32 : i32, i32
  }
  func.func @transform_2(%arg0: i32) -> (i32, i32) {
    %add3A = arith.constant 32 : i32
    %add3A_0 = arith.addi %arg0, %add3A : i32
    %c0_i32 = arith.constant 0 : i32
    %c0_i32_1 = arith.constant 0 : i32
    return %add3A_0, %c0_i32 : i32, i32
  }
  func.func @transform_3(%arg0: i32) -> (i32, i32) {
    %add3A = arith.constant 64 : i32
    %add3A_0 = arith.addi %arg0, %add3A : i32
    %c0_i32 = arith.constant 0 : i32
    %c0_i32_1 = arith.constant 0 : i32
    return %add3A_0, %c0_i32 : i32, i32
  }
  func.func @transform_4(%arg0: i32) -> (i32, i32) {
    %add3A = arith.constant 96 : i32
    %add3A_0 = arith.addi %arg0, %add3A : i32
    %c0_i32 = arith.constant 0 : i32
    %c0_i32_1 = arith.constant 0 : i32
    return %add3A_0, %c0_i32 : i32, i32
  }
  func.func @transform_5(%arg0: i32) -> (i32, i32) {
    %c0_i32 = arith.constant 0 : i32
    %c0_i32_0 = arith.constant 0 : i32
    %c0_i32_1 = arith.constant 0 : i32
    return %c0_i32, %c0_i32_0 : i32, i32
  }
  func.func @transform_6(%arg0: i32) -> (i32, i32) {
    %c0_i32 = arith.constant 0 : i32
    %c0_i32_0 = arith.constant 0 : i32
    %c0_i32_1 = arith.constant 0 : i32
    return %c0_i32, %c0_i32_0 : i32, i32
  }
  func.func @transform_7(%arg0: i32) -> (i32, i32) {
    %c0_i32 = arith.constant 0 : i32
    %c0_i32_0 = arith.constant 0 : i32
    %c0_i32_1 = arith.constant 0 : i32
    return %c0_i32, %c0_i32_0 : i32, i32
  }
  func.func @transform_8(%arg0: i32) -> (i32, i32) {
    %c0_i32 = arith.constant 0 : i32
    %c0_i32_0 = arith.constant 0 : i32
    %c0_i32_1 = arith.constant 0 : i32
    return %c0_i32, %c0_i32_0 : i32, i32
  }
  func.func @transform_9(%arg0: i32) -> (i32, i32) {
    %c0_i32 = arith.constant 0 : i32
    %c0_i32_0 = arith.constant 0 : i32
    %c0_i32_1 = arith.constant 0 : i32
    return %c0_i32, %c0_i32_0 : i32, i32
  }
  func.func @transform_10(%arg0: i32) -> (i32, i32) {
    %c0_i32 = arith.constant 0 : i32
    %c0_i32_0 = arith.constant 0 : i32
    %c0_i32_1 = arith.constant 0 : i32
    return %c0_i32, %c0_i32_0 : i32, i32
  }
  func.func @transform_11(%arg0: i32) -> (i32, i32) {
    %c0_i32 = arith.constant 0 : i32
    %c0_i32_0 = arith.constant 0 : i32
    %c0_i32_1 = arith.constant 0 : i32
    return %c0_i32, %c0_i32_0 : i32, i32
  }
  func.func @transform_12(%arg0: i32) -> (i32, i32) {
    %c0_i32 = arith.constant 0 : i32
    %c0_i32_0 = arith.constant 0 : i32
    %c0_i32_1 = arith.constant 0 : i32
    return %c0_i32, %c0_i32_0 : i32, i32
  }
  func.func @transform_13(%arg0: i32) -> (i32, i32, i32) {
    %c0_i32 = arith.constant 0 : i32
    %c0_i32_0 = arith.constant 0 : i32
    %c0_i32_1 = arith.constant 0 : i32
    return %arg0, %c0_i32, %c0_i32_0 : i32, i32, i32
  }
}

</mosaic_0001>

<sc_bundles>
// kernel: kernel.12.cloned.1.call-start
scs
__scs_entry_jumppad:
0x0: {  	(pc) =	sbr.rel $0x88, $3  }
0x1: {  	(tag) =	ssettag $0x0;
	lr =	simm.s32 $0x1  }
0x2: {  	[smem:$0x3F87] =	sst lr;
	_ =	strace $0xD0000000  }
0x3: {  	_ = 	snop  }
0x4: {  	_ = 	snop  }
0x5: {  	_ = 	snop  }
0x6: {  	_ = 	snop  }
0x7: {  	_ = 	snop  }
__scs_overlays_trampoline_lowered:
0x8: {  	[smem:$0x3F96] =	sst s0  }
0x9: {  	[smem:$0x3F97] =	sst s1  }
0xa: {  	[smem:$0x3F98] =	sst s2  }
0xb: {  	[smem:$0x3F99] =	sst s3  }
0xc: {  	[smem:$0x3F9A] =	sst s4  }
0xd: {  	[smem:$0x3F9B] =	sst s5  }
0xe: {  	[smem:$0x3F9C] =	sst s6  }
0xf: {  	[smem:$0x3F9D] =	sst s7  }
0x10: {  	[smem:$0x3F9E] =	sst s8  }
0x11: {  	[smem:$0x3F9F] =	sst s9;
	s0 =	simm.s32 @!p0 $0x0  }
0x12: {  	s1 =	sld [smem:$0x3F85];
	s0 =	simm.s32 @p0 $0x1  }
0x13: {  	[smem:$0x3FA0] =	sst s0;
	s0 =	simm.s32 @!p1 $0x0  }
0x14: {  	s2 =	sld [smem:$0x3F84];
	s0 =	simm.s32 @p1 $0x1  }
0x15: {  	[smem:$0x3FA1] =	sst s0;
	s0 =	simm.s32 @!p2 $0x0  }
0x16: {  	s3 =	sld [smem:$0x3FDB];
	s0 =	simm.s32 @p2 $0x1  }
0x17: {  	s4 =	simm.s32 $0x1BF5;
	[smem:$0x3FA3] =	sst s0  }
0x18: {  	s0 =	sld [smem:$0x3F86];
	_ =	swait.ge [sflag:s4], $0x0  }
0x19: {  	s7 =	sld [smem:$0x3F87]  }
0x1a: {  	s8 =	sadd.s32 $0xFFFFE003, lr  }
0x1b: {  	s9 =	sadd.s32 $0xFFFFFEF7, lr;
	s5 =	simm.s32 $0xFFFFFFFF;
	p2 =	slt.u32 s8, $0xFFFFF086  }
0x1c: {  	p1 =	slt.u32 s9, $0xF7A;
	s5 =	simm.s32 @!p2 $0x0  }
0x1d: {  	s5 =	simm.s32 @p1 $0x1;
	p0 =	seq.s32 s7, s2  }
0x1e: {  	s7 =	smul.u32 @!p0 $0xF7A, s2;
	p2 =	seq.s32 @!p0 s5, $0x0  }
0x1f: {  	s9 =	smul.u32 $0xF7A, s1;
	s8 =	simm.s32 @!p0 $0x1BF5;
	p2 =	por !p2, p0  }
0x20: {  	[sflag:s8] =	ssyncset.s32 @!p0 $0xFFFFF086;
	s6 =	sadd.s32 @!p0 s3, s7;
	s7 =	simm.s32 @!p0 $0x108  }
0x21: {  	s3 =	sadd.s32 s3, s9;
	s6 =	sadd.s32 @!p0 $0x88, s6;
	s7 =	simm.s32 @p2 $0x1082  }
0x22: {  	[simem:s7], [sflag:s8] =	dma.local @!p0 [hbm:s6], $0xF7A  }
0x23: {  	s9 =	sor.u32 $0xD0000000, s2;
	s6 =	simm.s32 $0x108;
	_ =	swait.ge @!p0 [sflag:s8], $0x0  }
0x24: {  	s3 =	sadd.s32 $0x88, s3;
	s6 =	simm.s32 @!p1 $0x1082;
	[sflag:s4] =	ssyncset.s32 $0xFFFFF086  }
0x25: {  	[simem:s6], [sflag:s4] =	dma.local [hbm:s3], $0xF7A  }
0x26: {  	[smem:$0x3F87] =	sst s1;
	(tag) =	ssettag s2;
	_ =	strace s9  }
0x27: {  	s1 =	sld [smem:$0x3F97]  }
0x28: {  	s2 =	sld [smem:$0x3F98]  }
0x29: {  	s4 =	sld [smem:$0x3F9A]  }
0x2a: {  	p0 =	seq.s32 s5, $0x0;
	s5 =	sld [smem:$0x3F9B]  }
0x2b: {  	s6 =	sld [smem:$0x3F9C]  }
0x2c: {  	s7 =	sld [smem:$0x3F9D]  }
0x2d: {  	s3 =	simm.s32 $0x108;
	s8 =	sld [smem:$0x3F9E]  }
0x2e: {  	s3 =	simm.s32 @!p0 $0x1082;
	s9 =	sld [smem:$0x3F9F]  }
0x2f: {  	lr =	sadd.s32 s0, s3;
	s0 =	sld [smem:$0x3F96]  }
0x30: {  	s3 =	sld [smem:$0x3F99]  }
0x31: {  	[smem:$0x3FA2] =	sst s10  }
0x32: {  	s10 =	sld [smem:$0x3FA0];
	_ =	sdelay $0x3  }
0x33: {  	p0 =	seq.s32 s10, $0x1;
	s10 =	sld [smem:$0x3FA2];
	_ =	sdelay $0x3  }
0x34: {  	[smem:$0x3FA2] =	sst s10  }
0x35: {  	s10 =	sld [smem:$0x3FA1];
	_ =	sdelay $0x3  }
0x36: {  	p1 =	seq.s32 s10, $0x1;
	s10 =	sld [smem:$0x3FA2];
	_ =	sdelay $0x3  }
0x37: {  	[smem:$0x3FA2] =	sst s10  }
0x38: {  	s10 =	sld [smem:$0x3FA3]  }
0x39: {  	_ = 	snop;
	(pc) =	sbr.ind lr, $3  }
0x3a: {  	_ = 	snop  }
0x3b: {  	_ = 	snop  }
0x3c: {  	p2 =	seq.s32 s10, $0x1;
	s10 =	sld [smem:$0x3FA2]  }
0x3d: {  	_ =	shalt  }
0x3e: {  	_ =	shalt  }
0x3f: {  	_ =	shalt  }
0x40: {  	_ =	shalt  }
0x41: {  	_ =	shalt  }
0x42: {  	_ =	shalt  }
0x43: {  	_ =	shalt  }
0x44: {  	_ =	shalt  }
0x45: {  	_ =	shalt  }
0x46: {  	_ =	shalt  }
0x47: {  	_ =	shalt  }
0x48: {  	_ =	shalt  }
0x49: {  	_ =	shalt  }
0x4a: {  	_ =	shalt  }
0x4b: {  	_ =	shalt  }
0x4c: {  	_ =	shalt  }
0x4d: {  	_ =	shalt  }
0x4e: {  	_ =	shalt  }
0x4f: {  	_ =	shalt  }
0x50: {  	_ =	shalt  }
0x51: {  	_ =	shalt  }
0x52: {  	_ =	shalt  }
0x53: {  	_ =	shalt  }
0x54: {  	_ =	shalt  }
0x55: {  	_ =	shalt  }
0x56: {  	_ =	shalt  }
0x57: {  	_ =	shalt  }
0x58: {  	_ =	shalt  }
0x59: {  	_ =	shalt  }
0x5a: {  	_ =	shalt  }
0x5b: {  	_ =	shalt  }
0x5c: {  	_ =	shalt  }
0x5d: {  	_ =	shalt  }
0x5e: {  	_ =	shalt  }
0x5f: {  	_ =	shalt  }
0x60: {  	_ =	shalt  }
0x61: {  	_ =	shalt  }
0x62: {  	_ =	shalt  }
0x63: {  	_ =	shalt  }
0x64: {  	_ =	shalt  }
0x65: {  	_ =	shalt  }
0x66: {  	_ =	shalt  }
0x67: {  	_ =	shalt  }
0x68: {  	_ =	shalt  }
0x69: {  	_ =	shalt  }
0x6a: {  	_ =	shalt  }
0x6b: {  	_ =	shalt  }
0x6c: {  	_ =	shalt  }
0x6d: {  	_ =	shalt  }
0x6e: {  	_ =	shalt  }
0x6f: {  	_ =	shalt  }
0x70: {  	_ =	shalt  }
0x71: {  	_ =	shalt  }
0x72: {  	_ =	shalt  }
0x73: {  	_ =	shalt  }
0x74: {  	_ =	shalt  }
0x75: {  	_ =	shalt  }
0x76: {  	_ =	shalt  }
0x77: {  	_ =	shalt  }
0x78: {  	_ =	shalt  }
0x79: {  	_ =	shalt  }
0x7a: {  	_ =	shalt  }
0x7b: {  	_ =	shalt  }
0x7c: {  	_ =	shalt  }
0x7d: {  	_ =	shalt  }
0x7e: {  	_ =	shalt  }
0x7f: {  	_ =	shalt  }
0x80: {  	_ =	shalt  }
0x81: {  	_ =	shalt  }
0x82: {  	_ =	shalt  }
0x83: {  	_ =	shalt  }
0x84: {  	_ =	shalt  }
0x85: {  	_ =	shalt  }
0x86: {  	_ =	shalt  }
0x87: {  	_ =	shalt  }
.Lfunc_end0:
.L_simem_size_0:
called_computation_lowered:
.L_overlay_start_0:
0x88: {  	s2 =	sld [smem:$0x3FD9]  }
0x89: {  	s3 =	sld [smem:$0x3FFE];
	_ =	sdelay $0x1  }
0x8a: {  	s1 =	srdreg.scid  }
0x8b: {  	s0 =	sand.u32 $0x1, s1  }
0x8c: {  	s17 =	sshll.u32 s0, $0xA;
	s2 =	sadd.s32 s3, s2  }
0x8d: {  	s2 =	sadd.s32 s2, s17  }
0x8e: {  	[smem:$0x3FAE] =	sst s2  }
0x8f: {  	_ = 	snop  }
0x90: {  	s18 =	sld [smem:$0x3FC3];
	(tm) =	ssettm $0x1  }
0x91: {  	s19 =	sld [smem:$0x3FFB];
	_ =	sdelay $0x3  }
0x92: {  	_ =	strace s19  }
0x93: {  	s2 =	sld [smem:$0x3FFC];
	_ =	sdelay $0x3  }
0x94: {  	_ =	strace s2  }
0x95: {  	s2 =	sld [smem:$0x3FFD];
	_ =	sdelay $0x3  }
0x96: {  	_ =	strace s2  }
0x97: {  	_ =	strace $0x8FFFFFFF  }
0x98: {  	s20 =	sld [smem:$0x3FDB];
	_ =	sdelay $0x1  }
0x99: {  	s4 =	simm.s32 $_scs_section_size  }
0x9a: {  	s5 =	simm.s32 $_size__tile_overlayer_lowered;
	s6 =	simm.s32 $_tile_overlayer_lowered  }
0x9b: {  	s7 =	simm.s32 $0x1BFF;
	s21 =	sshll.u32 s6, $0x1;
	s4 =	sadd.s32 s4, s20  }
0x9c: {  	s22 =	simm.s32 $0x0;
	s5 =	sshll.u32 s5, $0x1;
	s6 =	sadd.s32 s21, s4  }
0x9d: {  	[timem:s22], [sflag:s7] =	dma.local [hbm:s6], s5  }
0x9e: {  	_ =	swait.ge [sflag:s7], s5  }
0x9f: {  	s5 =	ssub.s32 $0x0, s5;
	[sflag:s7] =	ssyncset.done $0x0  }
0xa0: {  	[sflag:s7] =	ssyncadd.s32 s5;
	_ =	sdelay $0x1  }
0xa1: {  	s23 =	simm.s32 $0x1B8B  }
0xa2: {  	_ =	swait.ge [sflag:s23], $0x1  }
0xa3: {  	[sflag:s23] =	ssyncset.done $0x0  }
0xa4: {  	[sflag:s23] =	ssyncadd.s32 $0xFFFFFFFF  }
0xa5: {  	s5 =	sld [smem:$0x0]  }
0xa6: {  	s6 =	sand.u32 $0xFFFFFFFE, s1  }
0xa7: {  	p0 =	sne.s32 s1, s6  }
0xa8: {  	s6 =	sshll.u32 @p0 s6, $0xE  }
0xa9: {  	s6 =	sadd.s32 @p0 $0x11B8D, s6;
	s7 =	sshll.u32 @p0 s5, $0x11  }
0xaa: {  	s6 =	sor.u32 @p0 s7, s6  }
0xab: {  	[sflag:s6] =	ssyncadd.remote.s32 @p0 $0x1;
	_ =	sdelay $0x1  }
0xac: {  	s6 =	simm.s32 @p0 $0x1B8D  }
0xad: {  	_ =	swait.eq @p0 [sflag:s6], $0x1  }
0xae: {  	[sflag:s6] =	ssyncadd.s32 @p0 $0xFFFFFFFF  }
0xaf: {  	s7 =	sshll.u32 @!p0 s1, $0xE  }
0xb0: {  	s7 =	sor.u32 @!p0 $0x4000, s7;
	s6 =	simm.s32 @!p0 $0x1B8D  }
0xb1: {  	s5 =	sshll.u32 @!p0 s5, $0x11;
	s7 =	sadd.s32 @!p0 $0x11B8D, s7;
	_ =	swait.eq @!p0 [sflag:s6], $0x1  }
0xb2: {  	s5 =	sor.u32 @!p0 s5, s7;
	[sflag:s6] =	ssyncadd.s32 @!p0 $0xFFFFFFFF  }
0xb3: {  	s25 =	simm.s32 $0x1B8E;
	s24 =	sld [smem:$0x3FFE];
	[sflag:s5] =	ssyncadd.remote.s32 @!p0 $0x1  }
0xb4: {  	s26 =	simm.s32 $execute0_lowered;
	[smem:$0x3FD2] =	sst s25  }
0xb5: {  	s6 =	sshll.u32 s26, $0x1;
	_ =	strace $0x80000049;
	[dreg:$0x1] =	wrdreg $0xFFFFFFFF  }
0xb6: {  	s28 =	simm.s32 $_size_execute0_lowered;
	s4 =	sadd.s32 s4, s6;
	[dreg:$0x0] =	wrdreg $0x0  }
0xb7: {  	s6 =	sshll.u32 s28, $0x1;
	[dreg:$0x2] =	wrdreg s4  }
0xb8: {  	[dreg:$0x3] =	wrdreg s6  }
0xb9: {  	[dreg:$0x4] =	wrdreg $0xC0  }
0xba: {  	_ =	task [dreg:s22], $0x5FFFF  }
0xbb: {  	[dreg:$0x1] =	wrdreg $0xFFFFFFFF  }
0xbc: {  	[dreg:$0x0] =	wrdreg $0x60  }
0xbd: {  	[dreg:$0x2] =	wrdreg s18  }
0xbe: {  	[dreg:$0x3] =	wrdreg s24  }
0xbf: {  	[dreg:$0x4] =	wrdreg $0xA  }
0xc0: {  	_ =	task.clear_ibuf [dreg:s22], $0x5FFFF;
	_ =	strace $0x90000049  }
0xc1: {  	s29 =	simm.s32 $0xA;
	_ =	strace $0x8000004B  }
0xc2: {  	_ =	swait.ge [sflag:s29], $0x1  }
0xc3: {  	[sflag:s29] =	ssyncadd.s32 $0xFFFFFFFF  }
0xc4: {  	_ =	strace $0x9000004B  }
0xc5: {  	_ =	sfence  }
0xc6: {  	s30 =	sld [smem:$0x0];
	_ =	sdelay $0x2  }
0xc7: {  	s31 =	sshll.u32 s1, $0xD;
	s1 =	sshrl.u32 s1, $0x2  }
0xc8: {  	s4 =	sand.u32 $0x4000, s31;
	s1 =	sadd.s32 s1, s30  }
0xc9: {  	s0 =	sor.u32 s4, s0;
	s1 =	sshll.u32 s1, $0x11  }
0xca: {  	s0 =	sor.u32 s1, s0  }
0xcb: {  	s0 =	sadd.s32 $0x8F2B, s0  }
0xcc: {  	[sflag:s0] =	ssyncadd.remote.s32 $0x1  }
0xcd: {  	_ =	sfence.sel $0xFFFF  }
0xce: {  	[dreg:$0x0] =	wrdreg $0xFFFFFFFF;
	(pc) =	sbr.abs _section_cstart, $3  }
0xcf: {  	[dreg:$0x1] =	wrdreg $0xFFFFFFFF  }
0xd0: {  	_ =	task.clear_ibuf [dreg:s22], $0x2FFFF;
	_ =	strace $0x9FFFFFFF  }
0xd1: {  	(tm) =	ssettm $0x7FFFFFFF  }
tec
execute0_lowered:
.L_overlay_start_1:
0x0: {  	(tag) =	ssettag $0x1  }
0x1: {  	s1 =	srdreg.scid;
	s2 =	rddreg [dreg:$0x0]  }
0x2: {  	s0 =	stileid.u32;
	s5 =	rddreg [dreg:$0x1];
	s3 =	simm.s32 $0x0  }
0x3: {  	s7 =	simm.s32 $0x1;
	s4 =	sand.u32 $0x1, s1;
	s30 =	sshll.u32 s0, $0x1  }
0x4: {  	s8 =	simm.s32 $0xC380;
	s9 =	simm.s32 $0xCD80;
	s1 =	sor.u32 s4, s30  }
0x5: {  	[smem:$0x7FF] =	sst s3;
	s4 =	ssub.s32 $0x2, s4;
	s6 =	smul.u32 $0x140, s1  }
0x6: {  	s10 =	simm.s32 $0x0;
	s1 =	rddreg [dreg:$0x2];
	s31 =	sshrl.u32 s4, $0x1  }
0x7: {  	_ =	strace $0x8000004A;
	s5 =	sadd.s32 s6, s5;
	s6 =	ssub.s32 s4, s31  }
0x8: {  	s4 =	sadd.s32 $0x1A4800, s5;
	s5 =	sadd.s32 $0x1A7000, s5;
	s6 =	smax.u32 s6, $0x1  }
.LBB2_1:
0x9: {  	[tilespmem:s3], [sflag:$0x1] =	stream.linear.gather [hbm4b:s2+s3], $0xC380, $0x38;
	[tilespmem:$0xD780] =	vst v63  }
0xa: {  	_ =	swait.ge [sflag:s7], $0xC380  }
0xb: {  	[sflag:s7] =	ssyncset.done $0x0  }
0xc: {  	[sflag:s7] =	ssyncadd.s32 $0xFFFF3C80  }
0xd: {  	[tilespmem:s8], [sflag:$0x1] =	stream.linear.gather [hbm4b:s4+s3], $0xA00, $0x38;
	[tilespmem:$0xD780] =	vst v63  }
0xe: {  	_ =	swait.ge [sflag:s7], $0xA00  }
0xf: {  	[sflag:s7] =	ssyncset.done $0x0  }
0x10: {  	s11 =	simm.s32 $0x0;
	[sflag:s7] =	ssyncadd.s32 $0xFFFFF600  }
0x11: {  	v0 =	vld [tilespmem:s11+$0xC380];
	_ =	sdelay $0x7  }
0x12: {  	s12 =	simm.s32 $0x10;
	s13 =	simm.s32 $0x80;
	v0 =	vld.idx.msk [tilespmem:v0+s3+$0x0], $0xffff  }
.LBB2_2:
0x13: {  	p0 =	sne.s32 s13, $0x27C0;
	v1 =	vld [tilespmem:s12+$0xC380];
	_ =	sdelay $0x3  }
.Ltmp0:
0x14: {  	(pc) =	sbr.rel @p0 .LBB2_2-.Ltmp0, $2  }
0x15: {  	[tilespmem:s11+$0xCD80] =	vst v0;
	s11 =	smov.u32 s12;
	_ =	sdelay $0x2  }
0x16: {  	s12 =	sshra.s32 s13, $0x2;
	s13 =	sadd.s32 $0x40, s13;
	v0 =	vld.idx.msk [tilespmem:v1+s3+$0x0], $0xffff  }
0x17: {  	v1 =	vld [tilespmem:s12+$0xC380];
	_ =	sdelay $0x6  }
0x18: {  	[tilespmem:s11+$0xCD80] =	vst v0  }
0x19: {  	v0 =	vld.idx.msk [tilespmem:v1+s3+$0x0], $0xffff;
	_ =	sdelay $0x2  }
0x1a: {  	s10 =	sadd.s32 $0x1, s10  }
0x1b: {  	p0 =	sne.s32 s10, s6  }
.Ltmp1:
0x1c: {  	[tilespmem:s12+$0xCD80] =	vst v0;
	(pc) =	sbr.rel @p0 .LBB2_1-.Ltmp1, $4  }
0x1d: {  	[hbm4b:s5+s3] =	stream.linear.scatter [tilespmem:s9], [sflag:$0x1], $0xA00, $0x38;
	[tilespmem:$0xD780] =	vst v63  }
0x1e: {  	_ =	swait.ge [sflag:s7], $0xA00  }
0x1f: {  	[sflag:s7] =	ssyncset.done $0x0  }
0x20: {  	[sflag:s7] =	ssyncadd.s32 $0xFFFFF600  }
0x21: {  	_ =	sfence.sel $0x180000  }
0x22: {  	[bflag:$0x0] =	sbarrier.arrive $0xFFFF  }
0x23: {  	p0 =	sne.s32 s0, $0x0;
	_ =	strace $0x9000004A  }
0x24: {  	s0 =	sadd.s32 @!p0 $0x100000, s1;
	[bflag:$0x2] =	sbarrier.arrive $0xFFFF  }
0x25: {  	[sflag:s0] =	ssyncadd.tile.s32 @!p0 $0x1;
	_ =	shalt  }
.Lfunc_end2:
_tile_overlayer_lowered:
.L_overlay_start_2:
0x26: {  	(tag) =	ssettag $0x2  }
0x27: {  	s0 =	rddreg [dreg:$0x0];
	s2 =	stileid.u32  }
0x28: {  	s1 =	rddreg [dreg:$0x1];
	p0 =	sne.s32 s2, $0x0  }
0x29: {  	s3 =	rddreg [dreg:$0x2];
	[bflag:$0x3] =	sbarrier.arrive $0xFFFF;
	s2 =	simm.s32 @!p0 $0x1C01  }
0x2a: {  	[timem:s3], [sflag:s2] =	dma.local @!p0 [hbm:s0], s1  }
0x2b: {  	s0 =	simm.s32 @!p0 $0x1  }
0x2c: {  	_ =	swait.ge @!p0 [sflag:s0], s1  }
0x2d: {  	s1 =	ssub.s32 @!p0 $0x0, s1;
	[sflag:s0] =	ssyncset.done @!p0 $0x0  }
0x2e: {  	[sflag:s0] =	ssyncadd.s32 @!p0 s1  }
0x2f: {  	[bflag:$0x3] =	sbarrier.arrive $0xFFFF  }
0x30: {  	_ =	shalt  }

// kernel: kernel.15.cloned.1.call-start
scs
__scs_entry_jumppad:
0x0: {  	(pc) =	sbr.rel $0x88, $3  }
0x1: {  	(tag) =	ssettag $0x0;
	lr =	simm.s32 $0x1  }
0x2: {  	[smem:$0x3F87] =	sst lr;
	_ =	strace $0xD0000000  }
0x3: {  	_ = 	snop  }
0x4: {  	_ = 	snop  }
0x5: {  	_ = 	snop  }
0x6: {  	_ = 	snop  }
0x7: {  	_ = 	snop  }
__scs_overlays_trampoline_lowered:
0x8: {  	[smem:$0x3F96] =	sst s0  }
0x9: {  	[smem:$0x3F97] =	sst s1  }
0xa: {  	[smem:$0x3F98] =	sst s2  }
0xb: {  	[smem:$0x3F99] =	sst s3  }
0xc: {  	[smem:$0x3F9A] =	sst s4  }
0xd: {  	[smem:$0x3F9B] =	sst s5  }
0xe: {  	[smem:$0x3F9C] =	sst s6  }
0xf: {  	[smem:$0x3F9D] =	sst s7  }
0x10: {  	[smem:$0x3F9E] =	sst s8  }
0x11: {  	[smem:$0x3F9F] =	sst s9;
	s0 =	simm.s32 @!p0 $0x0  }
0x12: {  	s1 =	sld [smem:$0x3F85];
	s0 =	simm.s32 @p0 $0x1  }
0x13: {  	[smem:$0x3FA0] =	sst s0;
	s0 =	simm.s32 @!p1 $0x0  }
0x14: {  	s2 =	sld [smem:$0x3F84];
	s0 =	simm.s32 @p1 $0x1  }
0x15: {  	[smem:$0x3FA1] =	sst s0;
	s0 =	simm.s32 @!p2 $0x0  }
0x16: {  	s3 =	sld [smem:$0x3FDB];
	s0 =	simm.s32 @p2 $0x1  }
0x17: {  	s4 =	simm.s32 $0x1BF5;
	[smem:$0x3FA3] =	sst s0  }
0x18: {  	s0 =	sld [smem:$0x3F86];
	_ =	swait.ge [sflag:s4], $0x0  }
0x19: {  	s7 =	sld [smem:$0x3F87]  }
0x1a: {  	s8 =	sadd.s32 $0xFFFFE003, lr  }
0x1b: {  	s9 =	sadd.s32 $0xFFFFFEF7, lr;
	s5 =	simm.s32 $0xFFFFFFFF;
	p2 =	slt.u32 s8, $0xFFFFF086  }
0x1c: {  	p1 =	slt.u32 s9, $0xF7A;
	s5 =	simm.s32 @!p2 $0x0  }
0x1d: {  	s5 =	simm.s32 @p1 $0x1;
	p0 =	seq.s32 s7, s2  }
0x1e: {  	s7 =	smul.u32 @!p0 $0xF7A, s2;
	p2 =	seq.s32 @!p0 s5, $0x0  }
0x1f: {  	s9 =	smul.u32 $0xF7A, s1;
	s8 =	simm.s32 @!p0 $0x1BF5;
	p2 =	por !p2, p0  }
0x20: {  	[sflag:s8] =	ssyncset.s32 @!p0 $0xFFFFF086;
	s6 =	sadd.s32 @!p0 s3, s7;
	s7 =	simm.s32 @!p0 $0x108  }
0x21: {  	s3 =	sadd.s32 s3, s9;
	s6 =	sadd.s32 @!p0 $0x88, s6;
	s7 =	simm.s32 @p2 $0x1082  }
0x22: {  	[simem:s7], [sflag:s8] =	dma.local @!p0 [hbm:s6], $0xF7A  }
0x23: {  	s9 =	sor.u32 $0xD0000000, s2;
	s6 =	simm.s32 $0x108;
	_ =	swait.ge @!p0 [sflag:s8], $0x0  }
0x24: {  	s3 =	sadd.s32 $0x88, s3;
	s6 =	simm.s32 @!p1 $0x1082;
	[sflag:s4] =	ssyncset.s32 $0xFFFFF086  }
0x25: {  	[simem:s6], [sflag:s4] =	dma.local [hbm:s3], $0xF7A  }
0x26: {  	[smem:$0x3F87] =	sst s1;
	(tag) =	ssettag s2;
	_ =	strace s9  }
0x27: {  	s1 =	sld [smem:$0x3F97]  }
0x28: {  	s2 =	sld [smem:$0x3F98]  }
0x29: {  	s4 =	sld [smem:$0x3F9A]  }
0x2a: {  	p0 =	seq.s32 s5, $0x0;
	s5 =	sld [smem:$0x3F9B]  }
0x2b: {  	s6 =	sld [smem:$0x3F9C]  }
0x2c: {  	s7 =	sld [smem:$0x3F9D]  }
0x2d: {  	s3 =	simm.s32 $0x108;
	s8 =	sld [smem:$0x3F9E]  }
0x2e: {  	s3 =	simm.s32 @!p0 $0x1082;
	s9 =	sld [smem:$0x3F9F]  }
0x2f: {  	lr =	sadd.s32 s0, s3;
	s0 =	sld [smem:$0x3F96]  }
0x30: {  	s3 =	sld [smem:$0x3F99]  }
0x31: {  	[smem:$0x3FA2] =	sst s10  }
0x32: {  	s10 =	sld [smem:$0x3FA0];
	_ =	sdelay $0x3  }
0x33: {  	p0 =	seq.s32 s10, $0x1;
	s10 =	sld [smem:$0x3FA2];
	_ =	sdelay $0x3  }
0x34: {  	[smem:$0x3FA2] =	sst s10  }
0x35: {  	s10 =	sld [smem:$0x3FA1];
	_ =	sdelay $0x3  }
0x36: {  	p1 =	seq.s32 s10, $0x1;
	s10 =	sld [smem:$0x3FA2];
	_ =	sdelay $0x3  }
0x37: {  	[smem:$0x3FA2] =	sst s10  }
0x38: {  	s10 =	sld [smem:$0x3FA3]  }
0x39: {  	_ = 	snop;
	(pc) =	sbr.ind lr, $3  }
0x3a: {  	_ = 	snop  }
0x3b: {  	_ = 	snop  }
0x3c: {  	p2 =	seq.s32 s10, $0x1;
	s10 =	sld [smem:$0x3FA2]  }
0x3d: {  	_ =	shalt  }
0x3e: {  	_ =	shalt  }
0x3f: {  	_ =	shalt  }
0x40: {  	_ =	shalt  }
0x41: {  	_ =	shalt  }
0x42: {  	_ =	shalt  }
0x43: {  	_ =	shalt  }
0x44: {  	_ =	shalt  }
0x45: {  	_ =	shalt  }
0x46: {  	_ =	shalt  }
0x47: {  	_ =	shalt  }
0x48: {  	_ =	shalt  }
0x49: {  	_ =	shalt  }
0x4a: {  	_ =	shalt  }
0x4b: {  	_ =	shalt  }
0x4c: {  	_ =	shalt  }
0x4d: {  	_ =	shalt  }
0x4e: {  	_ =	shalt  }
0x4f: {  	_ =	shalt  }
0x50: {  	_ =	shalt  }
0x51: {  	_ =	shalt  }
0x52: {  	_ =	shalt  }
0x53: {  	_ =	shalt  }
0x54: {  	_ =	shalt  }
0x55: {  	_ =	shalt  }
0x56: {  	_ =	shalt  }
0x57: {  	_ =	shalt  }
0x58: {  	_ =	shalt  }
0x59: {  	_ =	shalt  }
0x5a: {  	_ =	shalt  }
0x5b: {  	_ =	shalt  }
0x5c: {  	_ =	shalt  }
0x5d: {  	_ =	shalt  }
0x5e: {  	_ =	shalt  }
0x5f: {  	_ =	shalt  }
0x60: {  	_ =	shalt  }
0x61: {  	_ =	shalt  }
0x62: {  	_ =	shalt  }
0x63: {  	_ =	shalt  }
0x64: {  	_ =	shalt  }
0x65: {  	_ =	shalt  }
0x66: {  	_ =	shalt  }
0x67: {  	_ =	shalt  }
0x68: {  	_ =	shalt  }
0x69: {  	_ =	shalt  }
0x6a: {  	_ =	shalt  }
0x6b: {  	_ =	shalt  }
0x6c: {  	_ =	shalt  }
0x6d: {  	_ =	shalt  }
0x6e: {  	_ =	shalt  }
0x6f: {  	_ =	shalt  }
0x70: {  	_ =	shalt  }
0x71: {  	_ =	shalt  }
0x72: {  	_ =	shalt  }
0x73: {  	_ =	shalt  }
0x74: {  	_ =	shalt  }
0x75: {  	_ =	shalt  }
0x76: {  	_ =	shalt  }
0x77: {  	_ =	shalt  }
0x78: {  	_ =	shalt  }
0x79: {  	_ =	shalt  }
0x7a: {  	_ =	shalt  }
0x7b: {  	_ =	shalt  }
0x7c: {  	_ =	shalt  }
0x7d: {  	_ =	shalt  }
0x7e: {  	_ =	shalt  }
0x7f: {  	_ =	shalt  }
0x80: {  	_ =	shalt  }
0x81: {  	_ =	shalt  }
0x82: {  	_ =	shalt  }
0x83: {  	_ =	shalt  }
0x84: {  	_ =	shalt  }
0x85: {  	_ =	shalt  }
0x86: {  	_ =	shalt  }
0x87: {  	_ =	shalt  }
.Lfunc_end0:
.L_simem_size_0:
called_computation.1_lowered:
.L_overlay_start_0:
0x88: {  	s2 =	sld [smem:$0x3FD9]  }
0x89: {  	s3 =	sld [smem:$0x3FFE];
	_ =	sdelay $0x1  }
0x8a: {  	s1 =	srdreg.scid  }
0x8b: {  	s0 =	sand.u32 $0x1, s1  }
0x8c: {  	s17 =	sshll.u32 s0, $0xA;
	s2 =	sadd.s32 s3, s2  }
0x8d: {  	s2 =	sadd.s32 s2, s17  }
0x8e: {  	[smem:$0x3FAE] =	sst s2  }
0x8f: {  	_ = 	snop  }
0x90: {  	s2 =	sld [smem:$0x3FC0]  }
0x91: {  	s18 =	sld [smem:$0x3FD0];
	(tm) =	ssettm $0x1  }
0x92: {  	s4 =	sld [smem:$0x3FFB];
	_ =	sdelay $0x3  }
0x93: {  	_ =	strace s4  }
0x94: {  	s4 =	sld [smem:$0x3FFC];
	_ =	sdelay $0x3  }
0x95: {  	_ =	strace s4  }
0x96: {  	s4 =	sld [smem:$0x3FFD];
	_ =	sdelay $0x3  }
0x97: {  	_ =	strace s4  }
0x98: {  	_ =	strace $0x8FFFFFFF  }
0x99: {  	s19 =	sld [smem:$0x3FDB];
	_ =	sdelay $0x1  }
0x9a: {  	s5 =	simm.s32 $_scs_section_size  }
0x9b: {  	s6 =	simm.s32 $_size__tile_overlayer_lowered;
	s7 =	simm.s32 $_tile_overlayer_lowered  }
0x9c: {  	s22 =	simm.s32 $0x1BFF;
	s21 =	sshll.u32 s7, $0x1;
	s4 =	sadd.s32 s5, s19  }
0x9d: {  	s8 =	simm.s32 $0x0;
	s20 =	sshll.u32 s6, $0x1;
	s6 =	sadd.s32 s21, s4  }
0x9e: {  	[timem:s8], [sflag:s22] =	dma.local [hbm:s6], s20  }
0x9f: {  	_ =	swait.ge [sflag:s22], s20  }
0xa0: {  	s5 =	ssub.s32 $0x0, s20;
	[sflag:s22] =	ssyncset.done $0x0  }
0xa1: {  	[sflag:s22] =	ssyncadd.s32 s5;
	_ =	sdelay $0x1  }
0xa2: {  	s23 =	simm.s32 $0x1B8B  }
0xa3: {  	_ =	swait.ge [sflag:s23], $0x1  }
0xa4: {  	[sflag:s23] =	ssyncset.done $0x0  }
0xa5: {  	s25 =	simm.s32 $0x1B8E;
	s24 =	sld [smem:$0x3FFE];
	[sflag:s23] =	ssyncadd.s32 $0xFFFFFFFF  }
0xa6: {  	s26 =	simm.s32 $execute0_lowered;
	[smem:$0x3FD2] =	sst s25  }
0xa7: {  	s6 =	sshll.u32 s26, $0x1;
	_ =	strace $0x80000046;
	[dreg:$0x1] =	wrdreg $0xFFFFFFFF  }
0xa8: {  	s28 =	simm.s32 $_size_execute0_lowered;
	s4 =	sadd.s32 s4, s6;
	[dreg:$0x0] =	wrdreg $0x0  }
0xa9: {  	s6 =	sshll.u32 s28, $0x1;
	[dreg:$0x2] =	wrdreg s4  }
0xaa: {  	[dreg:$0x3] =	wrdreg s6  }
0xab: {  	[dreg:$0x4] =	wrdreg $0xC0  }
0xac: {  	_ =	task [dreg:s8], $0x5FFFF  }
0xad: {  	[dreg:$0x1] =	wrdreg $0xFFFFFFFF  }
0xae: {  	[dreg:$0x0] =	wrdreg $0x60  }
0xaf: {  	[dreg:$0x2] =	wrdreg s2  }
0xb0: {  	[dreg:$0x3] =	wrdreg s18  }
0xb1: {  	[dreg:$0x4] =	wrdreg s24  }
0xb2: {  	[dreg:$0x5] =	wrdreg $0xB  }
0xb3: {  	_ =	task.clear_ibuf [dreg:s8], $0x6FFFF;
	_ =	strace $0x90000046  }
0xb4: {  	s29 =	simm.s32 $0xB;
	_ =	strace $0x80000048  }
0xb5: {  	_ =	swait.ge [sflag:s29], $0x1  }
0xb6: {  	[sflag:s29] =	ssyncadd.s32 $0xFFFFFFFF  }
0xb7: {  	_ =	strace $0x90000048  }
0xb8: {  	_ =	sfence  }
0xb9: {  	s30 =	sld [smem:$0x0];
	_ =	sdelay $0x2  }
0xba: {  	s31 =	sshll.u32 s1, $0xD;
	s1 =	sshrl.u32 s1, $0x2  }
0xbb: {  	s3 =	sand.u32 $0x4000, s31;
	s1 =	sadd.s32 s1, s30  }
0xbc: {  	s0 =	sor.u32 s3, s0;
	s1 =	sshll.u32 s1, $0x11  }
0xbd: {  	s0 =	sor.u32 s1, s0  }
0xbe: {  	s0 =	sadd.s32 $0x8F2B, s0  }
0xbf: {  	[sflag:s0] =	ssyncadd.remote.s32 $0x1  }
0xc0: {  	_ =	sfence.sel $0xFFFF  }
0xc1: {  	[dreg:$0x0] =	wrdreg $0xFFFFFFFF;
	(pc) =	sbr.abs _section_cstart, $3  }
0xc2: {  	[dreg:$0x1] =	wrdreg $0xFFFFFFFF  }
0xc3: {  	_ =	task.clear_ibuf [dreg:s8], $0x2FFFF;
	_ =	strace $0x9FFFFFFF  }
0xc4: {  	(tm) =	ssettm $0x7FFFFFFF  }
0xc5: {  	_ =	shalt  }
tec
execute0_lowered:
.L_overlay_start_1:
0x0: {  	(tag) =	ssettag $0x1  }
0x1: {  	s1 =	rddreg [dreg:$0x0]  }
0x2: {  	s4 =	rddreg [dreg:$0x1];
	s2 =	srdreg.scid  }
0x3: {  	s0 =	stileid.u32;
	s5 =	rddreg [dreg:$0x2];
	s3 =	simm.s32 $0x0  }
0x4: {  	s10 =	simm.s32 $0x4D00;
	s11 =	simm.s32 $0x100;
	s12 =	simm.s32 $0x8D00  }
0x5: {  	s13 =	simm.s32 $0x180;
	s14 =	simm.s32 $0xCD00;
	s15 =	simm.s32 $0x0  }
0x6: {  	s6 =	sand.u32 $0x1, s2;
	s7 =	smul.u32 $0xD0000, s0;
	s2 =	rddreg [dreg:$0x3]  }
0x7: {  	[smem:$0x7FF] =	sst s3;
	s9 =	sshll.u32 s0, $0x1;
	s8 =	smul.u32 $0x68000, s6  }
0x8: {  	s29 =	ssub.s32 $0x2, s6;
	s6 =	sor.u32 s6, s9;
	_ =	strace $0x80000047  }
0x9: {  	s30 =	sshrl.u32 s29, $0x1;
	s6 =	smul.u32 $0x1A0, s6;
	s7 =	sadd.s32 s8, s7  }
0xa: {  	s9 =	simm.s32 $0xD00;
	s31 =	ssub.s32 s29, s30;
	s7 =	sshrl.u32 s7, $0x3  }
0xb: {  	s8 =	simm.s32 $0x80;
	s4 =	sadd.s32 s4, s6;
	s7 =	sadd.s32 s7, s5  }
0xc: {  	s5 =	smax.u32 s31, $0x1;
	s6 =	sadd.s32 $0x4800, s7;
	s7 =	simm.s32 $0x4  }
.LBB2_1:
0xd: {  	[tilespmem:s3], [sflag:$0x4] =	stream.linear.gather [hbm4b:s4+s3], $0xD00, $0x38;
	[tilespmem:$0x18D00] =	vst v63  }
0xe: {  	s16 =	simm.s32 $0x2;
	p0 =	por $0x0, $0x0  }
0xf: {  	_ =	swait.ge [sflag:s7], $0xD00;
	s16 =	smul.u32 @!p0 $0xAB, s16  }
0x10: {  	s17 =	simm.s32 $0x0;
	[sflag:s7] =	ssyncset.done $0x0  }
0x11: {  	s17 =	smul.u32 $0xAB, s17;
	[sflag:s7] =	ssyncadd.s32 $0xFFFFF300;
	s16 =	sshrl.u32 @!p0 s16, $0x9  }
0x12: {  	[tilespmem:s9], [sflag:$0x1] =	stream.indirect.gather [hbm4b:s1+s8], $0x80, s3, s8, $0xb8;
	[tilespmem:$0x18D00] =	vst v63  }
0x13: {  	s17 =	sshrl.u32 s17, $0x9;
	s16 =	sand.u32 @!p0 $0x7F, s16  }
0x14: {  	s17 =	sand.u32 $0x7F, s17;
	s16 =	smul.u32 @!p0 $0x3, s16  }
0x15: {  	[tilespmem:s10], [sflag:$0x1] =	stream.indirect.gather [hbm4b:s1+s8], $0x80, s8, s8, $0xb8;
	[tilespmem:$0x18D00] =	vst v63  }
0x16: {  	s19 =	simm.s32 @!p0 $0x80;
	s17 =	smul.u32 $0x3, s17;
	s18 =	ssub.s32 @!p0 $0x2, s16  }
0x17: {  	[tilespmem:s12], [sflag:$0x2] =	stream.indirect.gather [hbm4b:s1+s8], $0x80, s11, s8, $0xb8;
	[tilespmem:$0x18D00] =	vst v63  }
0x18: {  	s16 =	simm.s32 $0x200;
	s17 =	ssub.s32 $0x0, s17;
	s18 =	sand.u32 @!p0 $0xFF, s18  }
0x19: {  	s17 =	sand.u32 $0xFF, s17;
	s20 =	sshll.u32 @!p0 s18, $0xF;
	s18 =	sadd.s32 @!p0 $0x1, s18  }
0x1a: {  	[tilespmem:s14], [sflag:$0x2] =	stream.indirect.gather [hbm4b:s1+s8], $0x80, s13, s8, $0xb8;
	[tilespmem:$0x18D00] =	vst v63  }
0x1b: {  	s22 =	sadd.s32 $0x1, s17;
	s17 =	sshll.u32 s17, $0xF;
	s21 =	sor.u32 @!p0 $0xD00, s20  }
0x1c: {  	[tilespmem:s21], [sflag:s18] =	stream.indirect.gather @!p0 [hbm4b:s1+s19], $0x80, s16, s19, $0xb8;
	[tilespmem:$0x18D00] =	vst v63  }
0x1d: {  	s20 =	sor.u32 @!p0 $0x4D00, s20;
	s23 =	sor.u32 $0xD00, s17;
	s21 =	simm.s32 @!p0 $0x280  }
0x1e: {  	[tilespmem:s20], [sflag:s18] =	stream.indirect.gather @!p0 [hbm4b:s1+s19], $0x80, s21, s19, $0xb8;
	[tilespmem:$0x18D00] =	vst v63  }
0x1f: {  	s17 =	sadd.s32 $0x1000, s6;
	s20 =	simm.s32 $0x3;
	p0 =	por $0x0, $0x0  }
0x20: {  	s18 =	simm.s32 $0x1;
	_ =	swait.ge [sflag:s22], $0x8000;
	s24 =	smul.u32 @!p0 $0xAB, s20  }
0x21: {  	s19 =	simm.s32 $0x4;
	s21 =	smul.u32 $0xAB, s18;
	[sflag:s22] =	ssyncset.done $0x0  }
0x22: {  	[sflag:s22] =	ssyncadd.s32 $0xFFFF8000;
	s24 =	sshrl.u32 @!p0 s24, $0x9;
	s22 =	smov.u32 s6  }
.LBB2_2:
0x23: {  	s24 =	sand.u32 @!p0 $0x7F, s24  }
0x24: {  	s16 =	sadd.s32 $0x100, s16;
	s25 =	smov.u32 s19;
	s19 =	sadd.s32 $0x1, s19  }
0x25: {  	s26 =	simm.s32 @!p0 $0x80;
	p1 =	sne.s32 s19, $0xF;
	s24 =	smul.u32 @!p0 $0x3, s24  }
0x26: {  	[hbm4b:s22+s3] =	stream.linear.scatter [tilespmem:s23], [sflag:$0x4], $0x8000, $0x38;
	[tilespmem:$0x18D00] =	vst v63  }
0x27: {  	s21 =	sshrl.u32 s21, $0x9;
	s20 =	ssub.s32 @!p0 s20, s24;
	_ =	swait.ge [sflag:s7], $0x8000  }
0x28: {  	s21 =	sand.u32 $0x7F, s21;
	s20 =	sand.u32 @!p0 $0xFF, s20;
	[sflag:s7] =	ssyncset.done $0x0  }
0x29: {  	s22 =	sshll.u32 @!p0 s20, $0xF;
	s23 =	sadd.s32 @!p0 $0x1, s20;
	[sflag:s7] =	ssyncadd.s32 $0xFFFF8000  }
0x2a: {  	s20 =	smul.u32 $0x3, s21;
	s21 =	sor.u32 @!p0 $0xD00, s22;
	s22 =	sor.u32 @!p0 $0x4D00, s22  }
0x2b: {  	[tilespmem:s21], [sflag:s23] =	stream.indirect.gather @!p0 [hbm4b:s1+s26], $0x80, s16, s26, $0xb8;
	[tilespmem:$0x18D00] =	vst v63  }
0x2c: {  	s18 =	ssub.s32 s18, s20;
	s21 =	sadd.s32 @!p0 $0x80, s16;
	s20 =	smov.u32 s25  }
0x2d: {  	[tilespmem:s22], [sflag:s23] =	stream.indirect.gather @!p0 [hbm4b:s1+s26], $0x80, s21, s26, $0xb8;
	[tilespmem:$0x18D00] =	vst v63  }
0x2e: {  	s21 =	sand.u32 $0xFF, s18;
	s22 =	smov.u32 s17;
	s18 =	sadd.s32 $0xFFFFFFFE, s20  }
.Ltmp0:
0x2f: {  	s24 =	sadd.s32 $0x1, s21;
	s23 =	sshll.u32 s21, $0xF;
	(pc) =	sbr.rel @p1 .LBB2_2-.Ltmp0, $4  }
0x30: {  	s21 =	smul.u32 $0xAB, s18;
	p0 =	sgt.u32 s18, $0xA;
	_ =	swait.ge [sflag:s24], $0x8000  }
0x31: {  	s25 =	smul.u32 @!p0 $0xAB, s20;
	s23 =	sor.u32 $0xD00, s23;
	[sflag:s24] =	ssyncset.done $0x0  }
0x32: {  	[sflag:s24] =	ssyncadd.s32 $0xFFFF8000  }
0x33: {  	s17 =	sadd.s32 $0x1000, s17;
	s24 =	sshrl.u32 @!p0 s25, $0x9  }
0x34: {  	s19 =	sand.u32 @!p0 $0x7F, s24  }
0x35: {  	[hbm4b:s22+s3] =	stream.linear.scatter [tilespmem:s23], [sflag:$0x4], $0x8000, $0x38;
	[tilespmem:$0x18D00] =	vst v63  }
0x36: {  	s21 =	sshrl.u32 s21, $0x9;
	s19 =	smul.u32 @!p0 $0x3, s19  }
0x37: {  	s16 =	sadd.s32 $0x100, s16;
	s30 =	sand.u32 $0x7F, s21  }
0x38: {  	_ =	swait.ge [sflag:s7], $0x8000;
	s19 =	ssub.s32 @!p0 s20, s19;
	s20 =	smul.u32 $0x3, s30  }
0x39: {  	s22 =	simm.s32 @!p0 $0x80;
	[sflag:s7] =	ssyncset.done $0x0;
	s19 =	sand.u32 @!p0 $0xFF, s19  }
0x3a: {  	[sflag:s7] =	ssyncadd.s32 $0xFFFF8000;
	s21 =	sshll.u32 @!p0 s19, $0xF;
	s18 =	ssub.s32 s18, s20  }
0x3b: {  	s19 =	sadd.s32 @!p0 $0x1, s19;
	s23 =	sor.u32 @!p0 $0xD00, s21;
	s31 =	sand.u32 $0xFF, s18  }
0x3c: {  	[tilespmem:s23], [sflag:s19] =	stream.indirect.gather @!p0 [hbm4b:s1+s22], $0x80, s16, s22, $0xb8;
	[tilespmem:$0x18D00] =	vst v63  }
0x3d: {  	s21 =	sor.u32 @!p0 $0x4D00, s21;
	s16 =	sadd.s32 @!p0 $0x80, s16;
	s18 =	sadd.s32 $0x1, s31  }
0x3e: {  	[tilespmem:s21], [sflag:s19] =	stream.indirect.gather @!p0 [hbm4b:s1+s22], $0x80, s16, s22, $0xb8;
	[tilespmem:$0x18D00] =	vst v63  }
0x3f: {  	s15 =	sadd.s32 $0x1, s15;
	_ =	swait.ge [sflag:s18], $0x8000  }
0x40: {  	s16 =	sshll.u32 s31, $0xF;
	p0 =	sne.s32 s15, s5;
	[sflag:s18] =	ssyncset.done $0x0  }
.Ltmp1:
0x41: {  	s16 =	sor.u32 $0xD00, s16;
	[sflag:s18] =	ssyncadd.s32 $0xFFFF8000;
	(pc) =	sbr.rel @p0 .LBB2_1-.Ltmp1, $4  }
0x42: {  	[hbm4b:s17+s3] =	stream.linear.scatter [tilespmem:s16], [sflag:$0x4], $0x8000, $0x38;
	[tilespmem:$0x18D00] =	vst v63  }
0x43: {  	_ =	swait.ge [sflag:s7], $0x8000  }
0x44: {  	[sflag:s7] =	ssyncset.done $0x0  }
0x45: {  	[sflag:s7] =	ssyncadd.s32 $0xFFFF8000  }
0x46: {  	_ =	sfence.sel $0x180000  }
0x47: {  	[bflag:$0x0] =	sbarrier.arrive $0xFFFF  }
0x48: {  	p0 =	sne.s32 s0, $0x0;
	_ =	strace $0x90000047  }
0x49: {  	s0 =	sadd.s32 @!p0 $0x100000, s2;
	[bflag:$0x2] =	sbarrier.arrive $0xFFFF  }
0x4a: {  	[sflag:s0] =	ssyncadd.tile.s32 @!p0 $0x1;
	_ =	shalt  }
.Lfunc_end2:
_tile_overlayer_lowered:
.L_overlay_start_2:
0x4b: {  	(tag) =	ssettag $0x2  }
0x4c: {  	s0 =	rddreg [dreg:$0x0];
	s2 =	stileid.u32  }
0x4d: {  	s1 =	rddreg [dreg:$0x1];
	p0 =	sne.s32 s2, $0x0  }
0x4e: {  	s3 =	rddreg [dreg:$0x2];
	[bflag:$0x3] =	sbarrier.arrive $0xFFFF;
	s2 =	simm.s32 @!p0 $0x1C04  }
0x4f: {  	[timem:s3], [sflag:s2] =	dma.local @!p0 [hbm:s0], s1  }
0x50: {  	s0 =	simm.s32 @!p0 $0x4  }
0x51: {  	_ =	swait.ge @!p0 [sflag:s0], s1  }
0x52: {  	s1 =	ssub.s32 @!p0 $0x0, s1;
	[sflag:s0] =	ssyncset.done @!p0 $0x0  }
0x53: {  	[sflag:s0] =	ssyncadd.s32 @!p0 s1  }
0x54: {  	[bflag:$0x3] =	sbarrier.arrive $0xFFFF  }
0x55: {  	_ =	shalt  }

// kernel: kernel.18.cloned.1.call-start
scs
__scs_entry_jumppad:
0x0: {  	(pc) =	sbr.rel $0x88, $3  }
0x1: {  	(tag) =	ssettag $0x0;
	lr =	simm.s32 $0x1  }
0x2: {  	[smem:$0x3F87] =	sst lr;
	_ =	strace $0xD0000000  }
0x3: {  	_ = 	snop  }
0x4: {  	_ = 	snop  }
0x5: {  	_ = 	snop  }
0x6: {  	_ = 	snop  }
0x7: {  	_ = 	snop  }
__scs_overlays_trampoline_lowered:
0x8: {  	[smem:$0x3F96] =	sst s0  }
0x9: {  	[smem:$0x3F97] =	sst s1  }
0xa: {  	[smem:$0x3F98] =	sst s2  }
0xb: {  	[smem:$0x3F99] =	sst s3  }
0xc: {  	[smem:$0x3F9A] =	sst s4  }
0xd: {  	[smem:$0x3F9B] =	sst s5  }
0xe: {  	[smem:$0x3F9C] =	sst s6  }
0xf: {  	[smem:$0x3F9D] =	sst s7  }
0x10: {  	[smem:$0x3F9E] =	sst s8  }
0x11: {  	[smem:$0x3F9F] =	sst s9;
	s0 =	simm.s32 @!p0 $0x0  }
0x12: {  	s1 =	sld [smem:$0x3F85];
	s0 =	simm.s32 @p0 $0x1  }
0x13: {  	[smem:$0x3FA0] =	sst s0;
	s0 =	simm.s32 @!p1 $0x0  }
0x14: {  	s2 =	sld [smem:$0x3F84];
	s0 =	simm.s32 @p1 $0x1  }
0x15: {  	[smem:$0x3FA1] =	sst s0;
	s0 =	simm.s32 @!p2 $0x0  }
0x16: {  	s3 =	sld [smem:$0x3FDB];
	s0 =	simm.s32 @p2 $0x1  }
0x17: {  	s4 =	simm.s32 $0x1BF5;
	[smem:$0x3FA3] =	sst s0  }
0x18: {  	s0 =	sld [smem:$0x3F86];
	_ =	swait.ge [sflag:s4], $0x0  }
0x19: {  	s7 =	sld [smem:$0x3F87]  }
0x1a: {  	s8 =	sadd.s32 $0xFFFFE003, lr  }
0x1b: {  	s9 =	sadd.s32 $0xFFFFFEF7, lr;
	s5 =	simm.s32 $0xFFFFFFFF;
	p2 =	slt.u32 s8, $0xFFFFF086  }
0x1c: {  	p1 =	slt.u32 s9, $0xF7A;
	s5 =	simm.s32 @!p2 $0x0  }
0x1d: {  	s5 =	simm.s32 @p1 $0x1;
	p0 =	seq.s32 s7, s2  }
0x1e: {  	s7 =	smul.u32 @!p0 $0xF7A, s2;
	p2 =	seq.s32 @!p0 s5, $0x0  }
0x1f: {  	s9 =	smul.u32 $0xF7A, s1;
	s8 =	simm.s32 @!p0 $0x1BF5;
	p2 =	por !p2, p0  }
0x20: {  	[sflag:s8] =	ssyncset.s32 @!p0 $0xFFFFF086;
	s6 =	sadd.s32 @!p0 s3, s7;
	s7 =	simm.s32 @!p0 $0x108  }
0x21: {  	s3 =	sadd.s32 s3, s9;
	s6 =	sadd.s32 @!p0 $0x88, s6;
	s7 =	simm.s32 @p2 $0x1082  }
0x22: {  	[simem:s7], [sflag:s8] =	dma.local @!p0 [hbm:s6], $0xF7A  }
0x23: {  	s9 =	sor.u32 $0xD0000000, s2;
	s6 =	simm.s32 $0x108;
	_ =	swait.ge @!p0 [sflag:s8], $0x0  }
0x24: {  	s3 =	sadd.s32 $0x88, s3;
	s6 =	simm.s32 @!p1 $0x1082;
	[sflag:s4] =	ssyncset.s32 $0xFFFFF086  }
0x25: {  	[simem:s6], [sflag:s4] =	dma.local [hbm:s3], $0xF7A  }
0x26: {  	[smem:$0x3F87] =	sst s1;
	(tag) =	ssettag s2;
	_ =	strace s9  }
0x27: {  	s1 =	sld [smem:$0x3F97]  }
0x28: {  	s2 =	sld [smem:$0x3F98]  }
0x29: {  	s4 =	sld [smem:$0x3F9A]  }
0x2a: {  	p0 =	seq.s32 s5, $0x0;
	s5 =	sld [smem:$0x3F9B]  }
0x2b: {  	s6 =	sld [smem:$0x3F9C]  }
0x2c: {  	s7 =	sld [smem:$0x3F9D]  }
0x2d: {  	s3 =	simm.s32 $0x108;
	s8 =	sld [smem:$0x3F9E]  }
0x2e: {  	s3 =	simm.s32 @!p0 $0x1082;
	s9 =	sld [smem:$0x3F9F]  }
0x2f: {  	lr =	sadd.s32 s0, s3;
	s0 =	sld [smem:$0x3F96]  }
0x30: {  	s3 =	sld [smem:$0x3F99]  }
0x31: {  	[smem:$0x3FA2] =	sst s10  }
0x32: {  	s10 =	sld [smem:$0x3FA0];
	_ =	sdelay $0x3  }
0x33: {  	p0 =	seq.s32 s10, $0x1;
	s10 =	sld [smem:$0x3FA2];
	_ =	sdelay $0x3  }
0x34: {  	[smem:$0x3FA2] =	sst s10  }
0x35: {  	s10 =	sld [smem:$0x3FA1];
	_ =	sdelay $0x3  }
0x36: {  	p1 =	seq.s32 s10, $0x1;
	s10 =	sld [smem:$0x3FA2];
	_ =	sdelay $0x3  }
0x37: {  	[smem:$0x3FA2] =	sst s10  }
0x38: {  	s10 =	sld [smem:$0x3FA3]  }
0x39: {  	_ = 	snop;
	(pc) =	sbr.ind lr, $3  }
0x3a: {  	_ = 	snop  }
0x3b: {  	_ = 	snop  }
0x3c: {  	p2 =	seq.s32 s10, $0x1;
	s10 =	sld [smem:$0x3FA2]  }
0x3d: {  	_ =	shalt  }
0x3e: {  	_ =	shalt  }
0x3f: {  	_ =	shalt  }
0x40: {  	_ =	shalt  }
0x41: {  	_ =	shalt  }
0x42: {  	_ =	shalt  }
0x43: {  	_ =	shalt  }
0x44: {  	_ =	shalt  }
0x45: {  	_ =	shalt  }
0x46: {  	_ =	shalt  }
0x47: {  	_ =	shalt  }
0x48: {  	_ =	shalt  }
0x49: {  	_ =	shalt  }
0x4a: {  	_ =	shalt  }
0x4b: {  	_ =	shalt  }
0x4c: {  	_ =	shalt  }
0x4d: {  	_ =	shalt  }
0x4e: {  	_ =	shalt  }
0x4f: {  	_ =	shalt  }
0x50: {  	_ =	shalt  }
0x51: {  	_ =	shalt  }
0x52: {  	_ =	shalt  }
0x53: {  	_ =	shalt  }
0x54: {  	_ =	shalt  }
0x55: {  	_ =	shalt  }
0x56: {  	_ =	shalt  }
0x57: {  	_ =	shalt  }
0x58: {  	_ =	shalt  }
0x59: {  	_ =	shalt  }
0x5a: {  	_ =	shalt  }
0x5b: {  	_ =	shalt  }
0x5c: {  	_ =	shalt  }
0x5d: {  	_ =	shalt  }
0x5e: {  	_ =	shalt  }
0x5f: {  	_ =	shalt  }
0x60: {  	_ =	shalt  }
0x61: {  	_ =	shalt  }
0x62: {  	_ =	shalt  }
0x63: {  	_ =	shalt  }
0x64: {  	_ =	shalt  }
0x65: {  	_ =	shalt  }
0x66: {  	_ =	shalt  }
0x67: {  	_ =	shalt  }
0x68: {  	_ =	shalt  }
0x69: {  	_ =	shalt  }
0x6a: {  	_ =	shalt  }
0x6b: {  	_ =	shalt  }
0x6c: {  	_ =	shalt  }
0x6d: {  	_ =	shalt  }
0x6e: {  	_ =	shalt  }
0x6f: {  	_ =	shalt  }
0x70: {  	_ =	shalt  }
0x71: {  	_ =	shalt  }
0x72: {  	_ =	shalt  }
0x73: {  	_ =	shalt  }
0x74: {  	_ =	shalt  }
0x75: {  	_ =	shalt  }
0x76: {  	_ =	shalt  }
0x77: {  	_ =	shalt  }
0x78: {  	_ =	shalt  }
0x79: {  	_ =	shalt  }
0x7a: {  	_ =	shalt  }
0x7b: {  	_ =	shalt  }
0x7c: {  	_ =	shalt  }
0x7d: {  	_ =	shalt  }
0x7e: {  	_ =	shalt  }
0x7f: {  	_ =	shalt  }
0x80: {  	_ =	shalt  }
0x81: {  	_ =	shalt  }
0x82: {  	_ =	shalt  }
0x83: {  	_ =	shalt  }
0x84: {  	_ =	shalt  }
0x85: {  	_ =	shalt  }
0x86: {  	_ =	shalt  }
0x87: {  	_ =	shalt  }
.Lfunc_end0:
.L_simem_size_0:
called_computation.2_lowered:
.L_overlay_start_0:
0x88: {  	s2 =	sld [smem:$0x3FD9]  }
0x89: {  	s3 =	sld [smem:$0x3FFE];
	_ =	sdelay $0x1  }
0x8a: {  	s1 =	srdreg.scid  }
0x8b: {  	s0 =	sand.u32 $0x1, s1  }
0x8c: {  	s17 =	sshll.u32 s0, $0xA;
	s2 =	sadd.s32 s3, s2  }
0x8d: {  	s2 =	sadd.s32 s2, s17  }
0x8e: {  	[smem:$0x3FAE] =	sst s2  }
0x8f: {  	_ = 	snop  }
0x90: {  	(tm) =	ssettm $0x1  }
0x91: {  	s18 =	sld [smem:$0x3FFB];
	_ =	sdelay $0x3  }
0x92: {  	_ =	strace s18  }
0x93: {  	s2 =	sld [smem:$0x3FFC];
	_ =	sdelay $0x3  }
0x94: {  	_ =	strace s2  }
0x95: {  	s2 =	sld [smem:$0x3FFD];
	_ =	sdelay $0x3  }
0x96: {  	_ =	strace s2  }
0x97: {  	_ =	strace $0x8FFFFFFF  }
0x98: {  	s19 =	sld [smem:$0x3FDB];
	_ =	sdelay $0x1  }
0x99: {  	s20 =	simm.s32 $_scs_section_size  }
0x9a: {  	s4 =	simm.s32 $_size__tile_overlayer_lowered;
	s5 =	simm.s32 $_tile_overlayer_lowered  }
0x9b: {  	s6 =	simm.s32 $0x1BFF;
	s21 =	sshll.u32 s5, $0x1;
	s3 =	sadd.s32 s20, s19  }
0x9c: {  	s22 =	simm.s32 $0x0;
	s4 =	sshll.u32 s4, $0x1;
	s5 =	sadd.s32 s21, s3  }
0x9d: {  	[timem:s22], [sflag:s6] =	dma.local [hbm:s5], s4  }
0x9e: {  	_ =	swait.ge [sflag:s6], s4  }
0x9f: {  	s4 =	ssub.s32 $0x0, s4;
	[sflag:s6] =	ssyncset.done $0x0  }
0xa0: {  	[sflag:s6] =	ssyncadd.s32 s4;
	_ =	sdelay $0x1  }
0xa1: {  	s23 =	simm.s32 $0x1B8B  }
0xa2: {  	_ =	swait.ge [sflag:s23], $0x1  }
0xa3: {  	[sflag:s23] =	ssyncset.done $0x0  }
0xa4: {  	[sflag:s23] =	ssyncadd.s32 $0xFFFFFFFF  }
0xa5: {  	s4 =	sld [smem:$0x0]  }
0xa6: {  	s5 =	sand.u32 $0xFFFFFFFE, s1  }
0xa7: {  	p0 =	sne.s32 s1, s5  }
0xa8: {  	s5 =	sshll.u32 @p0 s5, $0xE  }
0xa9: {  	s5 =	sadd.s32 @p0 $0x11B8D, s5;
	s6 =	sshll.u32 @p0 s4, $0x11  }
0xaa: {  	s5 =	sor.u32 @p0 s6, s5  }
0xab: {  	[sflag:s5] =	ssyncadd.remote.s32 @p0 $0x1;
	_ =	sdelay $0x1  }
0xac: {  	s5 =	simm.s32 @p0 $0x1B8D  }
0xad: {  	_ =	swait.eq @p0 [sflag:s5], $0x1  }
0xae: {  	[sflag:s5] =	ssyncadd.s32 @p0 $0xFFFFFFFF  }
0xaf: {  	s6 =	sshll.u32 @!p0 s1, $0xE  }
0xb0: {  	s6 =	sor.u32 @!p0 $0x4000, s6;
	s5 =	simm.s32 @!p0 $0x1B8D  }
0xb1: {  	s4 =	sshll.u32 @!p0 s4, $0x11;
	s6 =	sadd.s32 @!p0 $0x11B8D, s6;
	_ =	swait.eq @!p0 [sflag:s5], $0x1  }
0xb2: {  	s4 =	sor.u32 @!p0 s4, s6;
	[sflag:s5] =	ssyncadd.s32 @!p0 $0xFFFFFFFF  }
0xb3: {  	s25 =	simm.s32 $0x1B8E;
	s24 =	sld [smem:$0x3FFE];
	[sflag:s4] =	ssyncadd.remote.s32 @!p0 $0x1  }
0xb4: {  	s26 =	simm.s32 $execute0_lowered;
	[smem:$0x3FD2] =	sst s25  }
0xb5: {  	s5 =	sshll.u32 s26, $0x1;
	_ =	strace $0x8000004C;
	[dreg:$0x1] =	wrdreg $0xFFFFFFFF  }
0xb6: {  	s28 =	simm.s32 $_size_execute0_lowered;
	s3 =	sadd.s32 s3, s5;
	[dreg:$0x0] =	wrdreg $0x0  }
0xb7: {  	s5 =	sshll.u32 s28, $0x1;
	[dreg:$0x2] =	wrdreg s3  }
0xb8: {  	[dreg:$0x3] =	wrdreg s5  }
0xb9: {  	[dreg:$0x4] =	wrdreg $0xC0  }
0xba: {  	_ =	task [dreg:s22], $0x5FFFF  }
0xbb: {  	[dreg:$0x1] =	wrdreg $0xFFFFFFFF  }
0xbc: {  	[dreg:$0x0] =	wrdreg $0x60  }
0xbd: {  	[dreg:$0x2] =	wrdreg s24  }
0xbe: {  	[dreg:$0x3] =	wrdreg $0x9  }
0xbf: {  	_ =	task.clear_ibuf [dreg:s22], $0x4FFFF;
	_ =	strace $0x9000004C  }
0xc0: {  	s29 =	simm.s32 $0x9;
	_ =	strace $0x8000004E  }
0xc1: {  	_ =	swait.ge [sflag:s29], $0x1  }
0xc2: {  	[sflag:s29] =	ssyncadd.s32 $0xFFFFFFFF  }
0xc3: {  	_ =	strace $0x9000004E  }
0xc4: {  	_ =	sfence  }
0xc5: {  	s30 =	sld [smem:$0x0];
	_ =	sdelay $0x2  }
0xc6: {  	s31 =	sshll.u32 s1, $0xD;
	s1 =	sshrl.u32 s1, $0x2  }
0xc7: {  	s4 =	sand.u32 $0x4000, s31;
	s1 =	sadd.s32 s1, s30  }
0xc8: {  	s0 =	sor.u32 s4, s0;
	s1 =	sshll.u32 s1, $0x11  }
0xc9: {  	s0 =	sor.u32 s1, s0  }
0xca: {  	s0 =	sadd.s32 $0x8F2B, s0  }
0xcb: {  	[sflag:s0] =	ssyncadd.remote.s32 $0x1  }
0xcc: {  	_ =	sfence.sel $0xFFFF  }
0xcd: {  	[dreg:$0x0] =	wrdreg $0xFFFFFFFF;
	(pc) =	sbr.abs _section_cstart, $3  }
0xce: {  	[dreg:$0x1] =	wrdreg $0xFFFFFFFF  }
0xcf: {  	_ =	task.clear_ibuf [dreg:s22], $0x2FFFF;
	_ =	strace $0x9FFFFFFF  }
0xd0: {  	(tm) =	ssettm $0x7FFFFFFF  }
0xd1: {  	_ =	shalt  }
tec
execute0_lowered:
.L_overlay_start_1:
0x0: {  	(tag) =	ssettag $0x1  }
0x1: {  	s4 =	rddreg [dreg:$0x0]  }
0x2: {  	s0 =	rddreg [dreg:$0x1];
	s3 =	srdreg.scid  }
0x3: {  	s1 =	stileid.u32;
	s2 =	simm.s32 $0x0;
	s10 =	simm.s32 $0x4D00  }
0x4: {  	s11 =	simm.s32 $0x100;
	s12 =	simm.s32 $0x8D00;
	s13 =	simm.s32 $0x180  }
0x5: {  	s14 =	simm.s32 $0xCD00;
	s15 =	simm.s32 $0x0;
	s3 =	sand.u32 $0x1, s3  }
0x6: {  	s5 =	smul.u32 $0xD0000, s1;
	[smem:$0x7FF] =	sst s2;
	s6 =	sshll.u32 s1, $0x1  }
0x7: {  	s7 =	smul.u32 $0x68000, s3;
	s6 =	sor.u32 s3, s6;
	s30 =	ssub.s32 $0x2, s3  }
0x8: {  	_ =	strace $0x8000004D;
	s6 =	smul.u32 $0x1A0, s6;
	s8 =	sshrl.u32 s30, $0x1  }
0x9: {  	s3 =	sadd.s32 $0x4BA000, s4;
	s5 =	sadd.s32 s7, s5;
	s31 =	ssub.s32 s30, s8  }
0xa: {  	s7 =	simm.s32 $0x4;
	s5 =	sshrl.u32 s5, $0x3;
	s6 =	sadd.s32 s6, s4  }
0xb: {  	s8 =	simm.s32 $0x80;
	s9 =	sadd.s32 s5, s4;
	s4 =	sadd.s32 $0x1A9800, s6  }
0xc: {  	s5 =	smax.u32 s31, $0x1;
	s6 =	sadd.s32 $0x57D600, s9;
	s9 =	simm.s32 $0xD00  }
.LBB2_1:
0xd: {  	[tilespmem:s2], [sflag:$0x4] =	stream.linear.gather [hbm4b:s4+s2], $0xD00, $0x38;
	[tilespmem:$0x18D00] =	vst v63  }
0xe: {  	s16 =	simm.s32 $0x2;
	p0 =	por $0x0, $0x0  }
0xf: {  	_ =	swait.ge [sflag:s7], $0xD00;
	s16 =	smul.u32 @!p0 $0xAB, s16  }
0x10: {  	s17 =	simm.s32 $0x0;
	[sflag:s7] =	ssyncset.done $0x0  }
0x11: {  	s17 =	smul.u32 $0xAB, s17;
	[sflag:s7] =	ssyncadd.s32 $0xFFFFF300;
	s16 =	sshrl.u32 @!p0 s16, $0x9  }
0x12: {  	[tilespmem:s9], [sflag:$0x1] =	stream.indirect.gather [hbm4b:s3+s8], $0x80, s2, s8, $0xb8;
	[tilespmem:$0x18D00] =	vst v63  }
0x13: {  	s17 =	sshrl.u32 s17, $0x9;
	s16 =	sand.u32 @!p0 $0x7F, s16  }
0x14: {  	s17 =	sand.u32 $0x7F, s17;
	s16 =	smul.u32 @!p0 $0x3, s16  }
0x15: {  	[tilespmem:s10], [sflag:$0x1] =	stream.indirect.gather [hbm4b:s3+s8], $0x80, s8, s8, $0xb8;
	[tilespmem:$0x18D00] =	vst v63  }
0x16: {  	s19 =	simm.s32 @!p0 $0x80;
	s17 =	smul.u32 $0x3, s17;
	s18 =	ssub.s32 @!p0 $0x2, s16  }
0x17: {  	[tilespmem:s12], [sflag:$0x2] =	stream.indirect.gather [hbm4b:s3+s8], $0x80, s11, s8, $0xb8;
	[tilespmem:$0x18D00] =	vst v63  }
0x18: {  	s16 =	simm.s32 $0x200;
	s17 =	ssub.s32 $0x0, s17;
	s18 =	sand.u32 @!p0 $0xFF, s18  }
0x19: {  	s17 =	sand.u32 $0xFF, s17;
	s20 =	sshll.u32 @!p0 s18, $0xF;
	s18 =	sadd.s32 @!p0 $0x1, s18  }
0x1a: {  	[tilespmem:s14], [sflag:$0x2] =	stream.indirect.gather [hbm4b:s3+s8], $0x80, s13, s8, $0xb8;
	[tilespmem:$0x18D00] =	vst v63  }
0x1b: {  	s22 =	sadd.s32 $0x1, s17;
	s17 =	sshll.u32 s17, $0xF;
	s21 =	sor.u32 @!p0 $0xD00, s20  }
0x1c: {  	[tilespmem:s21], [sflag:s18] =	stream.indirect.gather @!p0 [hbm4b:s3+s19], $0x80, s16, s19, $0xb8;
	[tilespmem:$0x18D00] =	vst v63  }
0x1d: {  	s20 =	sor.u32 @!p0 $0x4D00, s20;
	s23 =	sor.u32 $0xD00, s17;
	s21 =	simm.s32 @!p0 $0x280  }
0x1e: {  	[tilespmem:s20], [sflag:s18] =	stream.indirect.gather @!p0 [hbm4b:s3+s19], $0x80, s21, s19, $0xb8;
	[tilespmem:$0x18D00] =	vst v63  }
0x1f: {  	s17 =	sadd.s32 $0x1000, s6;
	s20 =	simm.s32 $0x3;
	p0 =	por $0x0, $0x0  }
0x20: {  	s18 =	simm.s32 $0x1;
	_ =	swait.ge [sflag:s22], $0x8000;
	s24 =	smul.u32 @!p0 $0xAB, s20  }
0x21: {  	s19 =	simm.s32 $0x4;
	s21 =	smul.u32 $0xAB, s18;
	[sflag:s22] =	ssyncset.done $0x0  }
0x22: {  	[sflag:s22] =	ssyncadd.s32 $0xFFFF8000;
	s24 =	sshrl.u32 @!p0 s24, $0x9;
	s22 =	smov.u32 s6  }
.LBB2_2:
0x23: {  	s24 =	sand.u32 @!p0 $0x7F, s24  }
0x24: {  	s16 =	sadd.s32 $0x100, s16;
	s25 =	smov.u32 s19;
	s19 =	sadd.s32 $0x1, s19  }
0x25: {  	s26 =	simm.s32 @!p0 $0x80;
	p1 =	sne.s32 s19, $0xF;
	s24 =	smul.u32 @!p0 $0x3, s24  }
0x26: {  	[hbm4b:s22+s2] =	stream.linear.scatter [tilespmem:s23], [sflag:$0x4], $0x8000, $0x38;
	[tilespmem:$0x18D00] =	vst v63  }
0x27: {  	s21 =	sshrl.u32 s21, $0x9;
	s20 =	ssub.s32 @!p0 s20, s24;
	_ =	swait.ge [sflag:s7], $0x8000  }
0x28: {  	s21 =	sand.u32 $0x7F, s21;
	s20 =	sand.u32 @!p0 $0xFF, s20;
	[sflag:s7] =	ssyncset.done $0x0  }
0x29: {  	s22 =	sshll.u32 @!p0 s20, $0xF;
	s23 =	sadd.s32 @!p0 $0x1, s20;
	[sflag:s7] =	ssyncadd.s32 $0xFFFF8000  }
0x2a: {  	s20 =	smul.u32 $0x3, s21;
	s21 =	sor.u32 @!p0 $0xD00, s22;
	s22 =	sor.u32 @!p0 $0x4D00, s22  }
0x2b: {  	[tilespmem:s21], [sflag:s23] =	stream.indirect.gather @!p0 [hbm4b:s3+s26], $0x80, s16, s26, $0xb8;
	[tilespmem:$0x18D00] =	vst v63  }
0x2c: {  	s18 =	ssub.s32 s18, s20;
	s21 =	sadd.s32 @!p0 $0x80, s16;
	s20 =	smov.u32 s25  }
0x2d: {  	[tilespmem:s22], [sflag:s23] =	stream.indirect.gather @!p0 [hbm4b:s3+s26], $0x80, s21, s26, $0xb8;
	[tilespmem:$0x18D00] =	vst v63  }
0x2e: {  	s21 =	sand.u32 $0xFF, s18;
	s22 =	smov.u32 s17;
	s18 =	sadd.s32 $0xFFFFFFFE, s20  }
.Ltmp0:
0x2f: {  	s24 =	sadd.s32 $0x1, s21;
	s23 =	sshll.u32 s21, $0xF;
	(pc) =	sbr.rel @p1 .LBB2_2-.Ltmp0, $4  }
0x30: {  	s21 =	smul.u32 $0xAB, s18;
	p0 =	sgt.u32 s18, $0xA;
	_ =	swait.ge [sflag:s24], $0x8000  }
0x31: {  	s25 =	smul.u32 @!p0 $0xAB, s20;
	s23 =	sor.u32 $0xD00, s23;
	[sflag:s24] =	ssyncset.done $0x0  }
0x32: {  	[sflag:s24] =	ssyncadd.s32 $0xFFFF8000  }
0x33: {  	s17 =	sadd.s32 $0x1000, s17;
	s24 =	sshrl.u32 @!p0 s25, $0x9  }
0x34: {  	s19 =	sand.u32 @!p0 $0x7F, s24  }
0x35: {  	[hbm4b:s22+s2] =	stream.linear.scatter [tilespmem:s23], [sflag:$0x4], $0x8000, $0x38;
	[tilespmem:$0x18D00] =	vst v63  }
0x36: {  	s21 =	sshrl.u32 s21, $0x9;
	s19 =	smul.u32 @!p0 $0x3, s19  }
0x37: {  	s16 =	sadd.s32 $0x100, s16;
	s30 =	sand.u32 $0x7F, s21  }
0x38: {  	_ =	swait.ge [sflag:s7], $0x8000;
	s19 =	ssub.s32 @!p0 s20, s19;
	s20 =	smul.u32 $0x3, s30  }
0x39: {  	s22 =	simm.s32 @!p0 $0x80;
	[sflag:s7] =	ssyncset.done $0x0;
	s19 =	sand.u32 @!p0 $0xFF, s19  }
0x3a: {  	[sflag:s7] =	ssyncadd.s32 $0xFFFF8000;
	s21 =	sshll.u32 @!p0 s19, $0xF;
	s18 =	ssub.s32 s18, s20  }
0x3b: {  	s19 =	sadd.s32 @!p0 $0x1, s19;
	s23 =	sor.u32 @!p0 $0xD00, s21;
	s31 =	sand.u32 $0xFF, s18  }
0x3c: {  	[tilespmem:s23], [sflag:s19] =	stream.indirect.gather @!p0 [hbm4b:s3+s22], $0x80, s16, s22, $0xb8;
	[tilespmem:$0x18D00] =	vst v63  }
0x3d: {  	s21 =	sor.u32 @!p0 $0x4D00, s21;
	s16 =	sadd.s32 @!p0 $0x80, s16;
	s18 =	sadd.s32 $0x1, s31  }
0x3e: {  	[tilespmem:s21], [sflag:s19] =	stream.indirect.gather @!p0 [hbm4b:s3+s22], $0x80, s16, s22, $0xb8;
	[tilespmem:$0x18D00] =	vst v63  }
0x3f: {  	s15 =	sadd.s32 $0x1, s15;
	_ =	swait.ge [sflag:s18], $0x8000  }
0x40: {  	s16 =	sshll.u32 s31, $0xF;
	p0 =	sne.s32 s15, s5;
	[sflag:s18] =	ssyncset.done $0x0  }
.Ltmp1:
0x41: {  	s16 =	sor.u32 $0xD00, s16;
	[sflag:s18] =	ssyncadd.s32 $0xFFFF8000;
	(pc) =	sbr.rel @p0 .LBB2_1-.Ltmp1, $4  }
0x42: {  	[hbm4b:s17+s2] =	stream.linear.scatter [tilespmem:s16], [sflag:$0x4], $0x8000, $0x38;
	[tilespmem:$0x18D00] =	vst v63  }
0x43: {  	_ =	swait.ge [sflag:s7], $0x8000  }
0x44: {  	[sflag:s7] =	ssyncset.done $0x0  }
0x45: {  	[sflag:s7] =	ssyncadd.s32 $0xFFFF8000  }
0x46: {  	_ =	sfence.sel $0x180000  }
0x47: {  	[bflag:$0x0] =	sbarrier.arrive $0xFFFF  }
0x48: {  	p0 =	sne.s32 s1, $0x0;
	_ =	strace $0x9000004D  }
0x49: {  	s0 =	sadd.s32 @!p0 $0x100000, s0;
	[bflag:$0x2] =	sbarrier.arrive $0xFFFF  }
0x4a: {  	[sflag:s0] =	ssyncadd.tile.s32 @!p0 $0x1;
	_ =	shalt  }
.Lfunc_end2:
_tile_overlayer_lowered:
.L_overlay_start_2:
0x4b: {  	(tag) =	ssettag $0x2  }
0x4c: {  	s0 =	rddreg [dreg:$0x0];
	s2 =	stileid.u32  }
0x4d: {  	s1 =	rddreg [dreg:$0x1];
	p0 =	sne.s32 s2, $0x0  }
0x4e: {  	s3 =	rddreg [dreg:$0x2];
	[bflag:$0x3] =	sbarrier.arrive $0xFFFF;
	s2 =	simm.s32 @!p0 $0x1C04  }
0x4f: {  	[timem:s3], [sflag:s2] =	dma.local @!p0 [hbm:s0], s1  }
0x50: {  	s0 =	simm.s32 @!p0 $0x4  }
0x51: {  	_ =	swait.ge @!p0 [sflag:s0], s1  }
0x52: {  	s1 =	ssub.s32 @!p0 $0x0, s1;
	[sflag:s0] =	ssyncset.done @!p0 $0x0  }
0x53: {  	[sflag:s0] =	ssyncadd.s32 @!p0 s1  }
0x54: {  	[bflag:$0x3] =	sbarrier.arrive $0xFFFF  }
0x55: {  	_ =	shalt  }

// kernel: kernel.21.cloned.1.call-start
scs
__scs_entry_jumppad:
0x0: {  	(pc) =	sbr.rel $0x88, $3  }
0x1: {  	(tag) =	ssettag $0x0;
	lr =	simm.s32 $0x1  }
0x2: {  	[smem:$0x3F87] =	sst lr;
	_ =	strace $0xD0000000  }
0x3: {  	_ = 	snop  }
0x4: {  	_ = 	snop  }
0x5: {  	_ = 	snop  }
0x6: {  	_ = 	snop  }
0x7: {  	_ = 	snop  }
__scs_overlays_trampoline_lowered:
0x8: {  	[smem:$0x3F96] =	sst s0  }
0x9: {  	[smem:$0x3F97] =	sst s1  }
0xa: {  	[smem:$0x3F98] =	sst s2  }
0xb: {  	[smem:$0x3F99] =	sst s3  }
0xc: {  	[smem:$0x3F9A] =	sst s4  }
0xd: {  	[smem:$0x3F9B] =	sst s5  }
0xe: {  	[smem:$0x3F9C] =	sst s6  }
0xf: {  	[smem:$0x3F9D] =	sst s7  }
0x10: {  	[smem:$0x3F9E] =	sst s8  }
0x11: {  	[smem:$0x3F9F] =	sst s9;
	s0 =	simm.s32 @!p0 $0x0  }
0x12: {  	s1 =	sld [smem:$0x3F85];
	s0 =	simm.s32 @p0 $0x1  }
0x13: {  	[smem:$0x3FA0] =	sst s0;
	s0 =	simm.s32 @!p1 $0x0  }
0x14: {  	s2 =	sld [smem:$0x3F84];
	s0 =	simm.s32 @p1 $0x1  }
0x15: {  	[smem:$0x3FA1] =	sst s0;
	s0 =	simm.s32 @!p2 $0x0  }
0x16: {  	s3 =	sld [smem:$0x3FDB];
	s0 =	simm.s32 @p2 $0x1  }
0x17: {  	s4 =	simm.s32 $0x1BF5;
	[smem:$0x3FA3] =	sst s0  }
0x18: {  	s0 =	sld [smem:$0x3F86];
	_ =	swait.ge [sflag:s4], $0x0  }
0x19: {  	s7 =	sld [smem:$0x3F87]  }
0x1a: {  	s8 =	sadd.s32 $0xFFFFE003, lr  }
0x1b: {  	s9 =	sadd.s32 $0xFFFFFEF7, lr;
	s5 =	simm.s32 $0xFFFFFFFF;
	p2 =	slt.u32 s8, $0xFFFFF086  }
0x1c: {  	p1 =	slt.u32 s9, $0xF7A;
	s5 =	simm.s32 @!p2 $0x0  }
0x1d: {  	s5 =	simm.s32 @p1 $0x1;
	p0 =	seq.s32 s7, s2  }
0x1e: {  	s7 =	smul.u32 @!p0 $0xF7A, s2;
	p2 =	seq.s32 @!p0 s5, $0x0  }
0x1f: {  	s9 =	smul.u32 $0xF7A, s1;
	s8 =	simm.s32 @!p0 $0x1BF5;
	p2 =	por !p2, p0  }
0x20: {  	[sflag:s8] =	ssyncset.s32 @!p0 $0xFFFFF086;
	s6 =	sadd.s32 @!p0 s3, s7;
	s7 =	simm.s32 @!p0 $0x108  }
0x21: {  	s3 =	sadd.s32 s3, s9;
	s6 =	sadd.s32 @!p0 $0x88, s6;
	s7 =	simm.s32 @p2 $0x1082  }
0x22: {  	[simem:s7], [sflag:s8] =	dma.local @!p0 [hbm:s6], $0xF7A  }
0x23: {  	s9 =	sor.u32 $0xD0000000, s2;
	s6 =	simm.s32 $0x108;
	_ =	swait.ge @!p0 [sflag:s8], $0x0  }
0x24: {  	s3 =	sadd.s32 $0x88, s3;
	s6 =	simm.s32 @!p1 $0x1082;
	[sflag:s4] =	ssyncset.s32 $0xFFFFF086  }
0x25: {  	[simem:s6], [sflag:s4] =	dma.local [hbm:s3], $0xF7A  }
0x26: {  	[smem:$0x3F87] =	sst s1;
	(tag) =	ssettag s2;
	_ =	strace s9  }
0x27: {  	s1 =	sld [smem:$0x3F97]  }
0x28: {  	s2 =	sld [smem:$0x3F98]  }
0x29: {  	s4 =	sld [smem:$0x3F9A]  }
0x2a: {  	p0 =	seq.s32 s5, $0x0;
	s5 =	sld [smem:$0x3F9B]  }
0x2b: {  	s6 =	sld [smem:$0x3F9C]  }
0x2c: {  	s7 =	sld [smem:$0x3F9D]  }
0x2d: {  	s3 =	simm.s32 $0x108;
	s8 =	sld [smem:$0x3F9E]  }
0x2e: {  	s3 =	simm.s32 @!p0 $0x1082;
	s9 =	sld [smem:$0x3F9F]  }
0x2f: {  	lr =	sadd.s32 s0, s3;
	s0 =	sld [smem:$0x3F96]  }
0x30: {  	s3 =	sld [smem:$0x3F99]  }
0x31: {  	[smem:$0x3FA2] =	sst s10  }
0x32: {  	s10 =	sld [smem:$0x3FA0];
	_ =	sdelay $0x3  }
0x33: {  	p0 =	seq.s32 s10, $0x1;
	s10 =	sld [smem:$0x3FA2];
	_ =	sdelay $0x3  }
0x34: {  	[smem:$0x3FA2] =	sst s10  }
0x35: {  	s10 =	sld [smem:$0x3FA1];
	_ =	sdelay $0x3  }
0x36: {  	p1 =	seq.s32 s10, $0x1;
	s10 =	sld [smem:$0x3FA2];
	_ =	sdelay $0x3  }
0x37: {  	[smem:$0x3FA2] =	sst s10  }
0x38: {  	s10 =	sld [smem:$0x3FA3]  }
0x39: {  	_ = 	snop;
	(pc) =	sbr.ind lr, $3  }
0x3a: {  	_ = 	snop  }
0x3b: {  	_ = 	snop  }
0x3c: {  	p2 =	seq.s32 s10, $0x1;
	s10 =	sld [smem:$0x3FA2]  }
0x3d: {  	_ =	shalt  }
0x3e: {  	_ =	shalt  }
0x3f: {  	_ =	shalt  }
0x40: {  	_ =	shalt  }
0x41: {  	_ =	shalt  }
0x42: {  	_ =	shalt  }
0x43: {  	_ =	shalt  }
0x44: {  	_ =	shalt  }
0x45: {  	_ =	shalt  }
0x46: {  	_ =	shalt  }
0x47: {  	_ =	shalt  }
0x48: {  	_ =	shalt  }
0x49: {  	_ =	shalt  }
0x4a: {  	_ =	shalt  }
0x4b: {  	_ =	shalt  }
0x4c: {  	_ =	shalt  }
0x4d: {  	_ =	shalt  }
0x4e: {  	_ =	shalt  }
0x4f: {  	_ =	shalt  }
0x50: {  	_ =	shalt  }
0x51: {  	_ =	shalt  }
0x52: {  	_ =	shalt  }
0x53: {  	_ =	shalt  }
0x54: {  	_ =	shalt  }
0x55: {  	_ =	shalt  }
0x56: {  	_ =	shalt  }
0x57: {  	_ =	shalt  }
0x58: {  	_ =	shalt  }
0x59: {  	_ =	shalt  }
0x5a: {  	_ =	shalt  }
0x5b: {  	_ =	shalt  }
0x5c: {  	_ =	shalt  }
0x5d: {  	_ =	shalt  }
0x5e: {  	_ =	shalt  }
0x5f: {  	_ =	shalt  }
0x60: {  	_ =	shalt  }
0x61: {  	_ =	shalt  }
0x62: {  	_ =	shalt  }
0x63: {  	_ =	shalt  }
0x64: {  	_ =	shalt  }
0x65: {  	_ =	shalt  }
0x66: {  	_ =	shalt  }
0x67: {  	_ =	shalt  }
0x68: {  	_ =	shalt  }
0x69: {  	_ =	shalt  }
0x6a: {  	_ =	shalt  }
0x6b: {  	_ =	shalt  }
0x6c: {  	_ =	shalt  }
0x6d: {  	_ =	shalt  }
0x6e: {  	_ =	shalt  }
0x6f: {  	_ =	shalt  }
0x70: {  	_ =	shalt  }
0x71: {  	_ =	shalt  }
0x72: {  	_ =	shalt  }
0x73: {  	_ =	shalt  }
0x74: {  	_ =	shalt  }
0x75: {  	_ =	shalt  }
0x76: {  	_ =	shalt  }
0x77: {  	_ =	shalt  }
0x78: {  	_ =	shalt  }
0x79: {  	_ =	shalt  }
0x7a: {  	_ =	shalt  }
0x7b: {  	_ =	shalt  }
0x7c: {  	_ =	shalt  }
0x7d: {  	_ =	shalt  }
0x7e: {  	_ =	shalt  }
0x7f: {  	_ =	shalt  }
0x80: {  	_ =	shalt  }
0x81: {  	_ =	shalt  }
0x82: {  	_ =	shalt  }
0x83: {  	_ =	shalt  }
0x84: {  	_ =	shalt  }
0x85: {  	_ =	shalt  }
0x86: {  	_ =	shalt  }
0x87: {  	_ =	shalt  }
.Lfunc_end0:
.L_simem_size_0:
called_computation.3_lowered:
.L_overlay_start_0:
0x88: {  	s2 =	sld [smem:$0x3FD9]  }
0x89: {  	s3 =	sld [smem:$0x3FFE];
	_ =	sdelay $0x1  }
0x8a: {  	s1 =	srdreg.scid  }
0x8b: {  	s0 =	sand.u32 $0x1, s1  }
0x8c: {  	s17 =	sshll.u32 s0, $0xA;
	s2 =	sadd.s32 s3, s2  }
0x8d: {  	s2 =	sadd.s32 s2, s17  }
0x8e: {  	[smem:$0x3FAE] =	sst s2  }
0x8f: {  	_ = 	snop  }
0x90: {  	(tm) =	ssettm $0x1  }
0x91: {  	s18 =	sld [smem:$0x3FFB];
	_ =	sdelay $0x3  }
0x92: {  	_ =	strace s18  }
0x93: {  	s2 =	sld [smem:$0x3FFC];
	_ =	sdelay $0x3  }
0x94: {  	_ =	strace s2  }
0x95: {  	s2 =	sld [smem:$0x3FFD];
	_ =	sdelay $0x3  }
0x96: {  	_ =	strace s2  }
0x97: {  	_ =	strace $0x8FFFFFFF  }
0x98: {  	s19 =	sld [smem:$0x3FDB];
	_ =	sdelay $0x1  }
0x99: {  	s20 =	simm.s32 $_scs_section_size  }
0x9a: {  	s4 =	simm.s32 $_size__tile_overlayer_lowered;
	s5 =	simm.s32 $_tile_overlayer_lowered  }
0x9b: {  	s6 =	simm.s32 $0x1BFF;
	s21 =	sshll.u32 s5, $0x1;
	s3 =	sadd.s32 s20, s19  }
0x9c: {  	s22 =	simm.s32 $0x0;
	s4 =	sshll.u32 s4, $0x1;
	s5 =	sadd.s32 s21, s3  }
0x9d: {  	[timem:s22], [sflag:s6] =	dma.local [hbm:s5], s4  }
0x9e: {  	_ =	swait.ge [sflag:s6], s4  }
0x9f: {  	s4 =	ssub.s32 $0x0, s4;
	[sflag:s6] =	ssyncset.done $0x0  }
0xa0: {  	[sflag:s6] =	ssyncadd.s32 s4;
	_ =	sdelay $0x1  }
0xa1: {  	s23 =	simm.s32 $0x1B8B  }
0xa2: {  	_ =	swait.ge [sflag:s23], $0x1  }
0xa3: {  	[sflag:s23] =	ssyncset.done $0x0  }
0xa4: {  	[sflag:s23] =	ssyncadd.s32 $0xFFFFFFFF  }
0xa5: {  	s4 =	sld [smem:$0x0]  }
0xa6: {  	s5 =	sand.u32 $0xFFFFFFFE, s1  }
0xa7: {  	p0 =	sne.s32 s1, s5  }
0xa8: {  	s5 =	sshll.u32 @p0 s5, $0xE  }
0xa9: {  	s5 =	sadd.s32 @p0 $0x11B8D, s5;
	s6 =	sshll.u32 @p0 s4, $0x11  }
0xaa: {  	s5 =	sor.u32 @p0 s6, s5  }
0xab: {  	[sflag:s5] =	ssyncadd.remote.s32 @p0 $0x1;
	_ =	sdelay $0x1  }
0xac: {  	s5 =	simm.s32 @p0 $0x1B8D  }
0xad: {  	_ =	swait.eq @p0 [sflag:s5], $0x1  }
0xae: {  	[sflag:s5] =	ssyncadd.s32 @p0 $0xFFFFFFFF  }
0xaf: {  	s6 =	sshll.u32 @!p0 s1, $0xE  }
0xb0: {  	s6 =	sor.u32 @!p0 $0x4000, s6;
	s5 =	simm.s32 @!p0 $0x1B8D  }
0xb1: {  	s4 =	sshll.u32 @!p0 s4, $0x11;
	s6 =	sadd.s32 @!p0 $0x11B8D, s6;
	_ =	swait.eq @!p0 [sflag:s5], $0x1  }
0xb2: {  	s4 =	sor.u32 @!p0 s4, s6;
	[sflag:s5] =	ssyncadd.s32 @!p0 $0xFFFFFFFF  }
0xb3: {  	s25 =	simm.s32 $0x1B8E;
	s24 =	sld [smem:$0x3FFE];
	[sflag:s4] =	ssyncadd.remote.s32 @!p0 $0x1  }
0xb4: {  	s26 =	simm.s32 $execute0_lowered;
	[smem:$0x3FD2] =	sst s25  }
0xb5: {  	s5 =	sshll.u32 s26, $0x1;
	_ =	strace $0x8000004F;
	[dreg:$0x1] =	wrdreg $0xFFFFFFFF  }
0xb6: {  	s28 =	simm.s32 $_size_execute0_lowered;
	s3 =	sadd.s32 s3, s5;
	[dreg:$0x0] =	wrdreg $0x0  }
0xb7: {  	s5 =	sshll.u32 s28, $0x1;
	[dreg:$0x2] =	wrdreg s3  }
0xb8: {  	[dreg:$0x3] =	wrdreg s5  }
0xb9: {  	[dreg:$0x4] =	wrdreg $0xC0  }
0xba: {  	_ =	task [dreg:s22], $0x5FFFF  }
0xbb: {  	[dreg:$0x1] =	wrdreg $0xFFFFFFFF  }
0xbc: {  	[dreg:$0x0] =	wrdreg $0x60  }
0xbd: {  	[dreg:$0x2] =	wrdreg s24  }
0xbe: {  	[dreg:$0x3] =	wrdreg $0xB  }
0xbf: {  	_ =	task.clear_ibuf [dreg:s22], $0x4FFFF;
	_ =	strace $0x9000004F  }
0xc0: {  	s29 =	simm.s32 $0xB;
	_ =	strace $0x80000051  }
0xc1: {  	_ =	swait.ge [sflag:s29], $0x1  }
0xc2: {  	[sflag:s29] =	ssyncadd.s32 $0xFFFFFFFF  }
0xc3: {  	_ =	strace $0x90000051  }
0xc4: {  	_ =	sfence  }
0xc5: {  	s30 =	sld [smem:$0x0];
	_ =	sdelay $0x2  }
0xc6: {  	s31 =	sshll.u32 s1, $0xD;
	s1 =	sshrl.u32 s1, $0x2  }
0xc7: {  	s4 =	sand.u32 $0x4000, s31;
	s1 =	sadd.s32 s1, s30  }
0xc8: {  	s0 =	sor.u32 s4, s0;
	s1 =	sshll.u32 s1, $0x11  }
0xc9: {  	s0 =	sor.u32 s1, s0  }
0xca: {  	s0 =	sadd.s32 $0x8F2B, s0  }
0xcb: {  	[sflag:s0] =	ssyncadd.remote.s32 $0x1  }
0xcc: {  	_ =	sfence.sel $0xFFFF  }
0xcd: {  	[dreg:$0x0] =	wrdreg $0xFFFFFFFF;
	(pc) =	sbr.abs _section_cstart, $3  }
0xce: {  	[dreg:$0x1] =	wrdreg $0xFFFFFFFF  }
0xcf: {  	_ =	task.clear_ibuf [dreg:s22], $0x2FFFF;
	_ =	strace $0x9FFFFFFF  }
0xd0: {  	(tm) =	ssettm $0x7FFFFFFF  }
0xd1: {  	_ =	shalt  }
tec
execute0_lowered:
.L_overlay_start_1:
0x0: {  	(tag) =	ssettag $0x1  }
0x1: {  	s4 =	rddreg [dreg:$0x0]  }
0x2: {  	s0 =	rddreg [dreg:$0x1];
	s3 =	srdreg.scid  }
0x3: {  	s1 =	stileid.u32;
	s2 =	simm.s32 $0x0;
	s10 =	simm.s32 $0x4D00  }
0x4: {  	s11 =	simm.s32 $0x100;
	s12 =	simm.s32 $0x8D00;
	s13 =	simm.s32 $0x180  }
0x5: {  	s14 =	simm.s32 $0xCD00;
	s15 =	simm.s32 $0x0;
	s3 =	sand.u32 $0x1, s3  }
0x6: {  	s5 =	smul.u32 $0xD0000, s1;
	[smem:$0x7FF] =	sst s2;
	s6 =	sshll.u32 s1, $0x1  }
0x7: {  	s7 =	smul.u32 $0x68000, s3;
	s6 =	sor.u32 s3, s6;
	s30 =	ssub.s32 $0x2, s3  }
0x8: {  	_ =	strace $0x80000050;
	s6 =	smul.u32 $0x1A0, s6;
	s8 =	sshrl.u32 s30, $0x1  }
0x9: {  	s3 =	sadd.s32 $0x4800, s4;
	s5 =	sadd.s32 s7, s5;
	s31 =	ssub.s32 s30, s8  }
0xa: {  	s7 =	simm.s32 $0x4;
	s5 =	sshrl.u32 s5, $0x3;
	s6 =	sadd.s32 s6, s4  }
0xb: {  	s8 =	simm.s32 $0x80;
	s9 =	sadd.s32 s5, s4;
	s4 =	sadd.s32 $0x71D600, s6  }
0xc: {  	s5 =	smax.u32 s31, $0x1;
	s6 =	sadd.s32 $0x720A00, s9;
	s9 =	simm.s32 $0xD00  }
.LBB2_1:
0xd: {  	[tilespmem:s2], [sflag:$0x4] =	stream.linear.gather [hbm4b:s4+s2], $0xD00, $0x38;
	[tilespmem:$0x18D00] =	vst v63  }
0xe: {  	s16 =	simm.s32 $0x2;
	p0 =	por $0x0, $0x0  }
0xf: {  	_ =	swait.ge [sflag:s7], $0xD00;
	s16 =	smul.u32 @!p0 $0xAB, s16  }
0x10: {  	s17 =	simm.s32 $0x0;
	[sflag:s7] =	ssyncset.done $0x0  }
0x11: {  	s17 =	smul.u32 $0xAB, s17;
	[sflag:s7] =	ssyncadd.s32 $0xFFFFF300;
	s16 =	sshrl.u32 @!p0 s16, $0x9  }
0x12: {  	[tilespmem:s9], [sflag:$0x1] =	stream.indirect.gather [hbm4b:s3+s8], $0x80, s2, s8, $0xb8;
	[tilespmem:$0x18D00] =	vst v63  }
0x13: {  	s17 =	sshrl.u32 s17, $0x9;
	s16 =	sand.u32 @!p0 $0x7F, s16  }
0x14: {  	s17 =	sand.u32 $0x7F, s17;
	s16 =	smul.u32 @!p0 $0x3, s16  }
0x15: {  	[tilespmem:s10], [sflag:$0x1] =	stream.indirect.gather [hbm4b:s3+s8], $0x80, s8, s8, $0xb8;
	[tilespmem:$0x18D00] =	vst v63  }
0x16: {  	s19 =	simm.s32 @!p0 $0x80;
	s17 =	smul.u32 $0x3, s17;
	s18 =	ssub.s32 @!p0 $0x2, s16  }
0x17: {  	[tilespmem:s12], [sflag:$0x2] =	stream.indirect.gather [hbm4b:s3+s8], $0x80, s11, s8, $0xb8;
	[tilespmem:$0x18D00] =	vst v63  }
0x18: {  	s16 =	simm.s32 $0x200;
	s17 =	ssub.s32 $0x0, s17;
	s18 =	sand.u32 @!p0 $0xFF, s18  }
0x19: {  	s17 =	sand.u32 $0xFF, s17;
	s20 =	sshll.u32 @!p0 s18, $0xF;
	s18 =	sadd.s32 @!p0 $0x1, s18  }
0x1a: {  	[tilespmem:s14], [sflag:$0x2] =	stream.indirect.gather [hbm4b:s3+s8], $0x80, s13, s8, $0xb8;
	[tilespmem:$0x18D00] =	vst v63  }
0x1b: {  	s22 =	sadd.s32 $0x1, s17;
	s17 =	sshll.u32 s17, $0xF;
	s21 =	sor.u32 @!p0 $0xD00, s20  }
0x1c: {  	[tilespmem:s21], [sflag:s18] =	stream.indirect.gather @!p0 [hbm4b:s3+s19], $0x80, s16, s19, $0xb8;
	[tilespmem:$0x18D00] =	vst v63  }
0x1d: {  	s20 =	sor.u32 @!p0 $0x4D00, s20;
	s23 =	sor.u32 $0xD00, s17;
	s21 =	simm.s32 @!p0 $0x280  }
0x1e: {  	[tilespmem:s20], [sflag:s18] =	stream.indirect.gather @!p0 [hbm4b:s3+s19], $0x80, s21, s19, $0xb8;
	[tilespmem:$0x18D00] =	vst v63  }
0x1f: {  	s17 =	sadd.s32 $0x1000, s6;
	s20 =	simm.s32 $0x3;
	p0 =	por $0x0, $0x0  }
0x20: {  	s18 =	simm.s32 $0x1;
	_ =	swait.ge [sflag:s22], $0x8000;
	s24 =	smul.u32 @!p0 $0xAB, s20  }
0x21: {  	s19 =	simm.s32 $0x4;
	s21 =	smul.u32 $0xAB, s18;
	[sflag:s22] =	ssyncset.done $0x0  }
0x22: {  	[sflag:s22] =	ssyncadd.s32 $0xFFFF8000;
	s24 =	sshrl.u32 @!p0 s24, $0x9;
	s22 =	smov.u32 s6  }
.LBB2_2:
0x23: {  	s24 =	sand.u32 @!p0 $0x7F, s24  }
0x24: {  	s16 =	sadd.s32 $0x100, s16;
	s25 =	smov.u32 s19;
	s19 =	sadd.s32 $0x1, s19  }
0x25: {  	s26 =	simm.s32 @!p0 $0x80;
	p1 =	sne.s32 s19, $0xF;
	s24 =	smul.u32 @!p0 $0x3, s24  }
0x26: {  	[hbm4b:s22+s2] =	stream.linear.scatter [tilespmem:s23], [sflag:$0x4], $0x8000, $0x38;
	[tilespmem:$0x18D00] =	vst v63  }
0x27: {  	s21 =	sshrl.u32 s21, $0x9;
	s20 =	ssub.s32 @!p0 s20, s24;
	_ =	swait.ge [sflag:s7], $0x8000  }
0x28: {  	s21 =	sand.u32 $0x7F, s21;
	s20 =	sand.u32 @!p0 $0xFF, s20;
	[sflag:s7] =	ssyncset.done $0x0  }
0x29: {  	s22 =	sshll.u32 @!p0 s20, $0xF;
	s23 =	sadd.s32 @!p0 $0x1, s20;
	[sflag:s7] =	ssyncadd.s32 $0xFFFF8000  }
0x2a: {  	s20 =	smul.u32 $0x3, s21;
	s21 =	sor.u32 @!p0 $0xD00, s22;
	s22 =	sor.u32 @!p0 $0x4D00, s22  }
0x2b: {  	[tilespmem:s21], [sflag:s23] =	stream.indirect.gather @!p0 [hbm4b:s3+s26], $0x80, s16, s26, $0xb8;
	[tilespmem:$0x18D00] =	vst v63  }
0x2c: {  	s18 =	ssub.s32 s18, s20;
	s21 =	sadd.s32 @!p0 $0x80, s16;
	s20 =	smov.u32 s25  }
0x2d: {  	[tilespmem:s22], [sflag:s23] =	stream.indirect.gather @!p0 [hbm4b:s3+s26], $0x80, s21, s26, $0xb8;
	[tilespmem:$0x18D00] =	vst v63  }
0x2e: {  	s21 =	sand.u32 $0xFF, s18;
	s22 =	smov.u32 s17;
	s18 =	sadd.s32 $0xFFFFFFFE, s20  }
.Ltmp0:
0x2f: {  	s24 =	sadd.s32 $0x1, s21;
	s23 =	sshll.u32 s21, $0xF;
	(pc) =	sbr.rel @p1 .LBB2_2-.Ltmp0, $4  }
0x30: {  	s21 =	smul.u32 $0xAB, s18;
	p0 =	sgt.u32 s18, $0xA;
	_ =	swait.ge [sflag:s24], $0x8000  }
0x31: {  	s25 =	smul.u32 @!p0 $0xAB, s20;
	s23 =	sor.u32 $0xD00, s23;
	[sflag:s24] =	ssyncset.done $0x0  }
0x32: {  	[sflag:s24] =	ssyncadd.s32 $0xFFFF8000  }
0x33: {  	s17 =	sadd.s32 $0x1000, s17;
	s24 =	sshrl.u32 @!p0 s25, $0x9  }
0x34: {  	s19 =	sand.u32 @!p0 $0x7F, s24  }
0x35: {  	[hbm4b:s22+s2] =	stream.linear.scatter [tilespmem:s23], [sflag:$0x4], $0x8000, $0x38;
	[tilespmem:$0x18D00] =	vst v63  }
0x36: {  	s21 =	sshrl.u32 s21, $0x9;
	s19 =	smul.u32 @!p0 $0x3, s19  }
0x37: {  	s16 =	sadd.s32 $0x100, s16;
	s30 =	sand.u32 $0x7F, s21  }
0x38: {  	_ =	swait.ge [sflag:s7], $0x8000;
	s19 =	ssub.s32 @!p0 s20, s19;
	s20 =	smul.u32 $0x3, s30  }
0x39: {  	s22 =	simm.s32 @!p0 $0x80;
	[sflag:s7] =	ssyncset.done $0x0;
	s19 =	sand.u32 @!p0 $0xFF, s19  }
0x3a: {  	[sflag:s7] =	ssyncadd.s32 $0xFFFF8000;
	s21 =	sshll.u32 @!p0 s19, $0xF;
	s18 =	ssub.s32 s18, s20  }
0x3b: {  	s19 =	sadd.s32 @!p0 $0x1, s19;
	s23 =	sor.u32 @!p0 $0xD00, s21;
	s31 =	sand.u32 $0xFF, s18  }
0x3c: {  	[tilespmem:s23], [sflag:s19] =	stream.indirect.gather @!p0 [hbm4b:s3+s22], $0x80, s16, s22, $0xb8;
	[tilespmem:$0x18D00] =	vst v63  }
0x3d: {  	s21 =	sor.u32 @!p0 $0x4D00, s21;
	s16 =	sadd.s32 @!p0 $0x80, s16;
	s18 =	sadd.s32 $0x1, s31  }
0x3e: {  	[tilespmem:s21], [sflag:s19] =	stream.indirect.gather @!p0 [hbm4b:s3+s22], $0x80, s16, s22, $0xb8;
	[tilespmem:$0x18D00] =	vst v63  }
0x3f: {  	s15 =	sadd.s32 $0x1, s15;
	_ =	swait.ge [sflag:s18], $0x8000  }
0x40: {  	s16 =	sshll.u32 s31, $0xF;
	p0 =	sne.s32 s15, s5;
	[sflag:s18] =	ssyncset.done $0x0  }
.Ltmp1:
0x41: {  	s16 =	sor.u32 $0xD00, s16;
	[sflag:s18] =	ssyncadd.s32 $0xFFFF8000;
	(pc) =	sbr.rel @p0 .LBB2_1-.Ltmp1, $4  }
0x42: {  	[hbm4b:s17+s2] =	stream.linear.scatter [tilespmem:s16], [sflag:$0x4], $0x8000, $0x38;
	[tilespmem:$0x18D00] =	vst v63  }
0x43: {  	_ =	swait.ge [sflag:s7], $0x8000  }
0x44: {  	[sflag:s7] =	ssyncset.done $0x0  }
0x45: {  	[sflag:s7] =	ssyncadd.s32 $0xFFFF8000  }
0x46: {  	_ =	sfence.sel $0x180000  }
0x47: {  	[bflag:$0x0] =	sbarrier.arrive $0xFFFF  }
0x48: {  	p0 =	sne.s32 s1, $0x0;
	_ =	strace $0x90000050  }
0x49: {  	s0 =	sadd.s32 @!p0 $0x100000, s0;
	[bflag:$0x2] =	sbarrier.arrive $0xFFFF  }
0x4a: {  	[sflag:s0] =	ssyncadd.tile.s32 @!p0 $0x1;
	_ =	shalt  }
.Lfunc_end2:
_tile_overlayer_lowered:
.L_overlay_start_2:
0x4b: {  	(tag) =	ssettag $0x2  }
0x4c: {  	s0 =	rddreg [dreg:$0x0];
	s2 =	stileid.u32  }
0x4d: {  	s1 =	rddreg [dreg:$0x1];
	p0 =	sne.s32 s2, $0x0  }
0x4e: {  	s3 =	rddreg [dreg:$0x2];
	[bflag:$0x3] =	sbarrier.arrive $0xFFFF;
	s2 =	simm.s32 @!p0 $0x1C04  }
0x4f: {  	[timem:s3], [sflag:s2] =	dma.local @!p0 [hbm:s0], s1  }
0x50: {  	s0 =	simm.s32 @!p0 $0x4  }
0x51: {  	_ =	swait.ge @!p0 [sflag:s0], s1  }
0x52: {  	s1 =	ssub.s32 @!p0 $0x0, s1;
	[sflag:s0] =	ssyncset.done @!p0 $0x0  }
0x53: {  	[sflag:s0] =	ssyncadd.s32 @!p0 s1  }
0x54: {  	[bflag:$0x3] =	sbarrier.arrive $0xFFFF  }
0x55: {  	_ =	shalt  }

// kernel: kernel.24.cloned.1.call-start
scs
__scs_entry_jumppad:
0x0: {  	(pc) =	sbr.rel $0x88, $3  }
0x1: {  	(tag) =	ssettag $0x0;
	lr =	simm.s32 $0x1  }
0x2: {  	[smem:$0x3F87] =	sst lr;
	_ =	strace $0xD0000000  }
0x3: {  	_ = 	snop  }
0x4: {  	_ = 	snop  }
0x5: {  	_ = 	snop  }
0x6: {  	_ = 	snop  }
0x7: {  	_ = 	snop  }
__scs_overlays_trampoline_lowered:
0x8: {  	[smem:$0x3F96] =	sst s0  }
0x9: {  	[smem:$0x3F97] =	sst s1  }
0xa: {  	[smem:$0x3F98] =	sst s2  }
0xb: {  	[smem:$0x3F99] =	sst s3  }
0xc: {  	[smem:$0x3F9A] =	sst s4  }
0xd: {  	[smem:$0x3F9B] =	sst s5  }
0xe: {  	[smem:$0x3F9C] =	sst s6  }
0xf: {  	[smem:$0x3F9D] =	sst s7  }
0x10: {  	[smem:$0x3F9E] =	sst s8  }
0x11: {  	[smem:$0x3F9F] =	sst s9;
	s0 =	simm.s32 @!p0 $0x0  }
0x12: {  	s1 =	sld [smem:$0x3F85];
	s0 =	simm.s32 @p0 $0x1  }
0x13: {  	[smem:$0x3FA0] =	sst s0;
	s0 =	simm.s32 @!p1 $0x0  }
0x14: {  	s2 =	sld [smem:$0x3F84];
	s0 =	simm.s32 @p1 $0x1  }
0x15: {  	[smem:$0x3FA1] =	sst s0;
	s0 =	simm.s32 @!p2 $0x0  }
0x16: {  	s3 =	sld [smem:$0x3FDB];
	s0 =	simm.s32 @p2 $0x1  }
0x17: {  	s4 =	simm.s32 $0x1BF5;
	[smem:$0x3FA3] =	sst s0  }
0x18: {  	s0 =	sld [smem:$0x3F86];
	_ =	swait.ge [sflag:s4], $0x0  }
0x19: {  	s7 =	sld [smem:$0x3F87]  }
0x1a: {  	s8 =	sadd.s32 $0xFFFFE003, lr  }
0x1b: {  	s9 =	sadd.s32 $0xFFFFFEF7, lr;
	s5 =	simm.s32 $0xFFFFFFFF;
	p2 =	slt.u32 s8, $0xFFFFF086  }
0x1c: {  	p1 =	slt.u32 s9, $0xF7A;
	s5 =	simm.s32 @!p2 $0x0  }
0x1d: {  	s5 =	simm.s32 @p1 $0x1;
	p0 =	seq.s32 s7, s2  }
0x1e: {  	s7 =	smul.u32 @!p0 $0xF7A, s2;
	p2 =	seq.s32 @!p0 s5, $0x0  }
0x1f: {  	s9 =	smul.u32 $0xF7A, s1;
	s8 =	simm.s32 @!p0 $0x1BF5;
	p2 =	por !p2, p0  }
0x20: {  	[sflag:s8] =	ssyncset.s32 @!p0 $0xFFFFF086;
	s6 =	sadd.s32 @!p0 s3, s7;
	s7 =	simm.s32 @!p0 $0x108  }
0x21: {  	s3 =	sadd.s32 s3, s9;
	s6 =	sadd.s32 @!p0 $0x88, s6;
	s7 =	simm.s32 @p2 $0x1082  }
0x22: {  	[simem:s7], [sflag:s8] =	dma.local @!p0 [hbm:s6], $0xF7A  }
0x23: {  	s9 =	sor.u32 $0xD0000000, s2;
	s6 =	simm.s32 $0x108;
	_ =	swait.ge @!p0 [sflag:s8], $0x0  }
0x24: {  	s3 =	sadd.s32 $0x88, s3;
	s6 =	simm.s32 @!p1 $0x1082;
	[sflag:s4] =	ssyncset.s32 $0xFFFFF086  }
0x25: {  	[simem:s6], [sflag:s4] =	dma.local [hbm:s3], $0xF7A  }
0x26: {  	[smem:$0x3F87] =	sst s1;
	(tag) =	ssettag s2;
	_ =	strace s9  }
0x27: {  	s1 =	sld [smem:$0x3F97]  }
0x28: {  	s2 =	sld [smem:$0x3F98]  }
0x29: {  	s4 =	sld [smem:$0x3F9A]  }
0x2a: {  	p0 =	seq.s32 s5, $0x0;
	s5 =	sld [smem:$0x3F9B]  }
0x2b: {  	s6 =	sld [smem:$0x3F9C]  }
0x2c: {  	s7 =	sld [smem:$0x3F9D]  }
0x2d: {  	s3 =	simm.s32 $0x108;
	s8 =	sld [smem:$0x3F9E]  }
0x2e: {  	s3 =	simm.s32 @!p0 $0x1082;
	s9 =	sld [smem:$0x3F9F]  }
0x2f: {  	lr =	sadd.s32 s0, s3;
	s0 =	sld [smem:$0x3F96]  }
0x30: {  	s3 =	sld [smem:$0x3F99]  }
0x31: {  	[smem:$0x3FA2] =	sst s10  }
0x32: {  	s10 =	sld [smem:$0x3FA0];
	_ =	sdelay $0x3  }
0x33: {  	p0 =	seq.s32 s10, $0x1;
	s10 =	sld [smem:$0x3FA2];
	_ =	sdelay $0x3  }
0x34: {  	[smem:$0x3FA2] =	sst s10  }
0x35: {  	s10 =	sld [smem:$0x3FA1];
	_ =	sdelay $0x3  }
0x36: {  	p1 =	seq.s32 s10, $0x1;
	s10 =	sld [smem:$0x3FA2];
	_ =	sdelay $0x3  }
0x37: {  	[smem:$0x3FA2] =	sst s10  }
0x38: {  	s10 =	sld [smem:$0x3FA3]  }
0x39: {  	_ = 	snop;
	(pc) =	sbr.ind lr, $3  }
0x3a: {  	_ = 	snop  }
0x3b: {  	_ = 	snop  }
0x3c: {  	p2 =	seq.s32 s10, $0x1;
	s10 =	sld [smem:$0x3FA2]  }
0x3d: {  	_ =	shalt  }
0x3e: {  	_ =	shalt  }
0x3f: {  	_ =	shalt  }
0x40: {  	_ =	shalt  }
0x41: {  	_ =	shalt  }
0x42: {  	_ =	shalt  }
0x43: {  	_ =	shalt  }
0x44: {  	_ =	shalt  }
0x45: {  	_ =	shalt  }
0x46: {  	_ =	shalt  }
0x47: {  	_ =	shalt  }
0x48: {  	_ =	shalt  }
0x49: {  	_ =	shalt  }
0x4a: {  	_ =	shalt  }
0x4b: {  	_ =	shalt  }
0x4c: {  	_ =	shalt  }
0x4d: {  	_ =	shalt  }
0x4e: {  	_ =	shalt  }
0x4f: {  	_ =	shalt  }
0x50: {  	_ =	shalt  }
0x51: {  	_ =	shalt  }
0x52: {  	_ =	shalt  }
0x53: {  	_ =	shalt  }
0x54: {  	_ =	shalt  }
0x55: {  	_ =	shalt  }
0x56: {  	_ =	shalt  }
0x57: {  	_ =	shalt  }
0x58: {  	_ =	shalt  }
0x59: {  	_ =	shalt  }
0x5a: {  	_ =	shalt  }
0x5b: {  	_ =	shalt  }
0x5c: {  	_ =	shalt  }
0x5d: {  	_ =	shalt  }
0x5e: {  	_ =	shalt  }
0x5f: {  	_ =	shalt  }
0x60: {  	_ =	shalt  }
0x61: {  	_ =	shalt  }
0x62: {  	_ =	shalt  }
0x63: {  	_ =	shalt  }
0x64: {  	_ =	shalt  }
0x65: {  	_ =	shalt  }
0x66: {  	_ =	shalt  }
0x67: {  	_ =	shalt  }
0x68: {  	_ =	shalt  }
0x69: {  	_ =	shalt  }
0x6a: {  	_ =	shalt  }
0x6b: {  	_ =	shalt  }
0x6c: {  	_ =	shalt  }
0x6d: {  	_ =	shalt  }
0x6e: {  	_ =	shalt  }
0x6f: {  	_ =	shalt  }
0x70: {  	_ =	shalt  }
0x71: {  	_ =	shalt  }
0x72: {  	_ =	shalt  }
0x73: {  	_ =	shalt  }
0x74: {  	_ =	shalt  }
0x75: {  	_ =	shalt  }
0x76: {  	_ =	shalt  }
0x77: {  	_ =	shalt  }
0x78: {  	_ =	shalt  }
0x79: {  	_ =	shalt  }
0x7a: {  	_ =	shalt  }
0x7b: {  	_ =	shalt  }
0x7c: {  	_ =	shalt  }
0x7d: {  	_ =	shalt  }
0x7e: {  	_ =	shalt  }
0x7f: {  	_ =	shalt  }
0x80: {  	_ =	shalt  }
0x81: {  	_ =	shalt  }
0x82: {  	_ =	shalt  }
0x83: {  	_ =	shalt  }
0x84: {  	_ =	shalt  }
0x85: {  	_ =	shalt  }
0x86: {  	_ =	shalt  }
0x87: {  	_ =	shalt  }
.Lfunc_end0:
.L_simem_size_0:
called_computation.4_lowered:
.L_overlay_start_0:
0x88: {  	s2 =	sld [smem:$0x3FD9]  }
0x89: {  	s3 =	sld [smem:$0x3FFE];
	_ =	sdelay $0x1  }
0x8a: {  	s1 =	srdreg.scid  }
0x8b: {  	s0 =	sand.u32 $0x1, s1  }
0x8c: {  	s17 =	sshll.u32 s0, $0xA;
	s2 =	sadd.s32 s3, s2  }
0x8d: {  	s2 =	sadd.s32 s2, s17  }
0x8e: {  	[smem:$0x3FAE] =	sst s2  }
0x8f: {  	_ = 	snop  }
0x90: {  	s4 =	sld [smem:$0x3FC0]  }
0x91: {  	s18 =	sld [smem:$0x3FD0];
	(tm) =	ssettm $0x1  }
0x92: {  	s19 =	sld [smem:$0x3FFB];
	_ =	sdelay $0x3  }
0x93: {  	_ =	strace s19  }
0x94: {  	s2 =	sld [smem:$0x3FFC];
	_ =	sdelay $0x3  }
0x95: {  	_ =	strace s2  }
0x96: {  	s2 =	sld [smem:$0x3FFD];
	_ =	sdelay $0x3  }
0x97: {  	_ =	strace s2  }
0x98: {  	_ =	strace $0x8FFFFFFF  }
0x99: {  	s20 =	sld [smem:$0x3FDB];
	_ =	sdelay $0x1  }
0x9a: {  	s5 =	simm.s32 $_scs_section_size  }
0x9b: {  	s6 =	simm.s32 $_size__tile_overlayer_lowered;
	s7 =	simm.s32 $_tile_overlayer_lowered  }
0x9c: {  	s8 =	simm.s32 $0x1BFF;
	s21 =	sshll.u32 s7, $0x1;
	s5 =	sadd.s32 s5, s20  }
0x9d: {  	s22 =	simm.s32 $0x0;
	s6 =	sshll.u32 s6, $0x1;
	s7 =	sadd.s32 s21, s5  }
0x9e: {  	[timem:s22], [sflag:s8] =	dma.local [hbm:s7], s6  }
0x9f: {  	_ =	swait.ge [sflag:s8], s6  }
0xa0: {  	s6 =	ssub.s32 $0x0, s6;
	[sflag:s8] =	ssyncset.done $0x0  }
0xa1: {  	[sflag:s8] =	ssyncadd.s32 s6;
	_ =	sdelay $0x1  }
0xa2: {  	s23 =	simm.s32 $0x1B8B  }
0xa3: {  	_ =	swait.ge [sflag:s23], $0x1  }
0xa4: {  	[sflag:s23] =	ssyncset.done $0x0  }
0xa5: {  	[sflag:s23] =	ssyncadd.s32 $0xFFFFFFFF  }
0xa6: {  	s6 =	sld [smem:$0x0]  }
0xa7: {  	s7 =	sand.u32 $0xFFFFFFFE, s1  }
0xa8: {  	p0 =	sne.s32 s1, s7  }
0xa9: {  	s7 =	sshll.u32 @p0 s7, $0xE  }
0xaa: {  	s7 =	sadd.s32 @p0 $0x11B8D, s7;
	s8 =	sshll.u32 @p0 s6, $0x11  }
0xab: {  	s7 =	sor.u32 @p0 s8, s7  }
0xac: {  	[sflag:s7] =	ssyncadd.remote.s32 @p0 $0x1;
	_ =	sdelay $0x1  }
0xad: {  	s7 =	simm.s32 @p0 $0x1B8D  }
0xae: {  	_ =	swait.eq @p0 [sflag:s7], $0x1  }
0xaf: {  	[sflag:s7] =	ssyncadd.s32 @p0 $0xFFFFFFFF  }
0xb0: {  	s8 =	sshll.u32 @!p0 s1, $0xE  }
0xb1: {  	s8 =	sor.u32 @!p0 $0x4000, s8;
	s7 =	simm.s32 @!p0 $0x1B8D  }
0xb2: {  	s6 =	sshll.u32 @!p0 s6, $0x11;
	s8 =	sadd.s32 @!p0 $0x11B8D, s8;
	_ =	swait.eq @!p0 [sflag:s7], $0x1  }
0xb3: {  	s6 =	sor.u32 @!p0 s6, s8;
	[sflag:s7] =	ssyncadd.s32 @!p0 $0xFFFFFFFF  }
0xb4: {  	s25 =	simm.s32 $0x1B8E;
	s24 =	sld [smem:$0x3FFE];
	[sflag:s6] =	ssyncadd.remote.s32 @!p0 $0x1  }
0xb5: {  	s26 =	simm.s32 $execute0_lowered;
	[smem:$0x3FD2] =	sst s25  }
0xb6: {  	s7 =	sshll.u32 s26, $0x1;
	_ =	strace $0x80000052;
	[dreg:$0x1] =	wrdreg $0xFFFFFFFF  }
0xb7: {  	s28 =	simm.s32 $_size_execute0_lowered;
	s5 =	sadd.s32 s5, s7;
	[dreg:$0x0] =	wrdreg $0x0  }
0xb8: {  	s7 =	sshll.u32 s28, $0x1;
	[dreg:$0x2] =	wrdreg s5  }
0xb9: {  	[dreg:$0x3] =	wrdreg s7  }
0xba: {  	[dreg:$0x4] =	wrdreg $0xC0  }
0xbb: {  	_ =	task [dreg:s22], $0x5FFFF  }
0xbc: {  	[dreg:$0x1] =	wrdreg $0xFFFFFFFF  }
0xbd: {  	[dreg:$0x0] =	wrdreg $0x60  }
0xbe: {  	[dreg:$0x2] =	wrdreg s4  }
0xbf: {  	[dreg:$0x3] =	wrdreg s24  }
0xc0: {  	[dreg:$0x4] =	wrdreg s18  }
0xc1: {  	[dreg:$0x5] =	wrdreg $0xA  }
0xc2: {  	_ =	task.clear_ibuf [dreg:s22], $0x6FFFF;
	_ =	strace $0x90000052  }
0xc3: {  	s29 =	simm.s32 $0xA;
	_ =	strace $0x80000054  }
0xc4: {  	_ =	swait.ge [sflag:s29], $0x1  }
0xc5: {  	[sflag:s29] =	ssyncadd.s32 $0xFFFFFFFF  }
0xc6: {  	_ =	strace $0x90000054  }
0xc7: {  	_ =	sfence  }
0xc8: {  	s30 =	sld [smem:$0x0];
	_ =	sdelay $0x2  }
0xc9: {  	s31 =	sshll.u32 s1, $0xD;
	s1 =	sshrl.u32 s1, $0x2  }
0xca: {  	s4 =	sand.u32 $0x4000, s31;
	s1 =	sadd.s32 s1, s30  }
0xcb: {  	s0 =	sor.u32 s4, s0;
	s1 =	sshll.u32 s1, $0x11  }
0xcc: {  	s0 =	sor.u32 s1, s0  }
0xcd: {  	s0 =	sadd.s32 $0x8F2B, s0  }
0xce: {  	[sflag:s0] =	ssyncadd.remote.s32 $0x1  }
0xcf: {  	_ =	sfence.sel $0xFFFF  }
0xd0: {  	[dreg:$0x0] =	wrdreg $0xFFFFFFFF;
	(pc) =	sbr.abs _section_cstart, $3  }
0xd1: {  	[dreg:$0x1] =	wrdreg $0xFFFFFFFF  }
0xd2: {  	_ =	task.clear_ibuf [dreg:s22], $0x2FFFF;
	_ =	strace $0x9FFFFFFF  }
0xd3: {  	(tm) =	ssettm $0x7FFFFFFF  }
tec
execute0_lowered:
.L_overlay_start_1:
0x0: {  	(tag) =	ssettag $0x1  }
0x1: {  	s0 =	srdreg.scid;
	s3 =	rddreg [dreg:$0x0]  }
0x2: {  	s15 =	stileid.u32;
	s4 =	rddreg [dreg:$0x1]  }
0x3: {  	s6 =	rddreg [dreg:$0x2];
	s2 =	simm.s32 $0x0;
	s8 =	simm.s32 $0x80  }
0x4: {  	s24 =	simm.s32 $0x100;
	s25 =	simm.s32 $0x180;
	s10 =	simm.s32 $0x4A00  }
0x5: {  	s26 =	simm.s32 $0x200;
	s9 =	simm.s32 $0x8A00;
	s7 =	simm.s32 $0x10A00  }
0x6: {  	s30 =	simm.s32 $0x300;
	s31 =	simm.s32 $0x380;
	s12 =	simm.s32 $0x2  }
0x7: {  	s28 =	simm.s32 $0x400;
	s0 =	sand.u32 $0x1, s0;
	s1 =	sshll.u32 s15, $0x1  }
0x8: {  	s29 =	simm.s32 $0x480;
	[smem:$0x7FF] =	sst s2;
	s1 =	sor.u32 s0, s1  }
0x9: {  	_ =	strace $0x80000053;
	[dreg:$0xe] =	wrdreg s24;
	s5 =	smul.u32 $0x140, s1  }
0xa: {  	s11 =	simm.s32 $0x3;
	[dreg:$0xf] =	wrdreg s25;
	s1 =	smul.u32 $0x50000, s1  }
0xb: {  	p0 =	por $0x0, $0x0;
	s0 =	ssub.s32 $0x2, s0;
	[dreg:$0x10] =	wrdreg s26  }
0xc: {  	s25 =	simm.s32 $0x500;
	s4 =	sadd.s32 s5, s4;
	s1 =	sshrl.u32 s1, $0x3  }
0xd: {  	s26 =	simm.s32 $0x580;
	s4 =	sadd.s32 $0x1A7000, s4;
	s17 =	sadd.s32 s6, s1  }
0xe: {  	s24 =	simm.s32 $0x680;
	[dreg:$0x4] =	wrdreg s4;
	s1 =	sadd.s32 $0x1000, s17  }
0xf: {  	s21 =	sshrl.u32 s0, $0x1;
	s13 =	sadd.s32 $0x2000, s17;
	[dreg:$0x5] =	wrdreg s1  }
0x10: {  	s0 =	ssub.s32 s0, s21;
	s14 =	sadd.s32 $0x3000, s17;
	[dreg:$0x6] =	wrdreg s13  }
0x11: {  	s21 =	simm.s32 $0x700;
	s16 =	sadd.s32 $0x4000, s17;
	[dreg:$0x7] =	wrdreg s14  }
0x12: {  	s0 =	smax.u32 s0, $0x1;
	s18 =	sadd.s32 $0x5000, s17;
	[dreg:$0x8] =	wrdreg s16  }
0x13: {  	s5 =	simm.s32 $0xA00;
	s19 =	sadd.s32 $0x6000, s17;
	[dreg:$0x9] =	wrdreg s18  }
0x14: {  	s6 =	simm.s32 $0x1;
	s20 =	sadd.s32 $0x7000, s17;
	[dreg:$0xa] =	wrdreg s19  }
0x15: {  	p1 =	sne.s32 s0, $0x1;
	s22 =	sadd.s32 $0x8000, s17;
	[dreg:$0xb] =	wrdreg s20  }
.Ltmp0:
0x16: {  	s23 =	sadd.s32 $0x9000, s17;
	[dreg:$0xc] =	wrdreg s22;
	(pc) =	sbr.rel @!p1 .LBB2_1-.Ltmp0, $4  }
0x17: {  	s4 =	simm.s32 $0x4;
	[dreg:$0xd] =	wrdreg s23;
	s14 =	simm.s32 $0xCA00  }
0x18: {  	s13 =	simm.s32 $0x14A00;
	s23 =	simm.s32 $0x600;
	s1 =	sadd.s32 $0xFFFFFFFF, s0  }
0x19: {  	s22 =	simm.s32 $0x780;
	s19 =	simm.s32 $0x800;
	s20 =	simm.s32 $0x880  }
0x1a: {  	s16 =	simm.s32 $0x900;
	s18 =	simm.s32 $0x980;
	s0 =	rddreg [dreg:$0x4]  }
0x1b: {  	[tilespmem:s2], [sflag:$0x4] =	stream.linear.gather [hbm4b:s0+s2], $0xA00, $0x38;
	[tilespmem:$0x18A00] =	vst v63  }
0x1c: {  	_ =	swait.ge [sflag:s4], $0xA00  }
0x1d: {  	[sflag:s4] =	ssyncset.done $0x0  }
0x1e: {  	[sflag:s4] =	ssyncadd.s32 $0xFFFFF600  }
0x1f: {  	[tilespmem:s5], [sflag:$0x1] =	stream.indirect.gather [hbm4b:s3+s8], $0x80, s2, s8, $0xb8;
	[tilespmem:$0x18A00] =	vst v63  }
0x20: {  	_ = 	snop  }
0x21: {  	[tilespmem:s10], [sflag:$0x1] =	stream.indirect.gather [hbm4b:s3+s8], $0x80, s8, s8, $0xb8;
	[tilespmem:$0x18A00] =	vst v63  }
0x22: {  	s0 =	rddreg [dreg:$0xe]  }
0x23: {  	[tilespmem:s9], [sflag:$0x2] =	stream.indirect.gather [hbm4b:s3+s8], $0x80, s0, s8, $0xb8;
	[tilespmem:$0x18A00] =	vst v63  }
0x24: {  	s15 =	smov.u32 s1;
	s1 =	rddreg [dreg:$0xf]  }
0x25: {  	[tilespmem:s14], [sflag:$0x2] =	stream.indirect.gather [hbm4b:s3+s8], $0x80, s1, s8, $0xb8;
	[tilespmem:$0x18A00] =	vst v63  }
0x26: {  	s0 =	rddreg [dreg:$0x10]  }
0x27: {  	[tilespmem:s7], [sflag:$0x3] =	stream.indirect.gather [hbm4b:s3+s8], $0x80, s0, s8, $0xb8;
	[tilespmem:$0x18A00] =	vst v63  }
0x28: {  	s1 =	simm.s32 $0x280  }
0x29: {  	[tilespmem:s13], [sflag:$0x3] =	stream.indirect.gather [hbm4b:s3+s8], $0x80, s1, s8, $0xb8;
	[tilespmem:$0x18A00] =	vst v63  }
0x2a: {  	_ =	swait.ge [sflag:s6], $0x8000  }
0x2b: {  	[sflag:s6] =	ssyncset.done $0x0  }
0x2c: {  	[sflag:s6] =	ssyncadd.s32 $0xFFFF8000  }
0x2d: {  	[hbm4b:s17+s2] =	stream.linear.scatter [tilespmem:s5], [sflag:$0x4], $0x8000, $0x38;
	[tilespmem:$0x18A00] =	vst v63  }
0x2e: {  	_ =	swait.ge [sflag:s4], $0x8000  }
0x2f: {  	[sflag:s4] =	ssyncset.done $0x0  }
0x30: {  	[sflag:s4] =	ssyncadd.s32 $0xFFFF8000  }
0x31: {  	[tilespmem:s5], [sflag:$0x1] =	stream.indirect.gather [hbm4b:s3+s8], $0x80, s30, s8, $0xb8;
	[tilespmem:$0x18A00] =	vst v63  }
0x32: {  	_ = 	snop  }
0x33: {  	[tilespmem:s10], [sflag:$0x1] =	stream.indirect.gather [hbm4b:s3+s8], $0x80, s31, s8, $0xb8;
	[tilespmem:$0x18A00] =	vst v63  }
0x34: {  	_ =	swait.ge [sflag:s12], $0x8000  }
0x35: {  	[sflag:s12] =	ssyncset.done $0x0  }
0x36: {  	s1 =	rddreg [dreg:$0x5];
	[sflag:s12] =	ssyncadd.s32 $0xFFFF8000  }
0x37: {  	[hbm4b:s1+s2] =	stream.linear.scatter [tilespmem:s9], [sflag:$0x4], $0x8000, $0x38;
	[tilespmem:$0x18A00] =	vst v63  }
0x38: {  	_ =	swait.ge [sflag:s4], $0x8000  }
0x39: {  	[sflag:s4] =	ssyncset.done $0x0  }
0x3a: {  	[sflag:s4] =	ssyncadd.s32 $0xFFFF8000  }
0x3b: {  	[tilespmem:s9], [sflag:$0x2] =	stream.indirect.gather [hbm4b:s3+s8], $0x80, s28, s8, $0xb8;
	[tilespmem:$0x18A00] =	vst v63  }
0x3c: {  	_ = 	snop  }
0x3d: {  	[tilespmem:s14], [sflag:$0x2] =	stream.indirect.gather [hbm4b:s3+s8], $0x80, s29, s8, $0xb8;
	[tilespmem:$0x18A00] =	vst v63  }
0x3e: {  	_ =	swait.ge [sflag:s11], $0x8000  }
0x3f: {  	[sflag:s11] =	ssyncset.done $0x0  }
0x40: {  	s1 =	rddreg [dreg:$0x6];
	[sflag:s11] =	ssyncadd.s32 $0xFFFF8000  }
0x41: {  	[hbm4b:s1+s2] =	stream.linear.scatter [tilespmem:s7], [sflag:$0x4], $0x8000, $0x38;
	[tilespmem:$0x18A00] =	vst v63  }
0x42: {  	_ =	swait.ge [sflag:s4], $0x8000  }
0x43: {  	[sflag:s4] =	ssyncset.done $0x0  }
0x44: {  	[sflag:s4] =	ssyncadd.s32 $0xFFFF8000  }
0x45: {  	[tilespmem:s7], [sflag:$0x3] =	stream.indirect.gather [hbm4b:s3+s8], $0x80, s25, s8, $0xb8;
	[tilespmem:$0x18A00] =	vst v63  }
0x46: {  	_ = 	snop  }
0x47: {  	[tilespmem:s13], [sflag:$0x3] =	stream.indirect.gather [hbm4b:s3+s8], $0x80, s26, s8, $0xb8;
	[tilespmem:$0x18A00] =	vst v63  }
0x48: {  	_ =	swait.ge [sflag:s6], $0x8000  }
0x49: {  	[sflag:s6] =	ssyncset.done $0x0  }
0x4a: {  	s1 =	rddreg [dreg:$0x7];
	[sflag:s6] =	ssyncadd.s32 $0xFFFF8000  }
0x4b: {  	[hbm4b:s1+s2] =	stream.linear.scatter [tilespmem:s5], [sflag:$0x4], $0x8000, $0x38;
	[tilespmem:$0x18A00] =	vst v63  }
0x4c: {  	_ =	swait.ge [sflag:s4], $0x8000  }
0x4d: {  	[sflag:s4] =	ssyncset.done $0x0  }
0x4e: {  	[sflag:s4] =	ssyncadd.s32 $0xFFFF8000  }
0x4f: {  	[tilespmem:s5], [sflag:$0x1] =	stream.indirect.gather [hbm4b:s3+s8], $0x80, s23, s8, $0xb8;
	[tilespmem:$0x18A00] =	vst v63  }
0x50: {  	_ = 	snop  }
0x51: {  	[tilespmem:s10], [sflag:$0x1] =	stream.indirect.gather [hbm4b:s3+s8], $0x80, s24, s8, $0xb8;
	[tilespmem:$0x18A00] =	vst v63  }
0x52: {  	_ =	swait.ge [sflag:s12], $0x8000  }
0x53: {  	[sflag:s12] =	ssyncset.done $0x0  }
0x54: {  	s1 =	rddreg [dreg:$0x8];
	[sflag:s12] =	ssyncadd.s32 $0xFFFF8000  }
0x55: {  	[hbm4b:s1+s2] =	stream.linear.scatter [tilespmem:s9], [sflag:$0x4], $0x8000, $0x38;
	[tilespmem:$0x18A00] =	vst v63  }
0x56: {  	_ =	swait.ge [sflag:s4], $0x8000  }
0x57: {  	[sflag:s4] =	ssyncset.done $0x0  }
0x58: {  	[sflag:s4] =	ssyncadd.s32 $0xFFFF8000  }
0x59: {  	[tilespmem:s9], [sflag:$0x2] =	stream.indirect.gather [hbm4b:s3+s8], $0x80, s21, s8, $0xb8;
	[tilespmem:$0x18A00] =	vst v63  }
0x5a: {  	_ = 	snop  }
0x5b: {  	[tilespmem:s14], [sflag:$0x2] =	stream.indirect.gather [hbm4b:s3+s8], $0x80, s22, s8, $0xb8;
	[tilespmem:$0x18A00] =	vst v63  }
0x5c: {  	_ =	swait.ge [sflag:s11], $0x8000  }
0x5d: {  	[sflag:s11] =	ssyncset.done $0x0  }
0x5e: {  	s1 =	rddreg [dreg:$0x9];
	[sflag:s11] =	ssyncadd.s32 $0xFFFF8000  }
0x5f: {  	[hbm4b:s1+s2] =	stream.linear.scatter [tilespmem:s7], [sflag:$0x4], $0x8000, $0x38;
	[tilespmem:$0x18A00] =	vst v63  }
0x60: {  	_ =	swait.ge [sflag:s4], $0x8000  }
0x61: {  	[sflag:s4] =	ssyncset.done $0x0  }
0x62: {  	[sflag:s4] =	ssyncadd.s32 $0xFFFF8000  }
0x63: {  	[tilespmem:s7], [sflag:$0x3] =	stream.indirect.gather [hbm4b:s3+s8], $0x80, s19, s8, $0xb8;
	[tilespmem:$0x18A00] =	vst v63  }
0x64: {  	_ = 	snop  }
0x65: {  	[tilespmem:s13], [sflag:$0x3] =	stream.indirect.gather [hbm4b:s3+s8], $0x80, s20, s8, $0xb8;
	[tilespmem:$0x18A00] =	vst v63  }
0x66: {  	_ =	swait.ge [sflag:s6], $0x8000  }
0x67: {  	[sflag:s6] =	ssyncset.done $0x0  }
0x68: {  	s1 =	rddreg [dreg:$0xa];
	[sflag:s6] =	ssyncadd.s32 $0xFFFF8000  }
0x69: {  	[hbm4b:s1+s2] =	stream.linear.scatter [tilespmem:s5], [sflag:$0x4], $0x8000, $0x38;
	[tilespmem:$0x18A00] =	vst v63  }
0x6a: {  	_ =	swait.ge [sflag:s4], $0x8000  }
0x6b: {  	[sflag:s4] =	ssyncset.done $0x0  }
0x6c: {  	[sflag:s4] =	ssyncadd.s32 $0xFFFF8000  }
0x6d: {  	[tilespmem:s5], [sflag:$0x1] =	stream.indirect.gather [hbm4b:s3+s8], $0x80, s16, s8, $0xb8;
	[tilespmem:$0x18A00] =	vst v63  }
0x6e: {  	_ = 	snop  }
0x6f: {  	[tilespmem:s10], [sflag:$0x1] =	stream.indirect.gather [hbm4b:s3+s8], $0x80, s18, s8, $0xb8;
	[tilespmem:$0x18A00] =	vst v63  }
0x70: {  	_ =	swait.ge [sflag:s12], $0x8000  }
0x71: {  	[sflag:s12] =	ssyncset.done $0x0  }
0x72: {  	s1 =	rddreg [dreg:$0xb];
	[sflag:s12] =	ssyncadd.s32 $0xFFFF8000  }
0x73: {  	[hbm4b:s1+s2] =	stream.linear.scatter [tilespmem:s9], [sflag:$0x4], $0x8000, $0x38;
	[tilespmem:$0x18A00] =	vst v63  }
0x74: {  	_ =	swait.ge [sflag:s4], $0x8000  }
0x75: {  	[sflag:s4] =	ssyncset.done $0x0  }
0x76: {  	[sflag:s4] =	ssyncadd.s32 $0xFFFF8000  }
0x77: {  	_ =	swait.ge [sflag:s11], $0x8000  }
0x78: {  	[sflag:s11] =	ssyncset.done $0x0  }
0x79: {  	s1 =	rddreg [dreg:$0xc];
	[sflag:s11] =	ssyncadd.s32 $0xFFFF8000  }
0x7a: {  	[hbm4b:s1+s2] =	stream.linear.scatter [tilespmem:s7], [sflag:$0x4], $0x8000, $0x38;
	[tilespmem:$0x18A00] =	vst v63  }
0x7b: {  	_ =	swait.ge [sflag:s4], $0x8000  }
0x7c: {  	[sflag:s4] =	ssyncset.done $0x0  }
0x7d: {  	[sflag:s4] =	ssyncadd.s32 $0xFFFF8000  }
0x7e: {  	p1 =	sne.s32 s15, $0x1;
	_ =	swait.ge [sflag:s6], $0x8000  }
.Ltmp1:
0x7f: {  	[sflag:s6] =	ssyncset.done $0x0;
	(pc) =	sbr.rel @!p1 .LBB2_3-.Ltmp1, $4  }
0x80: {  	s1 =	rddreg [dreg:$0xd];
	[sflag:s6] =	ssyncadd.s32 $0xFFFF8000  }
0x81: {  	[hbm4b:s1+s2] =	stream.linear.scatter [tilespmem:s5], [sflag:$0x4], $0x8000, $0x38;
	[tilespmem:$0x18A00] =	vst v63  }
0x82: {  	p0 =	por $0x1, $0x1;
	_ =	swait.ge [sflag:s4], $0x8000  }
0x83: {  	s1 =	sadd.s32 $0xFFFFFFFF, s15;
	s0 =	rddreg [dreg:$0x4];
	[sflag:s4] =	ssyncset.done $0x0  }
.LBB2_4:
0x84: {  	[sflag:s4] =	ssyncadd.s32 $0xFFFF8000  }
0x85: {  	[tilespmem:s2], [sflag:$0x4] =	stream.linear.gather [hbm4b:s0+s2], $0xA00, $0x38;
	[tilespmem:$0x18A00] =	vst v63  }
0x86: {  	_ =	swait.ge [sflag:s4], $0xA00  }
0x87: {  	[sflag:s4] =	ssyncset.done $0x0  }
0x88: {  	[sflag:s4] =	ssyncadd.s32 $0xFFFFF600  }
0x89: {  	[tilespmem:s5], [sflag:$0x1] =	stream.indirect.gather [hbm4b:s3+s8], $0x80, s2, s8, $0xb8;
	[tilespmem:$0x18A00] =	vst v63  }
0x8a: {  	_ = 	snop  }
0x8b: {  	[tilespmem:s10], [sflag:$0x1] =	stream.indirect.gather [hbm4b:s3+s8], $0x80, s8, s8, $0xb8;
	[tilespmem:$0x18A00] =	vst v63  }
0x8c: {  	s0 =	rddreg [dreg:$0xe]  }
0x8d: {  	[tilespmem:s9], [sflag:$0x2] =	stream.indirect.gather [hbm4b:s3+s8], $0x80, s0, s8, $0xb8;
	[tilespmem:$0x18A00] =	vst v63  }
0x8e: {  	s15 =	rddreg [dreg:$0xf]  }
0x8f: {  	[tilespmem:s14], [sflag:$0x2] =	stream.indirect.gather [hbm4b:s3+s8], $0x80, s15, s8, $0xb8;
	[tilespmem:$0x18A00] =	vst v63  }
0x90: {  	s0 =	rddreg [dreg:$0x10]  }
0x91: {  	[tilespmem:s7], [sflag:$0x3] =	stream.indirect.gather [hbm4b:s3+s8], $0x80, s0, s8, $0xb8;
	[tilespmem:$0x18A00] =	vst v63  }
0x92: {  	s15 =	simm.s32 $0x280  }
0x93: {  	[tilespmem:s13], [sflag:$0x3] =	stream.indirect.gather [hbm4b:s3+s8], $0x80, s15, s8, $0xb8;
	[tilespmem:$0x18A00] =	vst v63  }
0x94: {  	_ =	swait.ge [sflag:s6], $0x8000  }
0x95: {  	[sflag:s6] =	ssyncset.done $0x0  }
0x96: {  	[sflag:s6] =	ssyncadd.s32 $0xFFFF8000  }
0x97: {  	[hbm4b:s17+s2] =	stream.linear.scatter [tilespmem:s5], [sflag:$0x4], $0x8000, $0x38;
	[tilespmem:$0x18A00] =	vst v63  }
0x98: {  	_ =	swait.ge [sflag:s4], $0x8000  }
0x99: {  	[sflag:s4] =	ssyncset.done $0x0  }
0x9a: {  	[sflag:s4] =	ssyncadd.s32 $0xFFFF8000  }
0x9b: {  	[tilespmem:s5], [sflag:$0x1] =	stream.indirect.gather [hbm4b:s3+s8], $0x80, s30, s8, $0xb8;
	[tilespmem:$0x18A00] =	vst v63  }
0x9c: {  	_ = 	snop  }
0x9d: {  	[tilespmem:s10], [sflag:$0x1] =	stream.indirect.gather [hbm4b:s3+s8], $0x80, s31, s8, $0xb8;
	[tilespmem:$0x18A00] =	vst v63  }
0x9e: {  	_ =	swait.ge [sflag:s12], $0x8000  }
0x9f: {  	[sflag:s12] =	ssyncset.done $0x0  }
0xa0: {  	s15 =	rddreg [dreg:$0x5];
	[sflag:s12] =	ssyncadd.s32 $0xFFFF8000  }
0xa1: {  	[hbm4b:s15+s2] =	stream.linear.scatter [tilespmem:s9], [sflag:$0x4], $0x8000, $0x38;
	[tilespmem:$0x18A00] =	vst v63  }
0xa2: {  	_ =	swait.ge [sflag:s4], $0x8000  }
0xa3: {  	[sflag:s4] =	ssyncset.done $0x0  }
0xa4: {  	[sflag:s4] =	ssyncadd.s32 $0xFFFF8000  }
0xa5: {  	[tilespmem:s9], [sflag:$0x2] =	stream.indirect.gather [hbm4b:s3+s8], $0x80, s28, s8, $0xb8;
	[tilespmem:$0x18A00] =	vst v63  }
0xa6: {  	_ = 	snop  }
0xa7: {  	[tilespmem:s14], [sflag:$0x2] =	stream.indirect.gather [hbm4b:s3+s8], $0x80, s29, s8, $0xb8;
	[tilespmem:$0x18A00] =	vst v63  }
0xa8: {  	_ =	swait.ge [sflag:s11], $0x8000  }
0xa9: {  	[sflag:s11] =	ssyncset.done $0x0  }
0xaa: {  	s15 =	rddreg [dreg:$0x6];
	[sflag:s11] =	ssyncadd.s32 $0xFFFF8000  }
0xab: {  	[hbm4b:s15+s2] =	stream.linear.scatter [tilespmem:s7], [sflag:$0x4], $0x8000, $0x38;
	[tilespmem:$0x18A00] =	vst v63  }
0xac: {  	_ =	swait.ge [sflag:s4], $0x8000  }
0xad: {  	[sflag:s4] =	ssyncset.done $0x0  }
0xae: {  	[sflag:s4] =	ssyncadd.s32 $0xFFFF8000  }
0xaf: {  	[tilespmem:s7], [sflag:$0x3] =	stream.indirect.gather [hbm4b:s3+s8], $0x80, s25, s8, $0xb8;
	[tilespmem:$0x18A00] =	vst v63  }
0xb0: {  	_ = 	snop  }
0xb1: {  	[tilespmem:s13], [sflag:$0x3] =	stream.indirect.gather [hbm4b:s3+s8], $0x80, s26, s8, $0xb8;
	[tilespmem:$0x18A00] =	vst v63  }
0xb2: {  	_ =	swait.ge [sflag:s6], $0x8000  }
0xb3: {  	[sflag:s6] =	ssyncset.done $0x0  }
0xb4: {  	s15 =	rddreg [dreg:$0x7];
	[sflag:s6] =	ssyncadd.s32 $0xFFFF8000  }
0xb5: {  	[hbm4b:s15+s2] =	stream.linear.scatter [tilespmem:s5], [sflag:$0x4], $0x8000, $0x38;
	[tilespmem:$0x18A00] =	vst v63  }
0xb6: {  	_ =	swait.ge [sflag:s4], $0x8000  }
0xb7: {  	[sflag:s4] =	ssyncset.done $0x0  }
0xb8: {  	[sflag:s4] =	ssyncadd.s32 $0xFFFF8000  }
0xb9: {  	[tilespmem:s5], [sflag:$0x1] =	stream.indirect.gather [hbm4b:s3+s8], $0x80, s23, s8, $0xb8;
	[tilespmem:$0x18A00] =	vst v63  }
0xba: {  	_ = 	snop  }
0xbb: {  	[tilespmem:s10], [sflag:$0x1] =	stream.indirect.gather [hbm4b:s3+s8], $0x80, s24, s8, $0xb8;
	[tilespmem:$0x18A00] =	vst v63  }
0xbc: {  	_ =	swait.ge [sflag:s12], $0x8000  }
0xbd: {  	[sflag:s12] =	ssyncset.done $0x0  }
0xbe: {  	s15 =	rddreg [dreg:$0x8];
	[sflag:s12] =	ssyncadd.s32 $0xFFFF8000  }
0xbf: {  	[hbm4b:s15+s2] =	stream.linear.scatter [tilespmem:s9], [sflag:$0x4], $0x8000, $0x38;
	[tilespmem:$0x18A00] =	vst v63  }
0xc0: {  	_ =	swait.ge [sflag:s4], $0x8000  }
0xc1: {  	[sflag:s4] =	ssyncset.done $0x0  }
0xc2: {  	[sflag:s4] =	ssyncadd.s32 $0xFFFF8000  }
0xc3: {  	[tilespmem:s9], [sflag:$0x2] =	stream.indirect.gather [hbm4b:s3+s8], $0x80, s21, s8, $0xb8;
	[tilespmem:$0x18A00] =	vst v63  }
0xc4: {  	_ = 	snop  }
0xc5: {  	[tilespmem:s14], [sflag:$0x2] =	stream.indirect.gather [hbm4b:s3+s8], $0x80, s22, s8, $0xb8;
	[tilespmem:$0x18A00] =	vst v63  }
0xc6: {  	_ =	swait.ge [sflag:s11], $0x8000  }
0xc7: {  	[sflag:s11] =	ssyncset.done $0x0  }
0xc8: {  	s15 =	rddreg [dreg:$0x9];
	[sflag:s11] =	ssyncadd.s32 $0xFFFF8000  }
0xc9: {  	[hbm4b:s15+s2] =	stream.linear.scatter [tilespmem:s7], [sflag:$0x4], $0x8000, $0x38;
	[tilespmem:$0x18A00] =	vst v63  }
0xca: {  	_ =	swait.ge [sflag:s4], $0x8000  }
0xcb: {  	[sflag:s4] =	ssyncset.done $0x0  }
0xcc: {  	[sflag:s4] =	ssyncadd.s32 $0xFFFF8000  }
0xcd: {  	[tilespmem:s7], [sflag:$0x3] =	stream.indirect.gather [hbm4b:s3+s8], $0x80, s19, s8, $0xb8;
	[tilespmem:$0x18A00] =	vst v63  }
0xce: {  	_ = 	snop  }
0xcf: {  	[tilespmem:s13], [sflag:$0x3] =	stream.indirect.gather [hbm4b:s3+s8], $0x80, s20, s8, $0xb8;
	[tilespmem:$0x18A00] =	vst v63  }
0xd0: {  	_ =	swait.ge [sflag:s6], $0x8000  }
0xd1: {  	[sflag:s6] =	ssyncset.done $0x0  }
0xd2: {  	s15 =	rddreg [dreg:$0xa];
	[sflag:s6] =	ssyncadd.s32 $0xFFFF8000  }
0xd3: {  	[hbm4b:s15+s2] =	stream.linear.scatter [tilespmem:s5], [sflag:$0x4], $0x8000, $0x38;
	[tilespmem:$0x18A00] =	vst v63  }
0xd4: {  	_ =	swait.ge [sflag:s4], $0x8000  }
0xd5: {  	[sflag:s4] =	ssyncset.done $0x0  }
0xd6: {  	[sflag:s4] =	ssyncadd.s32 $0xFFFF8000  }
0xd7: {  	[tilespmem:s5], [sflag:$0x1] =	stream.indirect.gather [hbm4b:s3+s8], $0x80, s16, s8, $0xb8;
	[tilespmem:$0x18A00] =	vst v63  }
0xd8: {  	_ = 	snop  }
0xd9: {  	[tilespmem:s10], [sflag:$0x1] =	stream.indirect.gather [hbm4b:s3+s8], $0x80, s18, s8, $0xb8;
	[tilespmem:$0x18A00] =	vst v63  }
0xda: {  	_ =	swait.ge [sflag:s12], $0x8000  }
0xdb: {  	[sflag:s12] =	ssyncset.done $0x0  }
0xdc: {  	s15 =	rddreg [dreg:$0xb];
	[sflag:s12] =	ssyncadd.s32 $0xFFFF8000  }
0xdd: {  	[hbm4b:s15+s2] =	stream.linear.scatter [tilespmem:s9], [sflag:$0x4], $0x8000, $0x38;
	[tilespmem:$0x18A00] =	vst v63  }
0xde: {  	_ =	swait.ge [sflag:s4], $0x8000  }
0xdf: {  	[sflag:s4] =	ssyncset.done $0x0  }
0xe0: {  	[sflag:s4] =	ssyncadd.s32 $0xFFFF8000  }
0xe1: {  	_ =	swait.ge [sflag:s11], $0x8000  }
0xe2: {  	[sflag:s11] =	ssyncset.done $0x0  }
0xe3: {  	s15 =	rddreg [dreg:$0xc];
	[sflag:s11] =	ssyncadd.s32 $0xFFFF8000  }
0xe4: {  	[hbm4b:s15+s2] =	stream.linear.scatter [tilespmem:s7], [sflag:$0x4], $0x8000, $0x38;
	[tilespmem:$0x18A00] =	vst v63  }
0xe5: {  	_ =	swait.ge [sflag:s4], $0x8000  }
0xe6: {  	[sflag:s4] =	ssyncset.done $0x0  }
0xe7: {  	[sflag:s4] =	ssyncadd.s32 $0xFFFF8000  }
0xe8: {  	p1 =	sne.s32 s1, $0x1;
	_ =	swait.ge [sflag:s6], $0x8000  }
.Ltmp2:
0xe9: {  	[sflag:s6] =	ssyncset.done $0x0;
	(pc) =	sbr.rel @p1 .LBB2_4-.Ltmp2, $4  }
0xea: {  	s15 =	rddreg [dreg:$0xd];
	[sflag:s6] =	ssyncadd.s32 $0xFFFF8000  }
0xeb: {  	[hbm4b:s15+s2] =	stream.linear.scatter [tilespmem:s5], [sflag:$0x4], $0x8000, $0x38;
	[tilespmem:$0x18A00] =	vst v63  }
0xec: {  	_ =	swait.ge [sflag:s4], $0x8000  }
0xed: {  	s1 =	sadd.s32 $0xFFFFFFFF, s1;
	s0 =	rddreg [dreg:$0x4];
	[sflag:s4] =	ssyncset.done $0x0  }
0xee: {  	s18 =	simm.s32 $0x280;
	s31 =	simm.s32 $0x380;
	s30 =	simm.s32 $0x300  }
0xef: {  	s29 =	simm.s32 $0x480;
	s28 =	simm.s32 $0x400;
	s26 =	simm.s32 $0x580  }
0xf0: {  	s25 =	simm.s32 $0x500;
	s24 =	simm.s32 $0x680;
	s23 =	simm.s32 $0x600  }
0xf1: {  	s22 =	simm.s32 $0x780;
	s21 =	simm.s32 $0x700;
	s20 =	simm.s32 $0x880  }
0xf2: {  	s19 =	simm.s32 $0x800;
	s16 =	simm.s32 $0x900;
	s15 =	stileid.u32  }
.LBB2_6:
0xf3: {  	[sflag:s4] =	ssyncadd.s32 @p0 $0xFFFF8000  }
0xf4: {  	[tilespmem:s2], [sflag:$0x4] =	stream.linear.gather [hbm4b:s0+s2], $0xA00, $0x38;
	[tilespmem:$0x18A00] =	vst v63  }
0xf5: {  	_ =	swait.ge [sflag:s4], $0xA00  }
0xf6: {  	[sflag:s4] =	ssyncset.done $0x0  }
0xf7: {  	[sflag:s4] =	ssyncadd.s32 $0xFFFFF600  }
0xf8: {  	[tilespmem:s5], [sflag:$0x1] =	stream.indirect.gather [hbm4b:s3+s8], $0x80, s2, s8, $0xb8;
	[tilespmem:$0x18A00] =	vst v63  }
0xf9: {  	_ = 	snop  }
0xfa: {  	[tilespmem:s10], [sflag:$0x1] =	stream.indirect.gather [hbm4b:s3+s8], $0x80, s8, s8, $0xb8;
	[tilespmem:$0x18A00] =	vst v63  }
0xfb: {  	s0 =	rddreg [dreg:$0xe]  }
0xfc: {  	[tilespmem:s9], [sflag:$0x2] =	stream.indirect.gather [hbm4b:s3+s8], $0x80, s0, s8, $0xb8;
	[tilespmem:$0x18A00] =	vst v63  }
0xfd: {  	s1 =	rddreg [dreg:$0xf]  }
0xfe: {  	[tilespmem:s14], [sflag:$0x2] =	stream.indirect.gather [hbm4b:s3+s8], $0x80, s1, s8, $0xb8;
	[tilespmem:$0x18A00] =	vst v63  }
0xff: {  	s0 =	rddreg [dreg:$0x10]  }
0x100: {  	[tilespmem:s7], [sflag:$0x3] =	stream.indirect.gather [hbm4b:s3+s8], $0x80, s0, s8, $0xb8;
	[tilespmem:$0x18A00] =	vst v63  }
0x101: {  	_ = 	snop  }
0x102: {  	[tilespmem:s13], [sflag:$0x3] =	stream.indirect.gather [hbm4b:s3+s8], $0x80, s18, s8, $0xb8;
	[tilespmem:$0x18A00] =	vst v63  }
0x103: {  	_ =	swait.ge [sflag:s6], $0x8000  }
0x104: {  	[sflag:s6] =	ssyncset.done $0x0  }
0x105: {  	[sflag:s6] =	ssyncadd.s32 $0xFFFF8000  }
0x106: {  	[hbm4b:s17+s2] =	stream.linear.scatter [tilespmem:s5], [sflag:$0x4], $0x8000, $0x38;
	[tilespmem:$0x18A00] =	vst v63  }
0x107: {  	_ =	swait.ge [sflag:s4], $0x8000  }
0x108: {  	[sflag:s4] =	ssyncset.done $0x0  }
0x109: {  	[sflag:s4] =	ssyncadd.s32 $0xFFFF8000  }
0x10a: {  	[tilespmem:s5], [sflag:$0x1] =	stream.indirect.gather [hbm4b:s3+s8], $0x80, s30, s8, $0xb8;
	[tilespmem:$0x18A00] =	vst v63  }
0x10b: {  	_ = 	snop  }
0x10c: {  	[tilespmem:s10], [sflag:$0x1] =	stream.indirect.gather [hbm4b:s3+s8], $0x80, s31, s8, $0xb8;
	[tilespmem:$0x18A00] =	vst v63  }
0x10d: {  	_ =	swait.ge [sflag:s12], $0x8000  }
0x10e: {  	[sflag:s12] =	ssyncset.done $0x0  }
0x10f: {  	s1 =	rddreg [dreg:$0x5];
	[sflag:s12] =	ssyncadd.s32 $0xFFFF8000  }
0x110: {  	[hbm4b:s1+s2] =	stream.linear.scatter [tilespmem:s9], [sflag:$0x4], $0x8000, $0x38;
	[tilespmem:$0x18A00] =	vst v63  }
0x111: {  	_ =	swait.ge [sflag:s4], $0x8000  }
0x112: {  	[sflag:s4] =	ssyncset.done $0x0  }
0x113: {  	[sflag:s4] =	ssyncadd.s32 $0xFFFF8000  }
0x114: {  	[tilespmem:s9], [sflag:$0x2] =	stream.indirect.gather [hbm4b:s3+s8], $0x80, s28, s8, $0xb8;
	[tilespmem:$0x18A00] =	vst v63  }
0x115: {  	_ = 	snop  }
0x116: {  	[tilespmem:s14], [sflag:$0x2] =	stream.indirect.gather [hbm4b:s3+s8], $0x80, s29, s8, $0xb8;
	[tilespmem:$0x18A00] =	vst v63  }
0x117: {  	_ =	swait.ge [sflag:s11], $0x8000  }
0x118: {  	[sflag:s11] =	ssyncset.done $0x0  }
0x119: {  	s17 =	rddreg [dreg:$0x6];
	[sflag:s11] =	ssyncadd.s32 $0xFFFF8000  }
0x11a: {  	[hbm4b:s17+s2] =	stream.linear.scatter [tilespmem:s7], [sflag:$0x4], $0x8000, $0x38;
	[tilespmem:$0x18A00] =	vst v63  }
0x11b: {  	_ =	swait.ge [sflag:s4], $0x8000  }
0x11c: {  	[sflag:s4] =	ssyncset.done $0x0  }
0x11d: {  	[sflag:s4] =	ssyncadd.s32 $0xFFFF8000  }
0x11e: {  	[tilespmem:s7], [sflag:$0x3] =	stream.indirect.gather [hbm4b:s3+s8], $0x80, s25, s8, $0xb8;
	[tilespmem:$0x18A00] =	vst v63  }
0x11f: {  	_ = 	snop  }
0x120: {  	[tilespmem:s13], [sflag:$0x3] =	stream.indirect.gather [hbm4b:s3+s8], $0x80, s26, s8, $0xb8;
	[tilespmem:$0x18A00] =	vst v63  }
0x121: {  	_ =	swait.ge [sflag:s6], $0x8000  }
0x122: {  	[sflag:s6] =	ssyncset.done $0x0  }
0x123: {  	s18 =	rddreg [dreg:$0x7];
	[sflag:s6] =	ssyncadd.s32 $0xFFFF8000  }
0x124: {  	[hbm4b:s18+s2] =	stream.linear.scatter [tilespmem:s5], [sflag:$0x4], $0x8000, $0x38;
	[tilespmem:$0x18A00] =	vst v63  }
0x125: {  	_ =	swait.ge [sflag:s4], $0x8000  }
0x126: {  	[sflag:s4] =	ssyncset.done $0x0  }
0x127: {  	[sflag:s4] =	ssyncadd.s32 $0xFFFF8000  }
0x128: {  	[tilespmem:s5], [sflag:$0x1] =	stream.indirect.gather [hbm4b:s3+s8], $0x80, s23, s8, $0xb8;
	[tilespmem:$0x18A00] =	vst v63  }
0x129: {  	_ = 	snop  }
0x12a: {  	[tilespmem:s10], [sflag:$0x1] =	stream.indirect.gather [hbm4b:s3+s8], $0x80, s24, s8, $0xb8;
	[tilespmem:$0x18A00] =	vst v63  }
0x12b: {  	_ =	swait.ge [sflag:s12], $0x8000  }
0x12c: {  	[sflag:s12] =	ssyncset.done $0x0  }
0x12d: {  	s24 =	rddreg [dreg:$0x8];
	[sflag:s12] =	ssyncadd.s32 $0xFFFF8000  }
0x12e: {  	[hbm4b:s24+s2] =	stream.linear.scatter [tilespmem:s9], [sflag:$0x4], $0x8000, $0x38;
	[tilespmem:$0x18A00] =	vst v63  }
0x12f: {  	_ =	swait.ge [sflag:s4], $0x8000  }
0x130: {  	[sflag:s4] =	ssyncset.done $0x0  }
0x131: {  	[sflag:s4] =	ssyncadd.s32 $0xFFFF8000  }
0x132: {  	[tilespmem:s9], [sflag:$0x2] =	stream.indirect.gather [hbm4b:s3+s8], $0x80, s21, s8, $0xb8;
	[tilespmem:$0x18A00] =	vst v63  }
0x133: {  	_ = 	snop  }
0x134: {  	[tilespmem:s14], [sflag:$0x2] =	stream.indirect.gather [hbm4b:s3+s8], $0x80, s22, s8, $0xb8;
	[tilespmem:$0x18A00] =	vst v63  }
0x135: {  	_ =	swait.ge [sflag:s11], $0x8000  }
0x136: {  	[sflag:s11] =	ssyncset.done $0x0  }
0x137: {  	s25 =	rddreg [dreg:$0x9];
	[sflag:s11] =	ssyncadd.s32 $0xFFFF8000  }
0x138: {  	[hbm4b:s25+s2] =	stream.linear.scatter [tilespmem:s7], [sflag:$0x4], $0x8000, $0x38;
	[tilespmem:$0x18A00] =	vst v63  }
0x139: {  	_ =	swait.ge [sflag:s4], $0x8000  }
0x13a: {  	[sflag:s4] =	ssyncset.done $0x0  }
0x13b: {  	[sflag:s4] =	ssyncadd.s32 $0xFFFF8000  }
0x13c: {  	[tilespmem:s7], [sflag:$0x3] =	stream.indirect.gather [hbm4b:s3+s8], $0x80, s19, s8, $0xb8;
	[tilespmem:$0x18A00] =	vst v63  }
0x13d: {  	_ = 	snop  }
0x13e: {  	[tilespmem:s13], [sflag:$0x3] =	stream.indirect.gather [hbm4b:s3+s8], $0x80, s20, s8, $0xb8;
	[tilespmem:$0x18A00] =	vst v63  }
0x13f: {  	_ =	swait.ge [sflag:s6], $0x8000  }
0x140: {  	[sflag:s6] =	ssyncset.done $0x0  }
0x141: {  	s26 =	rddreg [dreg:$0xa];
	[sflag:s6] =	ssyncadd.s32 $0xFFFF8000  }
0x142: {  	[hbm4b:s26+s2] =	stream.linear.scatter [tilespmem:s5], [sflag:$0x4], $0x8000, $0x38;
	[tilespmem:$0x18A00] =	vst v63  }
0x143: {  	_ =	swait.ge [sflag:s4], $0x8000  }
0x144: {  	[sflag:s4] =	ssyncset.done $0x0  }
0x145: {  	[sflag:s4] =	ssyncadd.s32 $0xFFFF8000  }
0x146: {  	[tilespmem:s5], [sflag:$0x1] =	stream.indirect.gather [hbm4b:s3+s8], $0x80, s16, s8, $0xb8;
	[tilespmem:$0x18A00] =	vst v63  }
0x147: {  	s28 =	simm.s32 $0x980  }
0x148: {  	[tilespmem:s10], [sflag:$0x1] =	stream.indirect.gather [hbm4b:s3+s8], $0x80, s28, s8, $0xb8;
	[tilespmem:$0x18A00] =	vst v63  }
0x149: {  	_ =	swait.ge [sflag:s12], $0x8000  }
0x14a: {  	[sflag:s12] =	ssyncset.done $0x0  }
0x14b: {  	s29 =	rddreg [dreg:$0xb];
	[sflag:s12] =	ssyncadd.s32 $0xFFFF8000  }
0x14c: {  	[hbm4b:s29+s2] =	stream.linear.scatter [tilespmem:s9], [sflag:$0x4], $0x8000, $0x38;
	[tilespmem:$0x18A00] =	vst v63  }
0x14d: {  	_ =	swait.ge [sflag:s4], $0x8000  }
0x14e: {  	[sflag:s4] =	ssyncset.done $0x0  }
0x14f: {  	[sflag:s4] =	ssyncadd.s32 $0xFFFF8000  }
0x150: {  	_ =	swait.ge [sflag:s11], $0x8000  }
0x151: {  	[sflag:s11] =	ssyncset.done $0x0  }
0x152: {  	s30 =	rddreg [dreg:$0xc];
	[sflag:s11] =	ssyncadd.s32 $0xFFFF8000  }
0x153: {  	[hbm4b:s30+s2] =	stream.linear.scatter [tilespmem:s7], [sflag:$0x4], $0x8000, $0x38;
	[tilespmem:$0x18A00] =	vst v63  }
0x154: {  	_ =	swait.ge [sflag:s4], $0x8000  }
0x155: {  	[sflag:s4] =	ssyncset.done $0x0  }
0x156: {  	[sflag:s4] =	ssyncadd.s32 $0xFFFF8000  }
0x157: {  	_ =	swait.ge [sflag:s6], $0x8000  }
0x158: {  	[sflag:s6] =	ssyncset.done $0x0  }
0x159: {  	s31 =	rddreg [dreg:$0xd];
	[sflag:s6] =	ssyncadd.s32 $0xFFFF8000  }
0x15a: {  	[hbm4b:s31+s2] =	stream.linear.scatter [tilespmem:s5], [sflag:$0x4], $0x8000, $0x38;
	[tilespmem:$0x18A00] =	vst v63  }
0x15b: {  	_ =	swait.ge [sflag:s4], $0x8000  }
0x15c: {  	[sflag:s4] =	ssyncset.done $0x0  }
0x15d: {  	[sflag:s4] =	ssyncadd.s32 $0xFFFF8000  }
0x15e: {  	_ =	sfence.sel $0x180000  }
0x15f: {  	[bflag:$0x0] =	sbarrier.arrive $0xFFFF  }
0x160: {  	_ =	strace $0x90000053  }
0x161: {  	[bflag:$0x2] =	sbarrier.arrive $0xFFFF  }
0x162: {  	p0 =	sne.s32 s15, $0x0;
	s0 =	rddreg [dreg:$0x3]  }
0x163: {  	s0 =	sadd.s32 @!p0 $0x100000, s0  }
0x164: {  	[sflag:s0] =	ssyncadd.tile.s32 @!p0 $0x1;
	_ =	shalt  }
.LBB2_1:
.Ltmp3:
0x165: {  	s18 =	simm.s32 $0x280;
	s31 =	simm.s32 $0x380;
	(pc) =	sbr.rel .LBB2_6-.Ltmp3, $4  }
0x166: {  	s30 =	simm.s32 $0x300;
	s29 =	simm.s32 $0x480;
	s28 =	simm.s32 $0x400  }
0x167: {  	s26 =	simm.s32 $0x580;
	s25 =	simm.s32 $0x500;
	s24 =	simm.s32 $0x680  }
0x168: {  	s23 =	simm.s32 $0x600;
	s22 =	simm.s32 $0x780;
	s21 =	simm.s32 $0x700  }
0x169: {  	s20 =	simm.s32 $0x880;
	s19 =	simm.s32 $0x800;
	s16 =	simm.s32 $0x900  }
.LBB2_3:
0x16a: {  	s18 =	simm.s32 $0x280  }
.Ltmp4:
0x16b: {  	s31 =	simm.s32 $0x380;
	s30 =	simm.s32 $0x300;
	(pc) =	sbr.rel .LBB2_6-.Ltmp4, $4  }
0x16c: {  	s29 =	simm.s32 $0x480;
	s28 =	simm.s32 $0x400;
	s26 =	simm.s32 $0x580  }
0x16d: {  	s25 =	simm.s32 $0x500;
	s24 =	simm.s32 $0x680;
	s23 =	simm.s32 $0x600  }
0x16e: {  	s22 =	simm.s32 $0x780;
	s21 =	simm.s32 $0x700;
	s20 =	simm.s32 $0x880  }
0x16f: {  	s19 =	simm.s32 $0x800;
	s16 =	simm.s32 $0x900;
	s15 =	stileid.u32  }
.Lfunc_end2:
_tile_overlayer_lowered:
.L_overlay_start_2:
0x170: {  	(tag) =	ssettag $0x2  }
0x171: {  	s0 =	rddreg [dreg:$0x0];
	s2 =	stileid.u32  }
0x172: {  	s1 =	rddreg [dreg:$0x1];
	p0 =	sne.s32 s2, $0x0  }
0x173: {  	s3 =	rddreg [dreg:$0x2];
	[bflag:$0x3] =	sbarrier.arrive $0xFFFF;
	s2 =	simm.s32 @!p0 $0x1C04  }
0x174: {  	[timem:s3], [sflag:s2] =	dma.local @!p0 [hbm:s0], s1  }
0x175: {  	s0 =	simm.s32 @!p0 $0x4  }
0x176: {  	_ =	swait.ge @!p0 [sflag:s0], s1  }
0x177: {  	s1 =	ssub.s32 @!p0 $0x0, s1;
	[sflag:s0] =	ssyncset.done @!p0 $0x0  }
0x178: {  	[sflag:s0] =	ssyncadd.s32 @!p0 s1  }
0x179: {  	[bflag:$0x3] =	sbarrier.arrive $0xFFFF  }
0x17a: {  	_ =	shalt  }

// kernel: kernel.27.cloned.1.call-start
scs
__scs_entry_jumppad:
0x0: {  	(pc) =	sbr.rel $0x88, $3  }
0x1: {  	(tag) =	ssettag $0x0;
	lr =	simm.s32 $0x1  }
0x2: {  	[smem:$0x3F87] =	sst lr;
	_ =	strace $0xD0000000  }
0x3: {  	_ = 	snop  }
0x4: {  	_ = 	snop  }
0x5: {  	_ = 	snop  }
0x6: {  	_ = 	snop  }
0x7: {  	_ = 	snop  }
__scs_overlays_trampoline_lowered:
0x8: {  	[smem:$0x3F96] =	sst s0  }
0x9: {  	[smem:$0x3F97] =	sst s1  }
0xa: {  	[smem:$0x3F98] =	sst s2  }
0xb: {  	[smem:$0x3F99] =	sst s3  }
0xc: {  	[smem:$0x3F9A] =	sst s4  }
0xd: {  	[smem:$0x3F9B] =	sst s5  }
0xe: {  	[smem:$0x3F9C] =	sst s6  }
0xf: {  	[smem:$0x3F9D] =	sst s7  }
0x10: {  	[smem:$0x3F9E] =	sst s8  }
0x11: {  	[smem:$0x3F9F] =	sst s9;
	s0 =	simm.s32 @!p0 $0x0  }
0x12: {  	s1 =	sld [smem:$0x3F85];
	s0 =	simm.s32 @p0 $0x1  }
0x13: {  	[smem:$0x3FA0] =	sst s0;
	s0 =	simm.s32 @!p1 $0x0  }
0x14: {  	s2 =	sld [smem:$0x3F84];
	s0 =	simm.s32 @p1 $0x1  }
0x15: {  	[smem:$0x3FA1] =	sst s0;
	s0 =	simm.s32 @!p2 $0x0  }
0x16: {  	s3 =	sld [smem:$0x3FDB];
	s0 =	simm.s32 @p2 $0x1  }
0x17: {  	s4 =	simm.s32 $0x1BF5;
	[smem:$0x3FA3] =	sst s0  }
0x18: {  	s0 =	sld [smem:$0x3F86];
	_ =	swait.ge [sflag:s4], $0x0  }
0x19: {  	s7 =	sld [smem:$0x3F87]  }
0x1a: {  	s8 =	sadd.s32 $0xFFFFE003, lr  }
0x1b: {  	s9 =	sadd.s32 $0xFFFFFEF7, lr;
	s5 =	simm.s32 $0xFFFFFFFF;
	p2 =	slt.u32 s8, $0xFFFFF086  }
0x1c: {  	p1 =	slt.u32 s9, $0xF7A;
	s5 =	simm.s32 @!p2 $0x0  }
0x1d: {  	s5 =	simm.s32 @p1 $0x1;
	p0 =	seq.s32 s7, s2  }
0x1e: {  	s7 =	smul.u32 @!p0 $0xF7A, s2;
	p2 =	seq.s32 @!p0 s5, $0x0  }
0x1f: {  	s9 =	smul.u32 $0xF7A, s1;
	s8 =	simm.s32 @!p0 $0x1BF5;
	p2 =	por !p2, p0  }
0x20: {  	[sflag:s8] =	ssyncset.s32 @!p0 $0xFFFFF086;
	s6 =	sadd.s32 @!p0 s3, s7;
	s7 =	simm.s32 @!p0 $0x108  }
0x21: {  	s3 =	sadd.s32 s3, s9;
	s6 =	sadd.s32 @!p0 $0x88, s6;
	s7 =	simm.s32 @p2 $0x1082  }
0x22: {  	[simem:s7], [sflag:s8] =	dma.local @!p0 [hbm:s6], $0xF7A  }
0x23: {  	s9 =	sor.u32 $0xD0000000, s2;
	s6 =	simm.s32 $0x108;
	_ =	swait.ge @!p0 [sflag:s8], $0x0  }
0x24: {  	s3 =	sadd.s32 $0x88, s3;
	s6 =	simm.s32 @!p1 $0x1082;
	[sflag:s4] =	ssyncset.s32 $0xFFFFF086  }
0x25: {  	[simem:s6], [sflag:s4] =	dma.local [hbm:s3], $0xF7A  }
0x26: {  	[smem:$0x3F87] =	sst s1;
	(tag) =	ssettag s2;
	_ =	strace s9  }
0x27: {  	s1 =	sld [smem:$0x3F97]  }
0x28: {  	s2 =	sld [smem:$0x3F98]  }
0x29: {  	s4 =	sld [smem:$0x3F9A]  }
0x2a: {  	p0 =	seq.s32 s5, $0x0;
	s5 =	sld [smem:$0x3F9B]  }
0x2b: {  	s6 =	sld [smem:$0x3F9C]  }
0x2c: {  	s7 =	sld [smem:$0x3F9D]  }
0x2d: {  	s3 =	simm.s32 $0x108;
	s8 =	sld [smem:$0x3F9E]  }
0x2e: {  	s3 =	simm.s32 @!p0 $0x1082;
	s9 =	sld [smem:$0x3F9F]  }
0x2f: {  	lr =	sadd.s32 s0, s3;
	s0 =	sld [smem:$0x3F96]  }
0x30: {  	s3 =	sld [smem:$0x3F99]  }
0x31: {  	[smem:$0x3FA2] =	sst s10  }
0x32: {  	s10 =	sld [smem:$0x3FA0];
	_ =	sdelay $0x3  }
0x33: {  	p0 =	seq.s32 s10, $0x1;
	s10 =	sld [smem:$0x3FA2];
	_ =	sdelay $0x3  }
0x34: {  	[smem:$0x3FA2] =	sst s10  }
0x35: {  	s10 =	sld [smem:$0x3FA1];
	_ =	sdelay $0x3  }
0x36: {  	p1 =	seq.s32 s10, $0x1;
	s10 =	sld [smem:$0x3FA2];
	_ =	sdelay $0x3  }
0x37: {  	[smem:$0x3FA2] =	sst s10  }
0x38: {  	s10 =	sld [smem:$0x3FA3]  }
0x39: {  	_ = 	snop;
	(pc) =	sbr.ind lr, $3  }
0x3a: {  	_ = 	snop  }
0x3b: {  	_ = 	snop  }
0x3c: {  	p2 =	seq.s32 s10, $0x1;
	s10 =	sld [smem:$0x3FA2]  }
0x3d: {  	_ =	shalt  }
0x3e: {  	_ =	shalt  }
0x3f: {  	_ =	shalt  }
0x40: {  	_ =	shalt  }
0x41: {  	_ =	shalt  }
0x42: {  	_ =	shalt  }
0x43: {  	_ =	shalt  }
0x44: {  	_ =	shalt  }
0x45: {  	_ =	shalt  }
0x46: {  	_ =	shalt  }
0x47: {  	_ =	shalt  }
0x48: {  	_ =	shalt  }
0x49: {  	_ =	shalt  }
0x4a: {  	_ =	shalt  }
0x4b: {  	_ =	shalt  }
0x4c: {  	_ =	shalt  }
0x4d: {  	_ =	shalt  }
0x4e: {  	_ =	shalt  }
0x4f: {  	_ =	shalt  }
0x50: {  	_ =	shalt  }
0x51: {  	_ =	shalt  }
0x52: {  	_ =	shalt  }
0x53: {  	_ =	shalt  }
0x54: {  	_ =	shalt  }
0x55: {  	_ =	shalt  }
0x56: {  	_ =	shalt  }
0x57: {  	_ =	shalt  }
0x58: {  	_ =	shalt  }
0x59: {  	_ =	shalt  }
0x5a: {  	_ =	shalt  }
0x5b: {  	_ =	shalt  }
0x5c: {  	_ =	shalt  }
0x5d: {  	_ =	shalt  }
0x5e: {  	_ =	shalt  }
0x5f: {  	_ =	shalt  }
0x60: {  	_ =	shalt  }
0x61: {  	_ =	shalt  }
0x62: {  	_ =	shalt  }
0x63: {  	_ =	shalt  }
0x64: {  	_ =	shalt  }
0x65: {  	_ =	shalt  }
0x66: {  	_ =	shalt  }
0x67: {  	_ =	shalt  }
0x68: {  	_ =	shalt  }
0x69: {  	_ =	shalt  }
0x6a: {  	_ =	shalt  }
0x6b: {  	_ =	shalt  }
0x6c: {  	_ =	shalt  }
0x6d: {  	_ =	shalt  }
0x6e: {  	_ =	shalt  }
0x6f: {  	_ =	shalt  }
0x70: {  	_ =	shalt  }
0x71: {  	_ =	shalt  }
0x72: {  	_ =	shalt  }
0x73: {  	_ =	shalt  }
0x74: {  	_ =	shalt  }
0x75: {  	_ =	shalt  }
0x76: {  	_ =	shalt  }
0x77: {  	_ =	shalt  }
0x78: {  	_ =	shalt  }
0x79: {  	_ =	shalt  }
0x7a: {  	_ =	shalt  }
0x7b: {  	_ =	shalt  }
0x7c: {  	_ =	shalt  }
0x7d: {  	_ =	shalt  }
0x7e: {  	_ =	shalt  }
0x7f: {  	_ =	shalt  }
0x80: {  	_ =	shalt  }
0x81: {  	_ =	shalt  }
0x82: {  	_ =	shalt  }
0x83: {  	_ =	shalt  }
0x84: {  	_ =	shalt  }
0x85: {  	_ =	shalt  }
0x86: {  	_ =	shalt  }
0x87: {  	_ =	shalt  }
.Lfunc_end0:
.L_simem_size_0:
called_computation.5_lowered:
.L_overlay_start_0:
0x88: {  	s2 =	sld [smem:$0x3FD9]  }
0x89: {  	s3 =	sld [smem:$0x3FFE];
	_ =	sdelay $0x1  }
0x8a: {  	s1 =	srdreg.scid  }
0x8b: {  	s0 =	sand.u32 $0x1, s1  }
0x8c: {  	s17 =	sshll.u32 s0, $0xA;
	s2 =	sadd.s32 s3, s2  }
0x8d: {  	s2 =	sadd.s32 s2, s17  }
0x8e: {  	[smem:$0x3FAE] =	sst s2  }
0x8f: {  	_ = 	snop  }
0x90: {  	(tm) =	ssettm $0x1  }
0x91: {  	s18 =	sld [smem:$0x3FFB];
	_ =	sdelay $0x3  }
0x92: {  	_ =	strace s18  }
0x93: {  	s2 =	sld [smem:$0x3FFC];
	_ =	sdelay $0x3  }
0x94: {  	_ =	strace s2  }
0x95: {  	s2 =	sld [smem:$0x3FFD];
	_ =	sdelay $0x3  }
0x96: {  	_ =	strace s2  }
0x97: {  	_ =	strace $0x8FFFFFFF  }
0x98: {  	s19 =	sld [smem:$0x3FDB];
	_ =	sdelay $0x1  }
0x99: {  	s20 =	simm.s32 $_scs_section_size  }
0x9a: {  	s4 =	simm.s32 $_size__tile_overlayer_lowered;
	s5 =	simm.s32 $_tile_overlayer_lowered  }
0x9b: {  	s6 =	simm.s32 $0x1BFF;
	s21 =	sshll.u32 s5, $0x1;
	s3 =	sadd.s32 s20, s19  }
0x9c: {  	s22 =	simm.s32 $0x0;
	s4 =	sshll.u32 s4, $0x1;
	s5 =	sadd.s32 s21, s3  }
0x9d: {  	[timem:s22], [sflag:s6] =	dma.local [hbm:s5], s4  }
0x9e: {  	_ =	swait.ge [sflag:s6], s4  }
0x9f: {  	s4 =	ssub.s32 $0x0, s4;
	[sflag:s6] =	ssyncset.done $0x0  }
0xa0: {  	[sflag:s6] =	ssyncadd.s32 s4;
	_ =	sdelay $0x1  }
0xa1: {  	s23 =	simm.s32 $0x1B8B  }
0xa2: {  	_ =	swait.ge [sflag:s23], $0x1  }
0xa3: {  	[sflag:s23] =	ssyncset.done $0x0  }
0xa4: {  	[sflag:s23] =	ssyncadd.s32 $0xFFFFFFFF  }
0xa5: {  	s4 =	sld [smem:$0x0]  }
0xa6: {  	s5 =	sand.u32 $0xFFFFFFFE, s1  }
0xa7: {  	p0 =	sne.s32 s1, s5  }
0xa8: {  	s5 =	sshll.u32 @p0 s5, $0xE  }
0xa9: {  	s5 =	sadd.s32 @p0 $0x11B8D, s5;
	s6 =	sshll.u32 @p0 s4, $0x11  }
0xaa: {  	s5 =	sor.u32 @p0 s6, s5  }
0xab: {  	[sflag:s5] =	ssyncadd.remote.s32 @p0 $0x1;
	_ =	sdelay $0x1  }
0xac: {  	s5 =	simm.s32 @p0 $0x1B8D  }
0xad: {  	_ =	swait.eq @p0 [sflag:s5], $0x1  }
0xae: {  	[sflag:s5] =	ssyncadd.s32 @p0 $0xFFFFFFFF  }
0xaf: {  	s6 =	sshll.u32 @!p0 s1, $0xE  }
0xb0: {  	s6 =	sor.u32 @!p0 $0x4000, s6;
	s5 =	simm.s32 @!p0 $0x1B8D  }
0xb1: {  	s4 =	sshll.u32 @!p0 s4, $0x11;
	s6 =	sadd.s32 @!p0 $0x11B8D, s6;
	_ =	swait.eq @!p0 [sflag:s5], $0x1  }
0xb2: {  	s4 =	sor.u32 @!p0 s4, s6;
	[sflag:s5] =	ssyncadd.s32 @!p0 $0xFFFFFFFF  }
0xb3: {  	s25 =	simm.s32 $0x1B8E;
	s24 =	sld [smem:$0x3FFE];
	[sflag:s4] =	ssyncadd.remote.s32 @!p0 $0x1  }
0xb4: {  	s26 =	simm.s32 $execute0_lowered;
	[smem:$0x3FD2] =	sst s25  }
0xb5: {  	s5 =	sshll.u32 s26, $0x1;
	_ =	strace $0x80000055;
	[dreg:$0x1] =	wrdreg $0xFFFFFFFF  }
0xb6: {  	s28 =	simm.s32 $_size_execute0_lowered;
	s3 =	sadd.s32 s3, s5;
	[dreg:$0x0] =	wrdreg $0x0  }
0xb7: {  	s5 =	sshll.u32 s28, $0x1;
	[dreg:$0x2] =	wrdreg s3  }
0xb8: {  	[dreg:$0x3] =	wrdreg s5  }
0xb9: {  	[dreg:$0x4] =	wrdreg $0xC0  }
0xba: {  	_ =	task [dreg:s22], $0x5FFFF  }
0xbb: {  	[dreg:$0x1] =	wrdreg $0xFFFFFFFF  }
0xbc: {  	[dreg:$0x0] =	wrdreg $0x60  }
0xbd: {  	[dreg:$0x2] =	wrdreg s24  }
0xbe: {  	[dreg:$0x3] =	wrdreg $0x9  }
0xbf: {  	_ =	task.clear_ibuf [dreg:s22], $0x4FFFF;
	_ =	strace $0x90000055  }
0xc0: {  	s29 =	simm.s32 $0x9;
	_ =	strace $0x80000057  }
0xc1: {  	_ =	swait.ge [sflag:s29], $0x1  }
0xc2: {  	[sflag:s29] =	ssyncadd.s32 $0xFFFFFFFF  }
0xc3: {  	_ =	strace $0x90000057  }
0xc4: {  	_ =	sfence  }
0xc5: {  	s30 =	sld [smem:$0x0];
	_ =	sdelay $0x2  }
0xc6: {  	s31 =	sshll.u32 s1, $0xD;
	s1 =	sshrl.u32 s1, $0x2  }
0xc7: {  	s4 =	sand.u32 $0x4000, s31;
	s1 =	sadd.s32 s1, s30  }
0xc8: {  	s0 =	sor.u32 s4, s0;
	s1 =	sshll.u32 s1, $0x11  }
0xc9: {  	s0 =	sor.u32 s1, s0  }
0xca: {  	s0 =	sadd.s32 $0x8F2B, s0  }
0xcb: {  	[sflag:s0] =	ssyncadd.remote.s32 $0x1  }
0xcc: {  	_ =	sfence.sel $0xFFFF  }
0xcd: {  	[dreg:$0x0] =	wrdreg $0xFFFFFFFF;
	(pc) =	sbr.abs _section_cstart, $3  }
0xce: {  	[dreg:$0x1] =	wrdreg $0xFFFFFFFF  }
0xcf: {  	_ =	task.clear_ibuf [dreg:s22], $0x2FFFF;
	_ =	strace $0x9FFFFFFF  }
0xd0: {  	(tm) =	ssettm $0x7FFFFFFF  }
0xd1: {  	_ =	shalt  }
tec
execute0_lowered:
.L_overlay_start_1:
0x0: {  	(tag) =	ssettag $0x1  }
0x1: {  	s4 =	rddreg [dreg:$0x0]  }
0x2: {  	s0 =	rddreg [dreg:$0x1];
	s3 =	srdreg.scid  }
0x3: {  	s1 =	stileid.u32;
	s2 =	simm.s32 $0x0;
	s10 =	simm.s32 $0x6800  }
0x4: {  	s11 =	simm.s32 $0x100;
	s12 =	simm.s32 $0xA800;
	s13 =	simm.s32 $0x180  }
0x5: {  	s14 =	simm.s32 $0xE800;
	s15 =	simm.s32 $0x0;
	s3 =	sand.u32 $0x1, s3  }
0x6: {  	s5 =	smul.u32 $0x280000, s1;
	[smem:$0x7FF] =	sst s2;
	s6 =	sshll.u32 s1, $0x1  }
0x7: {  	s7 =	smul.u32 $0x140000, s3;
	s6 =	sor.u32 s3, s6;
	s30 =	ssub.s32 $0x2, s3  }
0x8: {  	_ =	strace $0x80000056;
	s6 =	smul.u32 $0x500, s6;
	s8 =	sshrl.u32 s30, $0x1  }
0x9: {  	s3 =	sadd.s32 $0x1ACC00, s4;
	s5 =	sadd.s32 s7, s5;
	s31 =	ssub.s32 s30, s8  }
0xa: {  	s7 =	simm.s32 $0x4;
	s5 =	sshrl.u32 s5, $0x3;
	s6 =	sadd.s32 s6, s4  }
0xb: {  	s8 =	simm.s32 $0x80;
	s9 =	sadd.s32 s5, s4;
	s4 =	sadd.s32 $0x8C0A00, s6  }
0xc: {  	s5 =	smax.u32 s31, $0x1;
	s6 =	sadd.s32 $0x8CAA00, s9;
	s9 =	simm.s32 $0x2800  }
.LBB2_1:
0xd: {  	[tilespmem:s2], [sflag:$0x4] =	stream.linear.gather [hbm4b:s4+s2], $0x2800, $0x38;
	[tilespmem:$0x1A800] =	vst v63  }
0xe: {  	s16 =	simm.s32 $0x2;
	p0 =	por $0x0, $0x0  }
0xf: {  	_ =	swait.ge [sflag:s7], $0x2800;
	s16 =	smul.u32 @!p0 $0xAB, s16  }
0x10: {  	s17 =	simm.s32 $0x0;
	[sflag:s7] =	ssyncset.done $0x0  }
0x11: {  	s17 =	smul.u32 $0xAB, s17;
	[sflag:s7] =	ssyncadd.s32 $0xFFFFD800;
	s16 =	sshrl.u32 @!p0 s16, $0x9  }
0x12: {  	[tilespmem:s9], [sflag:$0x1] =	stream.indirect.gather [hbm4b:s3+s8], $0x80, s2, s8, $0xb8;
	[tilespmem:$0x1A800] =	vst v63  }
0x13: {  	s17 =	sshrl.u32 s17, $0x9;
	s16 =	sand.u32 @!p0 $0x7F, s16  }
0x14: {  	s17 =	sand.u32 $0x7F, s17;
	s16 =	smul.u32 @!p0 $0x3, s16  }
0x15: {  	[tilespmem:s10], [sflag:$0x1] =	stream.indirect.gather [hbm4b:s3+s8], $0x80, s8, s8, $0xb8;
	[tilespmem:$0x1A800] =	vst v63  }
0x16: {  	s19 =	simm.s32 @!p0 $0x80;
	s17 =	smul.u32 $0x3, s17;
	s18 =	ssub.s32 @!p0 $0x2, s16  }
0x17: {  	[tilespmem:s12], [sflag:$0x2] =	stream.indirect.gather [hbm4b:s3+s8], $0x80, s11, s8, $0xb8;
	[tilespmem:$0x1A800] =	vst v63  }
0x18: {  	s16 =	simm.s32 $0x200;
	s17 =	ssub.s32 $0x0, s17;
	s18 =	sand.u32 @!p0 $0xFF, s18  }
0x19: {  	s17 =	sand.u32 $0xFF, s17;
	s20 =	sshll.u32 @!p0 s18, $0xF;
	s18 =	sadd.s32 @!p0 $0x1, s18  }
0x1a: {  	[tilespmem:s14], [sflag:$0x2] =	stream.indirect.gather [hbm4b:s3+s8], $0x80, s13, s8, $0xb8;
	[tilespmem:$0x1A800] =	vst v63  }
0x1b: {  	s22 =	sadd.s32 $0x1, s17;
	s17 =	sshll.u32 s17, $0xF;
	s21 =	sor.u32 @!p0 $0x2800, s20  }
0x1c: {  	[tilespmem:s21], [sflag:s18] =	stream.indirect.gather @!p0 [hbm4b:s3+s19], $0x80, s16, s19, $0xb8;
	[tilespmem:$0x1A800] =	vst v63  }
0x1d: {  	s20 =	sor.u32 @!p0 $0x6800, s20;
	s23 =	sor.u32 $0x2800, s17;
	s21 =	simm.s32 @!p0 $0x280  }
0x1e: {  	[tilespmem:s20], [sflag:s18] =	stream.indirect.gather @!p0 [hbm4b:s3+s19], $0x80, s21, s19, $0xb8;
	[tilespmem:$0x1A800] =	vst v63  }
0x1f: {  	s17 =	sadd.s32 $0x1000, s6;
	s20 =	simm.s32 $0x3;
	p0 =	por $0x0, $0x0  }
0x20: {  	s18 =	simm.s32 $0x1;
	_ =	swait.ge [sflag:s22], $0x8000;
	s24 =	smul.u32 @!p0 $0xAB, s20  }
0x21: {  	s19 =	simm.s32 $0x4;
	s21 =	smul.u32 $0xAB, s18;
	[sflag:s22] =	ssyncset.done $0x0  }
0x22: {  	[sflag:s22] =	ssyncadd.s32 $0xFFFF8000;
	s24 =	sshrl.u32 @!p0 s24, $0x9;
	s22 =	smov.u32 s6  }
.LBB2_2:
0x23: {  	s24 =	sand.u32 @!p0 $0x7F, s24  }
0x24: {  	s16 =	sadd.s32 $0x100, s16;
	s25 =	smov.u32 s19;
	s19 =	sadd.s32 $0x1, s19  }
0x25: {  	s26 =	simm.s32 @!p0 $0x80;
	p1 =	sne.s32 s19, $0x2A;
	s24 =	smul.u32 @!p0 $0x3, s24  }
0x26: {  	[hbm4b:s22+s2] =	stream.linear.scatter [tilespmem:s23], [sflag:$0x4], $0x8000, $0x38;
	[tilespmem:$0x1A800] =	vst v63  }
0x27: {  	s21 =	sshrl.u32 s21, $0x9;
	s20 =	ssub.s32 @!p0 s20, s24;
	_ =	swait.ge [sflag:s7], $0x8000  }
0x28: {  	s21 =	sand.u32 $0x7F, s21;
	s20 =	sand.u32 @!p0 $0xFF, s20;
	[sflag:s7] =	ssyncset.done $0x0  }
0x29: {  	s22 =	sshll.u32 @!p0 s20, $0xF;
	s23 =	sadd.s32 @!p0 $0x1, s20;
	[sflag:s7] =	ssyncadd.s32 $0xFFFF8000  }
0x2a: {  	s20 =	smul.u32 $0x3, s21;
	s21 =	sor.u32 @!p0 $0x2800, s22;
	s22 =	sor.u32 @!p0 $0x6800, s22  }
0x2b: {  	[tilespmem:s21], [sflag:s23] =	stream.indirect.gather @!p0 [hbm4b:s3+s26], $0x80, s16, s26, $0xb8;
	[tilespmem:$0x1A800] =	vst v63  }
0x2c: {  	s18 =	ssub.s32 s18, s20;
	s21 =	sadd.s32 @!p0 $0x80, s16;
	s20 =	smov.u32 s25  }
0x2d: {  	[tilespmem:s22], [sflag:s23] =	stream.indirect.gather @!p0 [hbm4b:s3+s26], $0x80, s21, s26, $0xb8;
	[tilespmem:$0x1A800] =	vst v63  }
0x2e: {  	s21 =	sand.u32 $0xFF, s18;
	s22 =	smov.u32 s17;
	s18 =	sadd.s32 $0xFFFFFFFE, s20  }
.Ltmp0:
0x2f: {  	s24 =	sadd.s32 $0x1, s21;
	s23 =	sshll.u32 s21, $0xF;
	(pc) =	sbr.rel @p1 .LBB2_2-.Ltmp0, $4  }
0x30: {  	s21 =	smul.u32 $0xAB, s18;
	p0 =	sgt.u32 s18, $0x25;
	_ =	swait.ge [sflag:s24], $0x8000  }
0x31: {  	s25 =	smul.u32 @!p0 $0xAB, s20;
	s23 =	sor.u32 $0x2800, s23;
	[sflag:s24] =	ssyncset.done $0x0  }
0x32: {  	[sflag:s24] =	ssyncadd.s32 $0xFFFF8000  }
0x33: {  	s17 =	sadd.s32 $0x1000, s17;
	s24 =	sshrl.u32 @!p0 s25, $0x9  }
0x34: {  	s19 =	sand.u32 @!p0 $0x7F, s24  }
0x35: {  	[hbm4b:s22+s2] =	stream.linear.scatter [tilespmem:s23], [sflag:$0x4], $0x8000, $0x38;
	[tilespmem:$0x1A800] =	vst v63  }
0x36: {  	s21 =	sshrl.u32 s21, $0x9;
	s19 =	smul.u32 @!p0 $0x3, s19  }
0x37: {  	s16 =	sadd.s32 $0x100, s16;
	s30 =	sand.u32 $0x7F, s21  }
0x38: {  	_ =	swait.ge [sflag:s7], $0x8000;
	s19 =	ssub.s32 @!p0 s20, s19;
	s20 =	smul.u32 $0x3, s30  }
0x39: {  	s22 =	simm.s32 @!p0 $0x80;
	[sflag:s7] =	ssyncset.done $0x0;
	s19 =	sand.u32 @!p0 $0xFF, s19  }
0x3a: {  	[sflag:s7] =	ssyncadd.s32 $0xFFFF8000;
	s21 =	sshll.u32 @!p0 s19, $0xF;
	s18 =	ssub.s32 s18, s20  }
0x3b: {  	s19 =	sadd.s32 @!p0 $0x1, s19;
	s23 =	sor.u32 @!p0 $0x2800, s21;
	s31 =	sand.u32 $0xFF, s18  }
0x3c: {  	[tilespmem:s23], [sflag:s19] =	stream.indirect.gather @!p0 [hbm4b:s3+s22], $0x80, s16, s22, $0xb8;
	[tilespmem:$0x1A800] =	vst v63  }
0x3d: {  	s21 =	sor.u32 @!p0 $0x6800, s21;
	s16 =	sadd.s32 @!p0 $0x80, s16;
	s18 =	sadd.s32 $0x1, s31  }
0x3e: {  	[tilespmem:s21], [sflag:s19] =	stream.indirect.gather @!p0 [hbm4b:s3+s22], $0x80, s16, s22, $0xb8;
	[tilespmem:$0x1A800] =	vst v63  }
0x3f: {  	s15 =	sadd.s32 $0x1, s15;
	_ =	swait.ge [sflag:s18], $0x8000  }
0x40: {  	s16 =	sshll.u32 s31, $0xF;
	p0 =	sne.s32 s15, s5;
	[sflag:s18] =	ssyncset.done $0x0  }
.Ltmp1:
0x41: {  	s16 =	sor.u32 $0x2800, s16;
	[sflag:s18] =	ssyncadd.s32 $0xFFFF8000;
	(pc) =	sbr.rel @p0 .LBB2_1-.Ltmp1, $4  }
0x42: {  	[hbm4b:s17+s2] =	stream.linear.scatter [tilespmem:s16], [sflag:$0x4], $0x8000, $0x38;
	[tilespmem:$0x1A800] =	vst v63  }
0x43: {  	_ =	swait.ge [sflag:s7], $0x8000  }
0x44: {  	[sflag:s7] =	ssyncset.done $0x0  }
0x45: {  	[sflag:s7] =	ssyncadd.s32 $0xFFFF8000  }
0x46: {  	_ =	sfence.sel $0x180000  }
0x47: {  	[bflag:$0x0] =	sbarrier.arrive $0xFFFF  }
0x48: {  	p0 =	sne.s32 s1, $0x0;
	_ =	strace $0x90000056  }
0x49: {  	s0 =	sadd.s32 @!p0 $0x100000, s0;
	[bflag:$0x2] =	sbarrier.arrive $0xFFFF  }
0x4a: {  	[sflag:s0] =	ssyncadd.tile.s32 @!p0 $0x1;
	_ =	shalt  }
.Lfunc_end2:
_tile_overlayer_lowered:
.L_overlay_start_2:
0x4b: {  	(tag) =	ssettag $0x2  }
0x4c: {  	s0 =	rddreg [dreg:$0x0];
	s2 =	stileid.u32  }
0x4d: {  	s1 =	rddreg [dreg:$0x1];
	p0 =	sne.s32 s2, $0x0  }
0x4e: {  	s3 =	rddreg [dreg:$0x2];
	[bflag:$0x3] =	sbarrier.arrive $0xFFFF;
	s2 =	simm.s32 @!p0 $0x1C04  }
0x4f: {  	[timem:s3], [sflag:s2] =	dma.local @!p0 [hbm:s0], s1  }
0x50: {  	s0 =	simm.s32 @!p0 $0x4  }
0x51: {  	_ =	swait.ge @!p0 [sflag:s0], s1  }
0x52: {  	s1 =	ssub.s32 @!p0 $0x0, s1;
	[sflag:s0] =	ssyncset.done @!p0 $0x0  }
0x53: {  	[sflag:s0] =	ssyncadd.s32 @!p0 s1  }
0x54: {  	[bflag:$0x3] =	sbarrier.arrive $0xFFFF  }
0x55: {  	_ =	shalt  }

</sc_bundles>
